<compile_context>
chip_gen: v7x
topology: tpu7x:2x2x1
jax: 0.10.2.dev20260603
libtpu: 0.0.44.dev20260713+nightly
codegen_flags: <defaults>
</compile_context>

<pallas_src>
import functools

import jax
import jax.numpy as jnp
from jax import lax
from jax.experimental import pallas as pl
from jax.experimental.pallas import tpu as pltpu
from jax.experimental.pallas import tpu_sc as plsc

N = 10000
E = 320000
H = 128
G = 64
K = 8
D0 = 16

NC, NS = 2, 16
NW = NC * NS
EPW = E // NW
CA = 80
NCH = EPW // CA
NP = 10240
RPT = NP // NS

R = 2000
NBLK = N // R


@functools.cache
def _sc_deg():
  mesh = plsc.VectorSubcoreMesh(
      core_axis_name="c", subcore_axis_name="s", num_cores=NC, num_subcores=NS)
  scratch = [
      pltpu.VMEM((NP,), jnp.float32),
      pltpu.VMEM((EPW,), jnp.int32),
  ]

  def body(dstr, out, hist, didx):
    c = lax.axis_index("c")
    s = lax.axis_index("s")
    wid = c * NS + s

    pltpu.sync_copy(dstr.at[pl.ds(wid * EPW, EPW)], didx)

    zero = jnp.zeros((16,), jnp.float32)

    def zrow(i, _):
      hist[pl.ds(i * 16, 16)] = zero
      return 0

    lax.fori_loop(0, NP // 16, zrow, 0)

    ones16 = jnp.ones((16,), jnp.float32)

    def edges(i, _):
      d = didx[pl.ds(i * 16, 16)]
      plsc.addupdate_scatter(hist, [d], ones16)
      return 0

    lax.fori_loop(0, EPW // 16, edges, 0)

    pltpu.sync_copy(hist, out.at[pl.ds(wid * NP, NP)])

  return pl.kernel(
      body,
      out_type=jax.ShapeDtypeStruct((NW * NP,), jnp.float32),
      mesh=mesh,
      scratch_types=scratch,
      compiler_params=pltpu.CompilerParams(needs_layout_passes=False),
  )


@functools.cache
def _sc_agg(D):
  mesh = plsc.VectorSubcoreMesh(
      core_axis_name="c", subcore_axis_name="s", num_cores=NC, num_subcores=NS)
  scratch = [
      pltpu.VMEM_SHARED((NP, D), jnp.float32),
      pltpu.VMEM((EPW,), jnp.int32),
      pltpu.VMEM((CA,), jnp.int32),
      pltpu.VMEM((CA,), jnp.int32),
      pltpu.VMEM((CA,), jnp.int32),
      pltpu.VMEM((CA, D), jnp.float32),
      pltpu.VMEM((CA, D), jnp.float32),
      pltpu.VMEM((CA, D), jnp.float32),
      pltpu.SemaphoreType.DMA,
      pltpu.SemaphoreType.DMA,
      pltpu.SemaphoreType.DMA,
      pltpu.SemaphoreType.DMA,
      pltpu.SemaphoreType.DMA,
      pltpu.SemaphoreType.DMA,
  ]

  def body(*refs):
    (xt, srcr, dstr, out, acc, sidx, di0, di1, di2, ro0, ro1, ro2,
     sl0, sl1, sl2, ss0, ss1, ss2) = refs
    di = (di0, di1, di2)
    ro = (ro0, ro1, ro2)
    sl = (sl0, sl1, sl2)
    ss = (ss0, ss1, ss2)
    c = lax.axis_index("c")
    s = lax.axis_index("s")
    wid = c * NS + s

    zero = jnp.zeros((16,), jnp.float32)

    def zrow(r, _):
      for k in range(D // 16):
        ro2[r, pl.ds(k * 16, 16)] = zero
      return 0

    lax.fori_loop(0, CA, zrow, 0)

    pltpu.sync_copy(srcr.at[pl.ds(wid * EPW, EPW)], sidx)

    def load(chunk, u):
      base = wid * EPW + chunk * CA
      pltpu.async_copy(dstr.at[pl.ds(base, CA)], di[u], sl[u])
      pltpu.async_copy(xt.at[sidx.at[pl.ds(chunk * CA, CA)]], ro[u], sl[u])

    def lwait(chunk, u):
      base = wid * EPW + chunk * CA
      pltpu.make_async_copy(dstr.at[pl.ds(base, CA)], di[u], sl[u]).wait()
      pltpu.make_async_copy(
          xt.at[sidx.at[pl.ds(chunk * CA, CA)]], ro[u], sl[u]).wait()

    def sdrain(u):
      pltpu.make_async_copy(xt.at[pl.ds(0, CA)], ro[u], ss[u]).wait()

    def substep(j, u):
      lwait(j, u)
      pltpu.async_copy(ro[u], acc.at[di[u]], ss[u], add=True)
      up = (u + 2) % 3

      @pl.when(j > 0)
      def _():
        sdrain(up)

      @pl.when(j + 2 < NCH)
      def _():
        load(j + 2, up)

    load(0, 0)
    load(1, 1)

    def zslice(j, _):
      pltpu.sync_copy(ro2, acc.at[pl.ds(s * RPT + j * CA, CA)])
      return 0

    lax.fori_loop(0, RPT // CA, zslice, 0)

    plsc.subcore_barrier()

    def step(t, _):
      for u in range(3):
        substep(3 * t + u, u)
      return 0

    lax.fori_loop(0, NCH // 3, step, 0)
    substep(NCH - 2, 0)
    substep(NCH - 1, 1)
    sdrain(1)

    plsc.subcore_barrier()

    r0 = s * RPT
    pltpu.sync_copy(acc.at[pl.ds(r0, RPT)], out.at[c, pl.ds(r0, RPT)])

  return pl.kernel(
      body,
      out_type=jax.ShapeDtypeStruct((NC, NP, D), jnp.float32),
      mesh=mesh,
      scratch_types=scratch,
  )


def _prep(degp, a2d, pos, W1):

  def body(dp_ref, a_ref, p_ref, w1_ref, dis_ref, z_ref):
    deg = jnp.sum(dp_ref[...], axis=1, keepdims=True) + 1.0
    dis = lax.rsqrt(deg)
    dis_ref[...] = dis
    x4 = jnp.concatenate([a_ref[...], p_ref[...]], axis=1)
    z_ref[...] = jnp.dot(x4 * dis, w1_ref[...],
                         preferred_element_type=jnp.float32)

  return pl.pallas_call(
      body,
      grid=(NBLK,),
      in_specs=[
          pl.BlockSpec((R, NW), lambda i: (i, 0)),
          pl.BlockSpec((R, 1), lambda i: (i, 0)),
          pl.BlockSpec((R, 3), lambda i: (i, 0)),
          pl.BlockSpec((4, H), lambda i: (0, 0)),
      ],
      out_specs=[
          pl.BlockSpec((R, 1), lambda i: (i, 0)),
          pl.BlockSpec((R, H), lambda i: (i, 0)),
      ],
      out_shape=[
          jax.ShapeDtypeStruct((N, 1), jnp.float32),
          jax.ShapeDtypeStruct((N, H), jnp.float32),
      ],
  )(degp, a2d, pos, W1)


def _lmid(p, xt, dis, b, W):

  def body(p_ref, xt_ref, dis_ref, b_ref, w_ref, o_ref):
    h = (p_ref[0] + p_ref[1] + xt_ref[...]) * dis_ref[...]
    h = jnp.maximum(h + b_ref[...], 0.0)
    y = jnp.dot(h, w_ref[...], preferred_element_type=jnp.float32)
    o_ref[...] = y * dis_ref[...]

  return pl.pallas_call(
      body,
      grid=(NBLK,),
      in_specs=[
          pl.BlockSpec((2, R, H), lambda i: (0, i, 0)),
          pl.BlockSpec((R, H), lambda i: (i, 0)),
          pl.BlockSpec((R, 1), lambda i: (i, 0)),
          pl.BlockSpec((1, H), lambda i: (0, 0)),
          pl.BlockSpec((H, H), lambda i: (0, 0)),
      ],
      out_specs=pl.BlockSpec((R, H), lambda i: (i, 0)),
      out_shape=jax.ShapeDtypeStruct((N, H), jnp.float32),
  )(p, xt, dis, b, W)


def _l3pool(p, xt, dis, b, batch2d, Wl, bl):

  def body(p_ref, xt_ref, dis_ref, b_ref, bt_ref, wl_ref, bl_ref, o_ref,
           sums_ref, cnts_ref):
    i = pl.program_id(0)

    @pl.when(i == 0)
    def _():
      sums_ref[...] = jnp.zeros_like(sums_ref)
      cnts_ref[...] = jnp.zeros_like(cnts_ref)

    h = (p_ref[0] + p_ref[1] + xt_ref[...]) * dis_ref[...]
    h = jnp.maximum(h + b_ref[...], 0.0)
    gid = lax.broadcasted_iota(jnp.int32, (R, G), 1)
    onehot = (bt_ref[...] == gid).astype(jnp.float32)
    sums_ref[...] += lax.dot_general(
        onehot, h, (((0,), (0,)), ((), ())), preferred_element_type=jnp.float32)
    ones = jnp.ones((R, H), jnp.float32)
    cnts_ref[...] += lax.dot_general(
        onehot, ones, (((0,), (0,)), ((), ())),
        preferred_element_type=jnp.float32)

    @pl.when(i == NBLK - 1)
    def _():
      pooled = sums_ref[...] / jnp.maximum(cnts_ref[...], 1.0)
      logits = jnp.dot(pooled, wl_ref[...], preferred_element_type=jnp.float32)
      logits = logits + bl_ref[...]
      m = jnp.max(logits, axis=1, keepdims=True)
      e = jnp.exp(logits - m)
      o_ref[...] = e / jnp.sum(e, axis=1, keepdims=True)

  return pl.pallas_call(
      body,
      grid=(NBLK,),
      in_specs=[
          pl.BlockSpec((2, R, H), lambda i: (0, i, 0)),
          pl.BlockSpec((R, H), lambda i: (i, 0)),
          pl.BlockSpec((R, 1), lambda i: (i, 0)),
          pl.BlockSpec((1, H), lambda i: (0, 0)),
          pl.BlockSpec((R, 1), lambda i: (i, 0)),
          pl.BlockSpec((H, K), lambda i: (0, 0)),
          pl.BlockSpec((1, K), lambda i: (0, 0)),
      ],
      out_specs=pl.BlockSpec((G, K), lambda i: (0, 0)),
      out_shape=jax.ShapeDtypeStruct((G, K), jnp.float32),
      scratch_shapes=[
          pltpu.VMEM((G, H), jnp.float32),
          pltpu.VMEM((G, H), jnp.float32),
      ],
  )(p, xt, dis, b, batch2d, Wl, bl)


def kernel(atomic_numbers, pos, edge_index, batch, W1, b1, W2, b2, W3, b3,
           Wl, bl):
  ei = edge_index.astype(jnp.int32)
  src = ei[0]
  dst = ei[1]
  batch2d = batch.astype(jnp.int32).reshape(N, 1)
  a2d = atomic_numbers.reshape(N, 1)
  b1r, b2r, b3r = b1.reshape(1, H), b2.reshape(1, H), b3.reshape(1, H)
  blr = bl.reshape(1, K)

  degp = _sc_deg()(dst)
  degc = degp.reshape(NW, NP).T[:N]
  dis, z1 = _prep(degc, a2d, pos, W1)
  agg1 = _sc_agg(H)(z1, src, dst)
  xt1 = _lmid(agg1, z1, dis, b1r, W2)
  agg2 = _sc_agg(H)(xt1, src, dst)
  xt2 = _lmid(agg2, xt1, dis, b2r, W3)
  agg3 = _sc_agg(H)(xt2, src, dst)
  out = _l3pool(agg3, xt2, dis, b3r, batch2d, Wl, blr)
  return out[:, :, None]

# --- scband reference (transcript-rebuilt; emitter-appended) ---
"""Pipeline reference for scband-gating-gcn-48859547959461 (READ-ONLY COPY).

The authoritative reference and input builder live on the scoring server;
editing this copy changes nothing except your own understanding.
"""

import jax, jax.numpy as jnp
import numpy as np

N = 10000
E = 320000
H = 128
NUM_EXPERTS = 8
NUM_GRAPHS = 64
IN_DIM = 4


def setup_inputs(seed: int = 0) -> dict:
    key = jax.random.key(seed)
    ks = jax.random.split(key, 12)
    atomic_numbers = jax.random.uniform(ks[0], (N,), dtype=jnp.float32)
    pos = jax.random.normal(ks[1], (N, 3), dtype=jnp.float32)
    edge_index = jax.random.randint(ks[2], (2, E), 0, N, dtype=jnp.int64)
    batch = jnp.sort(jax.random.randint(ks[3], (N,), 0, NUM_GRAPHS, dtype=jnp.int64))
    W1 = jax.random.normal(ks[4], (IN_DIM, H), dtype=jnp.float32) * 0.1
    b1 = jnp.zeros((H,), dtype=jnp.float32)
    W2 = jax.random.normal(ks[5], (H, H), dtype=jnp.float32) * 0.05
    b2 = jnp.zeros((H,), dtype=jnp.float32)
    W3 = jax.random.normal(ks[6], (H, H), dtype=jnp.float32) * 0.05
    b3 = jnp.zeros((H,), dtype=jnp.float32)
    Wl = jax.random.normal(ks[7], (H, NUM_EXPERTS), dtype=jnp.float32) * 0.05
    bl = jnp.zeros((NUM_EXPERTS,), dtype=jnp.float32)
    return {"atomic_numbers": atomic_numbers, "pos": pos, "edge_index": edge_index,
            "batch": batch, "W1": W1, "b1": b1, "W2": W2, "b2": b2,
            "W3": W3, "b3": b3, "Wl": Wl, "bl": bl}


def _gcn_conv(x, edge_index, W, b):
    # GCNConv: linear transform, add self-loops, symmetric normalization, scatter-add aggregate
    x = x @ W
    n = x.shape[0]
    src = edge_index[0]
    dst = edge_index[1]
    loop = jnp.arange(n, dtype=src.dtype)
    src = jnp.concatenate([src, loop])
    dst = jnp.concatenate([dst, loop])
    ones = jnp.ones(src.shape[0], dtype=x.dtype)
    deg = jnp.zeros((n,), dtype=x.dtype).at[dst].add(ones)
    deg_inv_sqrt = jnp.where(deg > 0, deg ** -0.5, 0.0)
    norm = deg_inv_sqrt[src] * deg_inv_sqrt[dst]
    msg = x[src] * norm[:, None]
    out = jnp.zeros_like(x).at[dst].add(msg)
    return out + b


def reference(atomic_numbers, pos, edge_index, batch, W1, b1, W2, b2, W3, b3, Wl, bl):
    x = jnp.concatenate([atomic_numbers[:, None], pos], axis=-1)
    for (W, b) in ((W1, b1), (W2, b2), (W3, b3)):
        x = _gcn_conv(x, edge_index, W, b)
        x = jax.nn.relu(x)
        # dropout p=0.0 (eval) -> identity
    # global_mean_pool over batch assignment
    sums = jax.ops.segment_sum(x, batch, num_segments=NUM_GRAPHS)
    counts = jax.ops.segment_sum(jnp.ones((x.shape[0],), dtype=x.dtype), batch, num_segments=NUM_GRAPHS)
    pooled = sums / jnp.clip(counts, 1.0)[:, None]
    logits = pooled @ Wl + bl
    return jax.nn.softmax(logits, axis=1)[:, :, None]

if __name__ == "__main__":
    import jax
    _d = setup_inputs()
    print(jax.jit(kernel)(*tuple(_d.values())))

</pallas_src>

<mosaic_0001>
#map = affine_map<(d0, d1) -> (0, 0)>
#map1 = affine_map<(d0, d1) -> (0)>
#map2 = affine_map<(d0, d1) -> (0, 0, 0)>
module attributes {stable_mosaic.version = 14 : i64} {
  func.func @body(%arg0: i32, %arg1: i32, %arg2: memref<10000x128xf32, #tpu.memory_space<hbm>>, %arg3: memref<320000xi32, #tpu.memory_space<hbm>>, %arg4: memref<320000xi32, #tpu.memory_space<hbm>>, %arg5: memref<2x10240x128xf32, #tpu.memory_space<hbm>>, %arg6: memref<10240x128xf32, #tpu.memory_space<vmem_shared>>, %arg7: memref<10000xi32, #tpu.memory_space<vmem>>, %arg8: memref<80xi32, #tpu.memory_space<vmem>>, %arg9: memref<80xi32, #tpu.memory_space<vmem>>, %arg10: memref<80xi32, #tpu.memory_space<vmem>>, %arg11: memref<80x128xf32, #tpu.memory_space<vmem>>, %arg12: memref<80x128xf32, #tpu.memory_space<vmem>>, %arg13: memref<80x128xf32, #tpu.memory_space<vmem>>, %arg14: memref<!tpu.dma_semaphore, #tpu.memory_space<semaphore_mem>>, %arg15: memref<!tpu.dma_semaphore, #tpu.memory_space<semaphore_mem>>, %arg16: memref<!tpu.dma_semaphore, #tpu.memory_space<semaphore_mem>>, %arg17: memref<!tpu.dma_semaphore, #tpu.memory_space<semaphore_mem>>, %arg18: memref<!tpu.dma_semaphore, #tpu.memory_space<semaphore_mem>>, %arg19: memref<!tpu.dma_semaphore, #tpu.memory_space<semaphore_mem>>) attributes {dimension_semantics = [#tpu.dimension_semantics<core_parallel>, #tpu.dimension_semantics<subcore_parallel>], iteration_bounds = array<i64: 2, 16>, scalar_prefetch = 0 : i64, scratch_operands = 14 : i64, tpu.core_type = #tpu.core_type<sc_vector_subcore>, window_params = [{transform_indices = #map}, {transform_indices = #map1}, {transform_indices = #map1}, {transform_indices = #map2}]} {
    %mul3A = arith.constant 16 : i32
    %mul3A_0 = arith.muli %arg0, %mul3A : i32
    %add3A = arith.addi %mul3A_0, %arg1 : i32
    %broadcast_in_dim3A = arith.constant 0.000000e+00 : f32
    %broadcast_in_dim3A_1 = vector.broadcast %broadcast_in_dim3A : f32 to vector<16xf32>
    %scan3A = arith.constant 0 : i32
    %scan3A_2 = arith.constant 0 : i32
    %scan3A_3 = arith.constant 80 : i32
    %scan3A_4 = arith.addi %scan3A_2, %scan3A_3 : i32
    %scan3A_5 = arith.constant 1 : i32
    %scan3A_6 = scf.for %scan3A_93 = %scan3A_2 to %scan3A_4 step %scan3A_5 iter_args(%scan3A_94 = %scan3A) -> (i32)  : i32 {
      %swap3A = arith.index_cast %scan3A_93 : i32 to index
      %swap3A_95 = arith.constant 0 : index
      %swap3A_96 = tpu.vector_load %arg13[%swap3A, %swap3A_95] {strides = array<i32>} : memref<80x128xf32, #tpu.memory_space<vmem>>, vector<1x16xf32>,
      %swap3A_97 = vector.shape_cast %swap3A_96 : vector<1x16xf32> to vector<16xf32>
      %swap3A_98 = vector.shape_cast %broadcast_in_dim3A_1 : vector<16xf32> to vector<1x16xf32>
      tpu.vector_store %arg13[%swap3A, %swap3A_95], %swap3A_98 {strides = array<i32>} : memref<80x128xf32, #tpu.memory_space<vmem>>, vector<1x16xf32>,
      %swap3A_99 = arith.index_cast %scan3A_93 : i32 to index
      %swap3A_100 = arith.constant 16 : index
      %swap3A_101 = tpu.vector_load %arg13[%swap3A_99, %swap3A_100] {strides = array<i32>} : memref<80x128xf32, #tpu.memory_space<vmem>>, vector<1x16xf32>,
      %swap3A_102 = vector.shape_cast %swap3A_101 : vector<1x16xf32> to vector<16xf32>
      %swap3A_103 = vector.shape_cast %broadcast_in_dim3A_1 : vector<16xf32> to vector<1x16xf32>
      tpu.vector_store %arg13[%swap3A_99, %swap3A_100], %swap3A_103 {strides = array<i32>} : memref<80x128xf32, #tpu.memory_space<vmem>>, vector<1x16xf32>,
      %swap3A_104 = arith.index_cast %scan3A_93 : i32 to index
      %swap3A_105 = arith.constant 32 : index
      %swap3A_106 = tpu.vector_load %arg13[%swap3A_104, %swap3A_105] {strides = array<i32>} : memref<80x128xf32, #tpu.memory_space<vmem>>, vector<1x16xf32>,
      %swap3A_107 = vector.shape_cast %swap3A_106 : vector<1x16xf32> to vector<16xf32>
      %swap3A_108 = vector.shape_cast %broadcast_in_dim3A_1 : vector<16xf32> to vector<1x16xf32>
      tpu.vector_store %arg13[%swap3A_104, %swap3A_105], %swap3A_108 {strides = array<i32>} : memref<80x128xf32, #tpu.memory_space<vmem>>, vector<1x16xf32>,
      %swap3A_109 = arith.index_cast %scan3A_93 : i32 to index
      %swap3A_110 = arith.constant 48 : index
      %swap3A_111 = tpu.vector_load %arg13[%swap3A_109, %swap3A_110] {strides = array<i32>} : memref<80x128xf32, #tpu.memory_space<vmem>>, vector<1x16xf32>,
      %swap3A_112 = vector.shape_cast %swap3A_111 : vector<1x16xf32> to vector<16xf32>
      %swap3A_113 = vector.shape_cast %broadcast_in_dim3A_1 : vector<16xf32> to vector<1x16xf32>
      tpu.vector_store %arg13[%swap3A_109, %swap3A_110], %swap3A_113 {strides = array<i32>} : memref<80x128xf32, #tpu.memory_space<vmem>>, vector<1x16xf32>,
      %swap3A_114 = arith.index_cast %scan3A_93 : i32 to index
      %swap3A_115 = arith.constant 64 : index
      %swap3A_116 = tpu.vector_load %arg13[%swap3A_114, %swap3A_115] {strides = array<i32>} : memref<80x128xf32, #tpu.memory_space<vmem>>, vector<1x16xf32>,
      %swap3A_117 = vector.shape_cast %swap3A_116 : vector<1x16xf32> to vector<16xf32>
      %swap3A_118 = vector.shape_cast %broadcast_in_dim3A_1 : vector<16xf32> to vector<1x16xf32>
      tpu.vector_store %arg13[%swap3A_114, %swap3A_115], %swap3A_118 {strides = array<i32>} : memref<80x128xf32, #tpu.memory_space<vmem>>, vector<1x16xf32>,
      %swap3A_119 = arith.index_cast %scan3A_93 : i32 to index
      %swap3A_120 = arith.constant 80 : index
      %swap3A_121 = tpu.vector_load %arg13[%swap3A_119, %swap3A_120] {strides = array<i32>} : memref<80x128xf32, #tpu.memory_space<vmem>>, vector<1x16xf32>,
      %swap3A_122 = vector.shape_cast %swap3A_121 : vector<1x16xf32> to vector<16xf32>
      %swap3A_123 = vector.shape_cast %broadcast_in_dim3A_1 : vector<16xf32> to vector<1x16xf32>
      tpu.vector_store %arg13[%swap3A_119, %swap3A_120], %swap3A_123 {strides = array<i32>} : memref<80x128xf32, #tpu.memory_space<vmem>>, vector<1x16xf32>,
      %swap3A_124 = arith.index_cast %scan3A_93 : i32 to index
      %swap3A_125 = arith.constant 96 : index
      %swap3A_126 = tpu.vector_load %arg13[%swap3A_124, %swap3A_125] {strides = array<i32>} : memref<80x128xf32, #tpu.memory_space<vmem>>, vector<1x16xf32>,
      %swap3A_127 = vector.shape_cast %swap3A_126 : vector<1x16xf32> to vector<16xf32>
      %swap3A_128 = vector.shape_cast %broadcast_in_dim3A_1 : vector<16xf32> to vector<1x16xf32>
      tpu.vector_store %arg13[%swap3A_124, %swap3A_125], %swap3A_128 {strides = array<i32>} : memref<80x128xf32, #tpu.memory_space<vmem>>, vector<1x16xf32>,
      %swap3A_129 = arith.index_cast %scan3A_93 : i32 to index
      %swap3A_130 = arith.constant 112 : index
      %swap3A_131 = tpu.vector_load %arg13[%swap3A_129, %swap3A_130] {strides = array<i32>} : memref<80x128xf32, #tpu.memory_space<vmem>>, vector<1x16xf32>,
      %swap3A_132 = vector.shape_cast %swap3A_131 : vector<1x16xf32> to vector<16xf32>
      %swap3A_133 = vector.shape_cast %broadcast_in_dim3A_1 : vector<16xf32> to vector<1x16xf32>
      tpu.vector_store %arg13[%swap3A_129, %swap3A_130], %swap3A_133 {strides = array<i32>} : memref<80x128xf32, #tpu.memory_space<vmem>>, vector<1x16xf32>,
      %scan3A_134 = arith.constant 0 : i32
      scf.yield %scan3A_134 : i32
    }
    %scan3A_7 = arith.constant 80 : i32
    %mul3A_8 = arith.constant 10000 : i32
    %mul3A_9 = arith.muli %add3A, %mul3A_8 : i32
    "tpu.region"() ({
      %run_scoped3A = tpu.sem_alloc : memref<!tpu.dma_semaphore, #tpu.memory_space<semaphore_mem>>
      %dma_start3A_93 = tpu.memref_slice %arg3[%mul3A_9] : memref<320000xi32, #tpu.memory_space<hbm>> -> memref<10000xi32, #tpu.memory_space<hbm>>
      %dma_start3A_94 = tpu.memref_slice %arg3[%mul3A_9] : memref<320000xi32, #tpu.memory_space<hbm>> -> memref<10000xi32, #tpu.memory_space<hbm>>
      tpu.enqueue_dma source(%dma_start3A_94 : memref<10000xi32, #tpu.memory_space<hbm>>) target(%arg7 : memref<10000xi32, #tpu.memory_space<vmem>>) target_semaphore(%run_scoped3A : memref<!tpu.dma_semaphore, #tpu.memory_space<semaphore_mem>>)
      %dma_wait3A_95 = tpu.memref_slice %arg3[%mul3A_9] : memref<320000xi32, #tpu.memory_space<hbm>> -> memref<10000xi32, #tpu.memory_space<hbm>>
      %dma_wait3A_96 = tpu.memref_slice %arg3[%mul3A_9] : memref<320000xi32, #tpu.memory_space<hbm>> -> memref<10000xi32, #tpu.memory_space<hbm>>
      tpu.wait_dma2 semaphore(%run_scoped3A : memref<!tpu.dma_semaphore, #tpu.memory_space<semaphore_mem>>) src(%dma_wait3A_96 : memref<10000xi32, #tpu.memory_space<hbm>>) dst(%arg7 : memref<10000xi32, #tpu.memory_space<vmem>>)
      tpu.yield
    }) : () -> ()
    %mul3A_10 = arith.constant 10000 : i32
    %mul3A_11 = arith.muli %add3A, %mul3A_10 : i32
    %add3A_12 = arith.constant 0 : i32
    %add3A_13 = arith.addi %mul3A_11, %add3A_12 : i32
    %dma_start3A = tpu.memref_slice %arg4[%add3A_13] : memref<320000xi32, #tpu.memory_space<hbm>> -> memref<80xi32, #tpu.memory_space<hbm>>
    %dma_start3A_14 = tpu.memref_slice %arg4[%add3A_13] : memref<320000xi32, #tpu.memory_space<hbm>> -> memref<80xi32, #tpu.memory_space<hbm>>
    tpu.enqueue_dma source(%dma_start3A_14 : memref<80xi32, #tpu.memory_space<hbm>>) target(%arg8 : memref<80xi32, #tpu.memory_space<vmem>>) target_semaphore(%arg14 : memref<!tpu.dma_semaphore, #tpu.memory_space<semaphore_mem>>)
    %dma_start3A_15 = arith.constant 0 : i32
    %dma_start3A_16 = tpu.memref_slice %arg7[%dma_start3A_15] : memref<10000xi32, #tpu.memory_space<vmem>> -> memref<80xi32, #tpu.memory_space<vmem>>
    %dma_start3A_17 = arith.constant 0 : i32
    %dma_start3A_18 = arith.constant 0 : i32
    %dma_start3A_19 = tpu.memref_slice %arg2[%dma_start3A_17, %dma_start3A_18] : memref<10000x128xf32, #tpu.memory_space<hbm>> -> memref<10000x128xf32, #tpu.memory_space<hbm>>
    tpu.enqueue_indirect_dma source(%dma_start3A_19 : memref<10000x128xf32, #tpu.memory_space<hbm>>) target(%arg11 : memref<80x128xf32, #tpu.memory_space<vmem>>) offsets(%dma_start3A_16 : memref<80xi32, #tpu.memory_space<vmem>>) semaphore(%arg14 : memref<!tpu.dma_semaphore, #tpu.memory_space<semaphore_mem>>)
    %mul3A_20 = arith.constant 10000 : i32
    %mul3A_21 = arith.muli %add3A, %mul3A_20 : i32
    %add3A_22 = arith.constant 80 : i32
    %add3A_23 = arith.addi %mul3A_21, %add3A_22 : i32
    %dma_start3A_24 = tpu.memref_slice %arg4[%add3A_23] : memref<320000xi32, #tpu.memory_space<hbm>> -> memref<80xi32, #tpu.memory_space<hbm>>
    %dma_start3A_25 = tpu.memref_slice %arg4[%add3A_23] : memref<320000xi32, #tpu.memory_space<hbm>> -> memref<80xi32, #tpu.memory_space<hbm>>
    tpu.enqueue_dma source(%dma_start3A_25 : memref<80xi32, #tpu.memory_space<hbm>>) target(%arg9 : memref<80xi32, #tpu.memory_space<vmem>>) target_semaphore(%arg15 : memref<!tpu.dma_semaphore, #tpu.memory_space<semaphore_mem>>)
    %dma_start3A_26 = arith.constant 80 : i32
    %dma_start3A_27 = tpu.memref_slice %arg7[%dma_start3A_26] : memref<10000xi32, #tpu.memory_space<vmem>> -> memref<80xi32, #tpu.memory_space<vmem>>
    %dma_start3A_28 = arith.constant 0 : i32
    %dma_start3A_29 = arith.constant 0 : i32
    %dma_start3A_30 = tpu.memref_slice %arg2[%dma_start3A_28, %dma_start3A_29] : memref<10000x128xf32, #tpu.memory_space<hbm>> -> memref<10000x128xf32, #tpu.memory_space<hbm>>
    tpu.enqueue_indirect_dma source(%dma_start3A_30 : memref<10000x128xf32, #tpu.memory_space<hbm>>) target(%arg12 : memref<80x128xf32, #tpu.memory_space<vmem>>) offsets(%dma_start3A_27 : memref<80xi32, #tpu.memory_space<vmem>>) semaphore(%arg15 : memref<!tpu.dma_semaphore, #tpu.memory_space<semaphore_mem>>)
    %scan3A_31 = arith.constant 0 : i32
    %scan3A_32 = arith.constant 0 : i32
    %scan3A_33 = arith.constant 8 : i32
    %scan3A_34 = arith.addi %scan3A_32, %scan3A_33 : i32
    %scan3A_35 = arith.constant 1 : i32
    %scan3A_36 = scf.for %scan3A_93 = %scan3A_32 to %scan3A_34 step %scan3A_35 iter_args(%scan3A_94 = %scan3A_31) -> (i32)  : i32 {
      %mul3A_95 = arith.constant 640 : i32
      %mul3A_96 = arith.muli %arg1, %mul3A_95 : i32
      %mul3A_97 = arith.constant 80 : i32
      %mul3A_98 = arith.muli %scan3A_93, %mul3A_97 : i32
      %add3A_99 = arith.addi %mul3A_96, %mul3A_98 : i32
      "tpu.region"() ({
        %run_scoped3A = tpu.sem_alloc : memref<!tpu.dma_semaphore, #tpu.memory_space<semaphore_mem>>
        %dma_start3A_101 = arith.constant 0 : i32
        %dma_start3A_102 = tpu.memref_slice %arg6[%add3A_99, %dma_start3A_101] : memref<10240x128xf32, #tpu.memory_space<vmem_shared>> -> memref<80x128xf32, #tpu.memory_space<vmem_shared>>
        %dma_start3A_103 = arith.constant 0 : i32
        %dma_start3A_104 = tpu.memref_slice %arg6[%add3A_99, %dma_start3A_103] : memref<10240x128xf32, #tpu.memory_space<vmem_shared>> -> memref<80x128xf32, #tpu.memory_space<vmem_shared>>
        tpu.enqueue_dma source(%arg13 : memref<80x128xf32, #tpu.memory_space<vmem>>) target(%dma_start3A_104 : memref<80x128xf32, #tpu.memory_space<vmem_shared>>) target_semaphore(%run_scoped3A : memref<!tpu.dma_semaphore, #tpu.memory_space<semaphore_mem>>)
        %dma_wait3A_105 = arith.constant 0 : i32
        %dma_wait3A_106 = tpu.memref_slice %arg6[%add3A_99, %dma_wait3A_105] : memref<10240x128xf32, #tpu.memory_space<vmem_shared>> -> memref<80x128xf32, #tpu.memory_space<vmem_shared>>
        %dma_wait3A_107 = arith.constant 0 : i32
        %dma_wait3A_108 = tpu.memref_slice %arg6[%add3A_99, %dma_wait3A_107] : memref<10240x128xf32, #tpu.memory_space<vmem_shared>> -> memref<80x128xf32, #tpu.memory_space<vmem_shared>>
        tpu.wait_dma2 semaphore(%run_scoped3A : memref<!tpu.dma_semaphore, #tpu.memory_space<semaphore_mem>>) src(%arg13 : memref<80x128xf32, #tpu.memory_space<vmem>>) dst(%dma_wait3A_108 : memref<80x128xf32, #tpu.memory_space<vmem_shared>>)
        tpu.yield
      }) : () -> ()
      %scan3A_100 = arith.constant 0 : i32
      scf.yield %scan3A_100 : i32
    }
    %scan3A_37 = arith.constant 8 : i32
    %barrier3A = arith.constant 0 : index
    tpu.barrier barrier_id(%barrier3A)
    %scan3A_38 = arith.constant 0 : i32
    %scan3A_39 = arith.constant 0 : i32
    %scan3A_40 = arith.constant 41 : i32
    %scan3A_41 = arith.addi %scan3A_39, %scan3A_40 : i32
    %scan3A_42 = arith.constant 1 : i32
    %scan3A_43 = scf.for %scan3A_93 = %scan3A_39 to %scan3A_41 step %scan3A_42 iter_args(%scan3A_94 = %scan3A_38) -> (i32)  : i32 {
      %mul3A_95 = arith.constant 3 : i32
      %mul3A_96 = arith.muli %mul3A_95, %scan3A_93 : i32
      %add3A_97 = arith.constant 0 : i32
      %add3A_98 = arith.addi %mul3A_96, %add3A_97 : i32
      %mul3A_99 = arith.constant 10000 : i32
      %mul3A_100 = arith.muli %add3A, %mul3A_99 : i32
      %mul3A_101 = arith.constant 80 : i32
      %mul3A_102 = arith.muli %add3A_98, %mul3A_101 : i32
      %add3A_103 = arith.addi %mul3A_100, %mul3A_102 : i32
      %dma_wait3A_104 = tpu.memref_slice %arg4[%add3A_103] : memref<320000xi32, #tpu.memory_space<hbm>> -> memref<80xi32, #tpu.memory_space<hbm>>
      %dma_wait3A_105 = tpu.memref_slice %arg4[%add3A_103] : memref<320000xi32, #tpu.memory_space<hbm>> -> memref<80xi32, #tpu.memory_space<hbm>>
      tpu.wait_dma2 semaphore(%arg14 : memref<!tpu.dma_semaphore, #tpu.memory_space<semaphore_mem>>) src(%dma_wait3A_105 : memref<80xi32, #tpu.memory_space<hbm>>) dst(%arg8 : memref<80xi32, #tpu.memory_space<vmem>>)
      %mul3A_106 = arith.constant 80 : i32
      %mul3A_107 = arith.muli %add3A_98, %mul3A_106 : i32
      %dma_wait3A_108 = tpu.memref_slice %arg7[%mul3A_107] : memref<10000xi32, #tpu.memory_space<vmem>> -> memref<80xi32, #tpu.memory_space<vmem>>
      %dma_wait3A_109 = arith.constant 0 : i32
      %dma_wait3A_110 = arith.constant 0 : i32
      %dma_wait3A_111 = tpu.memref_slice %arg2[%dma_wait3A_109, %dma_wait3A_110] : memref<10000x128xf32, #tpu.memory_space<hbm>> -> memref<10000x128xf32, #tpu.memory_space<hbm>>
      tpu.wait_indirect_dma semaphore(%arg14 : memref<!tpu.dma_semaphore, #tpu.memory_space<semaphore_mem>>) src(%dma_wait3A_111 : memref<10000x128xf32, #tpu.memory_space<hbm>>) dst(%arg11 : memref<80x128xf32, #tpu.memory_space<vmem>>)
      %dma_start3A_112 = arith.constant 0 : i32
      %dma_start3A_113 = arith.constant 0 : i32
      %dma_start3A_114 = tpu.memref_slice %arg6[%dma_start3A_112, %dma_start3A_113] : memref<10240x128xf32, #tpu.memory_space<vmem_shared>> -> memref<10240x128xf32, #tpu.memory_space<vmem_shared>>
      tpu.enqueue_indirect_dma source(%arg11 : memref<80x128xf32, #tpu.memory_space<vmem>>) target(%dma_start3A_114 : memref<10240x128xf32, #tpu.memory_space<vmem_shared>>) offsets(%arg8 : memref<80xi32, #tpu.memory_space<vmem>>) semaphore(%arg17 : memref<!tpu.dma_semaphore, #tpu.memory_space<semaphore_mem>>) {add = true}
      %gt3A = arith.constant 0 : i32
      %gt3A_115 = arith.cmpi sgt, %add3A_98, %gt3A : i32
      %convert_element_type3A = arith.extui %gt3A_115 : i1 to i32
      %cond3A = arith.constant 0 : i32
      %cond3A_116 = arith.cmpi ne, %convert_element_type3A, %cond3A : i32
      scf.if %cond3A_116 {
        %dma_wait3A_188 = arith.constant 0 : i32
        %dma_wait3A_189 = arith.constant 0 : i32
        %dma_wait3A_190 = tpu.memref_slice %arg2[%dma_wait3A_188, %dma_wait3A_189] : memref<10000x128xf32, #tpu.memory_space<hbm>> -> memref<80x128xf32, #tpu.memory_space<hbm>>
        %dma_wait3A_191 = arith.constant 0 : i32
        %dma_wait3A_192 = arith.constant 0 : i32
        %dma_wait3A_193 = tpu.memref_slice %arg2[%dma_wait3A_191, %dma_wait3A_192] : memref<10000x128xf32, #tpu.memory_space<hbm>> -> memref<80x128xf32, #tpu.memory_space<hbm>>
        tpu.wait_dma2 semaphore(%arg19 : memref<!tpu.dma_semaphore, #tpu.memory_space<semaphore_mem>>) src(%dma_wait3A_193 : memref<80x128xf32, #tpu.memory_space<hbm>>) dst(%arg13 : memref<80x128xf32, #tpu.memory_space<vmem>>)
      } else {
      }
      %add3A_117 = arith.constant 2 : i32
      %add3A_118 = arith.addi %add3A_98, %add3A_117 : i32
      %lt3A = arith.constant 125 : i32
      %lt3A_119 = arith.cmpi slt, %add3A_118, %lt3A : i32
      %convert_element_type3A_120 = arith.extui %lt3A_119 : i1 to i32
      %cond3A_121 = arith.constant 0 : i32
      %cond3A_122 = arith.cmpi ne, %convert_element_type3A_120, %cond3A_121 : i32
      scf.if %cond3A_122 {
        %add3A_188 = arith.constant 2 : i32
        %add3A_189 = arith.addi %add3A_98, %add3A_188 : i32
        %mul3A_190 = arith.constant 10000 : i32
        %mul3A_191 = arith.muli %add3A, %mul3A_190 : i32
        %mul3A_192 = arith.constant 80 : i32
        %mul3A_193 = arith.muli %add3A_189, %mul3A_192 : i32
        %add3A_194 = arith.addi %mul3A_191, %mul3A_193 : i32
        %dma_start3A_195 = tpu.memref_slice %arg4[%add3A_194] : memref<320000xi32, #tpu.memory_space<hbm>> -> memref<80xi32, #tpu.memory_space<hbm>>
        %dma_start3A_196 = tpu.memref_slice %arg4[%add3A_194] : memref<320000xi32, #tpu.memory_space<hbm>> -> memref<80xi32, #tpu.memory_space<hbm>>
        tpu.enqueue_dma source(%dma_start3A_196 : memref<80xi32, #tpu.memory_space<hbm>>) target(%arg10 : memref<80xi32, #tpu.memory_space<vmem>>) target_semaphore(%arg16 : memref<!tpu.dma_semaphore, #tpu.memory_space<semaphore_mem>>)
        %mul3A_197 = arith.constant 80 : i32
        %mul3A_198 = arith.muli %add3A_189, %mul3A_197 : i32
        %dma_start3A_199 = tpu.memref_slice %arg7[%mul3A_198] : memref<10000xi32, #tpu.memory_space<vmem>> -> memref<80xi32, #tpu.memory_space<vmem>>
        %dma_start3A_200 = arith.constant 0 : i32
        %dma_start3A_201 = arith.constant 0 : i32
        %dma_start3A_202 = tpu.memref_slice %arg2[%dma_start3A_200, %dma_start3A_201] : memref<10000x128xf32, #tpu.memory_space<hbm>> -> memref<10000x128xf32, #tpu.memory_space<hbm>>
        tpu.enqueue_indirect_dma source(%dma_start3A_202 : memref<10000x128xf32, #tpu.memory_space<hbm>>) target(%arg13 : memref<80x128xf32, #tpu.memory_space<vmem>>) offsets(%dma_start3A_199 : memref<80xi32, #tpu.memory_space<vmem>>) semaphore(%arg16 : memref<!tpu.dma_semaphore, #tpu.memory_space<semaphore_mem>>)
      } else {
      }
      %mul3A_123 = arith.constant 3 : i32
      %mul3A_124 = arith.muli %mul3A_123, %scan3A_93 : i32
      %add3A_125 = arith.constant 1 : i32
      %add3A_126 = arith.addi %mul3A_124, %add3A_125 : i32
      %mul3A_127 = arith.constant 10000 : i32
      %mul3A_128 = arith.muli %add3A, %mul3A_127 : i32
      %mul3A_129 = arith.constant 80 : i32
      %mul3A_130 = arith.muli %add3A_126, %mul3A_129 : i32
      %add3A_131 = arith.addi %mul3A_128, %mul3A_130 : i32
      %dma_wait3A_132 = tpu.memref_slice %arg4[%add3A_131] : memref<320000xi32, #tpu.memory_space<hbm>> -> memref<80xi32, #tpu.memory_space<hbm>>
      %dma_wait3A_133 = tpu.memref_slice %arg4[%add3A_131] : memref<320000xi32, #tpu.memory_space<hbm>> -> memref<80xi32, #tpu.memory_space<hbm>>
      tpu.wait_dma2 semaphore(%arg15 : memref<!tpu.dma_semaphore, #tpu.memory_space<semaphore_mem>>) src(%dma_wait3A_133 : memref<80xi32, #tpu.memory_space<hbm>>) dst(%arg9 : memref<80xi32, #tpu.memory_space<vmem>>)
      %mul3A_134 = arith.constant 80 : i32
      %mul3A_135 = arith.muli %add3A_126, %mul3A_134 : i32
      %dma_wait3A_136 = tpu.memref_slice %arg7[%mul3A_135] : memref<10000xi32, #tpu.memory_space<vmem>> -> memref<80xi32, #tpu.memory_space<vmem>>
      %dma_wait3A_137 = arith.constant 0 : i32
      %dma_wait3A_138 = arith.constant 0 : i32
      %dma_wait3A_139 = tpu.memref_slice %arg2[%dma_wait3A_137, %dma_wait3A_138] : memref<10000x128xf32, #tpu.memory_space<hbm>> -> memref<10000x128xf32, #tpu.memory_space<hbm>>
      tpu.wait_indirect_dma semaphore(%arg15 : memref<!tpu.dma_semaphore, #tpu.memory_space<semaphore_mem>>) src(%dma_wait3A_139 : memref<10000x128xf32, #tpu.memory_space<hbm>>) dst(%arg12 : memref<80x128xf32, #tpu.memory_space<vmem>>)
      %dma_start3A_140 = arith.constant 0 : i32
      %dma_start3A_141 = arith.constant 0 : i32
      %dma_start3A_142 = tpu.memref_slice %arg6[%dma_start3A_140, %dma_start3A_141] : memref<10240x128xf32, #tpu.memory_space<vmem_shared>> -> memref<10240x128xf32, #tpu.memory_space<vmem_shared>>
      tpu.enqueue_indirect_dma source(%arg12 : memref<80x128xf32, #tpu.memory_space<vmem>>) target(%dma_start3A_142 : memref<10240x128xf32, #tpu.memory_space<vmem_shared>>) offsets(%arg9 : memref<80xi32, #tpu.memory_space<vmem>>) semaphore(%arg18 : memref<!tpu.dma_semaphore, #tpu.memory_space<semaphore_mem>>) {add = true}
      %gt3A_143 = arith.constant 0 : i32
      %gt3A_144 = arith.cmpi sgt, %add3A_126, %gt3A_143 : i32
      %convert_element_type3A_145 = arith.extui %gt3A_144 : i1 to i32
      %cond3A_146 = arith.constant 0 : i32
      %cond3A_147 = arith.cmpi ne, %convert_element_type3A_145, %cond3A_146 : i32
      scf.if %cond3A_147 {
        %dma_wait3A_188 = arith.constant 0 : i32
        %dma_wait3A_189 = arith.constant 0 : i32
        %dma_wait3A_190 = tpu.memref_slice %arg2[%dma_wait3A_188, %dma_wait3A_189] : memref<10000x128xf32, #tpu.memory_space<hbm>> -> memref<80x128xf32, #tpu.memory_space<hbm>>
        %dma_wait3A_191 = arith.constant 0 : i32
        %dma_wait3A_192 = arith.constant 0 : i32
        %dma_wait3A_193 = tpu.memref_slice %arg2[%dma_wait3A_191, %dma_wait3A_192] : memref<10000x128xf32, #tpu.memory_space<hbm>> -> memref<80x128xf32, #tpu.memory_space<hbm>>
        tpu.wait_dma2 semaphore(%arg17 : memref<!tpu.dma_semaphore, #tpu.memory_space<semaphore_mem>>) src(%dma_wait3A_193 : memref<80x128xf32, #tpu.memory_space<hbm>>) dst(%arg11 : memref<80x128xf32, #tpu.memory_space<vmem>>)
      } else {
      }
      %add3A_148 = arith.constant 2 : i32
      %add3A_149 = arith.addi %add3A_126, %add3A_148 : i32
      %lt3A_150 = arith.constant 125 : i32
      %lt3A_151 = arith.cmpi slt, %add3A_149, %lt3A_150 : i32
      %convert_element_type3A_152 = arith.extui %lt3A_151 : i1 to i32
      %cond3A_153 = arith.constant 0 : i32
      %cond3A_154 = arith.cmpi ne, %convert_element_type3A_152, %cond3A_153 : i32
      scf.if %cond3A_154 {
        %add3A_188 = arith.constant 2 : i32
        %add3A_189 = arith.addi %add3A_126, %add3A_188 : i32
        %mul3A_190 = arith.constant 10000 : i32
        %mul3A_191 = arith.muli %add3A, %mul3A_190 : i32
        %mul3A_192 = arith.constant 80 : i32
        %mul3A_193 = arith.muli %add3A_189, %mul3A_192 : i32
        %add3A_194 = arith.addi %mul3A_191, %mul3A_193 : i32
        %dma_start3A_195 = tpu.memref_slice %arg4[%add3A_194] : memref<320000xi32, #tpu.memory_space<hbm>> -> memref<80xi32, #tpu.memory_space<hbm>>
        %dma_start3A_196 = tpu.memref_slice %arg4[%add3A_194] : memref<320000xi32, #tpu.memory_space<hbm>> -> memref<80xi32, #tpu.memory_space<hbm>>
        tpu.enqueue_dma source(%dma_start3A_196 : memref<80xi32, #tpu.memory_space<hbm>>) target(%arg8 : memref<80xi32, #tpu.memory_space<vmem>>) target_semaphore(%arg14 : memref<!tpu.dma_semaphore, #tpu.memory_space<semaphore_mem>>)
        %mul3A_197 = arith.constant 80 : i32
        %mul3A_198 = arith.muli %add3A_189, %mul3A_197 : i32
        %dma_start3A_199 = tpu.memref_slice %arg7[%mul3A_198] : memref<10000xi32, #tpu.memory_space<vmem>> -> memref<80xi32, #tpu.memory_space<vmem>>
        %dma_start3A_200 = arith.constant 0 : i32
        %dma_start3A_201 = arith.constant 0 : i32
        %dma_start3A_202 = tpu.memref_slice %arg2[%dma_start3A_200, %dma_start3A_201] : memref<10000x128xf32, #tpu.memory_space<hbm>> -> memref<10000x128xf32, #tpu.memory_space<hbm>>
        tpu.enqueue_indirect_dma source(%dma_start3A_202 : memref<10000x128xf32, #tpu.memory_space<hbm>>) target(%arg11 : memref<80x128xf32, #tpu.memory_space<vmem>>) offsets(%dma_start3A_199 : memref<80xi32, #tpu.memory_space<vmem>>) semaphore(%arg14 : memref<!tpu.dma_semaphore, #tpu.memory_space<semaphore_mem>>)
      } else {
      }
      %mul3A_155 = arith.constant 3 : i32
      %mul3A_156 = arith.muli %mul3A_155, %scan3A_93 : i32
      %add3A_157 = arith.constant 2 : i32
      %add3A_158 = arith.addi %mul3A_156, %add3A_157 : i32
      %mul3A_159 = arith.constant 10000 : i32
      %mul3A_160 = arith.muli %add3A, %mul3A_159 : i32
      %mul3A_161 = arith.constant 80 : i32
      %mul3A_162 = arith.muli %add3A_158, %mul3A_161 : i32
      %add3A_163 = arith.addi %mul3A_160, %mul3A_162 : i32
      %dma_wait3A_164 = tpu.memref_slice %arg4[%add3A_163] : memref<320000xi32, #tpu.memory_space<hbm>> -> memref<80xi32, #tpu.memory_space<hbm>>
      %dma_wait3A_165 = tpu.memref_slice %arg4[%add3A_163] : memref<320000xi32, #tpu.memory_space<hbm>> -> memref<80xi32, #tpu.memory_space<hbm>>
      tpu.wait_dma2 semaphore(%arg16 : memref<!tpu.dma_semaphore, #tpu.memory_space<semaphore_mem>>) src(%dma_wait3A_165 : memref<80xi32, #tpu.memory_space<hbm>>) dst(%arg10 : memref<80xi32, #tpu.memory_space<vmem>>)
      %mul3A_166 = arith.constant 80 : i32
      %mul3A_167 = arith.muli %add3A_158, %mul3A_166 : i32
      %dma_wait3A_168 = tpu.memref_slice %arg7[%mul3A_167] : memref<10000xi32, #tpu.memory_space<vmem>> -> memref<80xi32, #tpu.memory_space<vmem>>
      %dma_wait3A_169 = arith.constant 0 : i32
      %dma_wait3A_170 = arith.constant 0 : i32
      %dma_wait3A_171 = tpu.memref_slice %arg2[%dma_wait3A_169, %dma_wait3A_170] : memref<10000x128xf32, #tpu.memory_space<hbm>> -> memref<10000x128xf32, #tpu.memory_space<hbm>>
      tpu.wait_indirect_dma semaphore(%arg16 : memref<!tpu.dma_semaphore, #tpu.memory_space<semaphore_mem>>) src(%dma_wait3A_171 : memref<10000x128xf32, #tpu.memory_space<hbm>>) dst(%arg13 : memref<80x128xf32, #tpu.memory_space<vmem>>)
      %dma_start3A_172 = arith.constant 0 : i32
      %dma_start3A_173 = arith.constant 0 : i32
      %dma_start3A_174 = tpu.memref_slice %arg6[%dma_start3A_172, %dma_start3A_173] : memref<10240x128xf32, #tpu.memory_space<vmem_shared>> -> memref<10240x128xf32, #tpu.memory_space<vmem_shared>>
      tpu.enqueue_indirect_dma source(%arg13 : memref<80x128xf32, #tpu.memory_space<vmem>>) target(%dma_start3A_174 : memref<10240x128xf32, #tpu.memory_space<vmem_shared>>) offsets(%arg10 : memref<80xi32, #tpu.memory_space<vmem>>) semaphore(%arg19 : memref<!tpu.dma_semaphore, #tpu.memory_space<semaphore_mem>>) {add = true}
      %gt3A_175 = arith.constant 0 : i32
      %gt3A_176 = arith.cmpi sgt, %add3A_158, %gt3A_175 : i32
      %convert_element_type3A_177 = arith.extui %gt3A_176 : i1 to i32
      %cond3A_178 = arith.constant 0 : i32
      %cond3A_179 = arith.cmpi ne, %convert_element_type3A_177, %cond3A_178 : i32
      scf.if %cond3A_179 {
        %dma_wait3A_188 = arith.constant 0 : i32
        %dma_wait3A_189 = arith.constant 0 : i32
        %dma_wait3A_190 = tpu.memref_slice %arg2[%dma_wait3A_188, %dma_wait3A_189] : memref<10000x128xf32, #tpu.memory_space<hbm>> -> memref<80x128xf32, #tpu.memory_space<hbm>>
        %dma_wait3A_191 = arith.constant 0 : i32
        %dma_wait3A_192 = arith.constant 0 : i32
        %dma_wait3A_193 = tpu.memref_slice %arg2[%dma_wait3A_191, %dma_wait3A_192] : memref<10000x128xf32, #tpu.memory_space<hbm>> -> memref<80x128xf32, #tpu.memory_space<hbm>>
        tpu.wait_dma2 semaphore(%arg18 : memref<!tpu.dma_semaphore, #tpu.memory_space<semaphore_mem>>) src(%dma_wait3A_193 : memref<80x128xf32, #tpu.memory_space<hbm>>) dst(%arg12 : memref<80x128xf32, #tpu.memory_space<vmem>>)
      } else {
      }
      %add3A_180 = arith.constant 2 : i32
      %add3A_181 = arith.addi %add3A_158, %add3A_180 : i32
      %lt3A_182 = arith.constant 125 : i32
      %lt3A_183 = arith.cmpi slt, %add3A_181, %lt3A_182 : i32
      %convert_element_type3A_184 = arith.extui %lt3A_183 : i1 to i32
      %cond3A_185 = arith.constant 0 : i32
      %cond3A_186 = arith.cmpi ne, %convert_element_type3A_184, %cond3A_185 : i32
      scf.if %cond3A_186 {
        %add3A_188 = arith.constant 2 : i32
        %add3A_189 = arith.addi %add3A_158, %add3A_188 : i32
        %mul3A_190 = arith.constant 10000 : i32
        %mul3A_191 = arith.muli %add3A, %mul3A_190 : i32
        %mul3A_192 = arith.constant 80 : i32
        %mul3A_193 = arith.muli %add3A_189, %mul3A_192 : i32
        %add3A_194 = arith.addi %mul3A_191, %mul3A_193 : i32
        %dma_start3A_195 = tpu.memref_slice %arg4[%add3A_194] : memref<320000xi32, #tpu.memory_space<hbm>> -> memref<80xi32, #tpu.memory_space<hbm>>
        %dma_start3A_196 = tpu.memref_slice %arg4[%add3A_194] : memref<320000xi32, #tpu.memory_space<hbm>> -> memref<80xi32, #tpu.memory_space<hbm>>
        tpu.enqueue_dma source(%dma_start3A_196 : memref<80xi32, #tpu.memory_space<hbm>>) target(%arg9 : memref<80xi32, #tpu.memory_space<vmem>>) target_semaphore(%arg15 : memref<!tpu.dma_semaphore, #tpu.memory_space<semaphore_mem>>)
        %mul3A_197 = arith.constant 80 : i32
        %mul3A_198 = arith.muli %add3A_189, %mul3A_197 : i32
        %dma_start3A_199 = tpu.memref_slice %arg7[%mul3A_198] : memref<10000xi32, #tpu.memory_space<vmem>> -> memref<80xi32, #tpu.memory_space<vmem>>
        %dma_start3A_200 = arith.constant 0 : i32
        %dma_start3A_201 = arith.constant 0 : i32
        %dma_start3A_202 = tpu.memref_slice %arg2[%dma_start3A_200, %dma_start3A_201] : memref<10000x128xf32, #tpu.memory_space<hbm>> -> memref<10000x128xf32, #tpu.memory_space<hbm>>
        tpu.enqueue_indirect_dma source(%dma_start3A_202 : memref<10000x128xf32, #tpu.memory_space<hbm>>) target(%arg12 : memref<80x128xf32, #tpu.memory_space<vmem>>) offsets(%dma_start3A_199 : memref<80xi32, #tpu.memory_space<vmem>>) semaphore(%arg15 : memref<!tpu.dma_semaphore, #tpu.memory_space<semaphore_mem>>)
      } else {
      }
      %scan3A_187 = arith.constant 0 : i32
      scf.yield %scan3A_187 : i32
    }
    %scan3A_44 = arith.constant 41 : i32
    %mul3A_45 = arith.constant 10000 : i32
    %mul3A_46 = arith.muli %add3A, %mul3A_45 : i32
    %add3A_47 = arith.constant 9840 : i32
    %add3A_48 = arith.addi %mul3A_46, %add3A_47 : i32
    %dma_wait3A = tpu.memref_slice %arg4[%add3A_48] : memref<320000xi32, #tpu.memory_space<hbm>> -> memref<80xi32, #tpu.memory_space<hbm>>
    %dma_wait3A_49 = tpu.memref_slice %arg4[%add3A_48] : memref<320000xi32, #tpu.memory_space<hbm>> -> memref<80xi32, #tpu.memory_space<hbm>>
    tpu.wait_dma2 semaphore(%arg14 : memref<!tpu.dma_semaphore, #tpu.memory_space<semaphore_mem>>) src(%dma_wait3A_49 : memref<80xi32, #tpu.memory_space<hbm>>) dst(%arg8 : memref<80xi32, #tpu.memory_space<vmem>>)
    %dma_wait3A_50 = arith.constant 9840 : i32
    %dma_wait3A_51 = tpu.memref_slice %arg7[%dma_wait3A_50] : memref<10000xi32, #tpu.memory_space<vmem>> -> memref<80xi32, #tpu.memory_space<vmem>>
    %dma_wait3A_52 = arith.constant 0 : i32
    %dma_wait3A_53 = arith.constant 0 : i32
    %dma_wait3A_54 = tpu.memref_slice %arg2[%dma_wait3A_52, %dma_wait3A_53] : memref<10000x128xf32, #tpu.memory_space<hbm>> -> memref<10000x128xf32, #tpu.memory_space<hbm>>
    tpu.wait_indirect_dma semaphore(%arg14 : memref<!tpu.dma_semaphore, #tpu.memory_space<semaphore_mem>>) src(%dma_wait3A_54 : memref<10000x128xf32, #tpu.memory_space<hbm>>) dst(%arg11 : memref<80x128xf32, #tpu.memory_space<vmem>>)
    %dma_start3A_55 = arith.constant 0 : i32
    %dma_start3A_56 = arith.constant 0 : i32
    %dma_start3A_57 = tpu.memref_slice %arg6[%dma_start3A_55, %dma_start3A_56] : memref<10240x128xf32, #tpu.memory_space<vmem_shared>> -> memref<10240x128xf32, #tpu.memory_space<vmem_shared>>
    tpu.enqueue_indirect_dma source(%arg11 : memref<80x128xf32, #tpu.memory_space<vmem>>) target(%dma_start3A_57 : memref<10240x128xf32, #tpu.memory_space<vmem_shared>>) offsets(%arg8 : memref<80xi32, #tpu.memory_space<vmem>>) semaphore(%arg17 : memref<!tpu.dma_semaphore, #tpu.memory_space<semaphore_mem>>) {add = true}
    %dma_wait3A_58 = arith.constant 0 : i32
    %dma_wait3A_59 = arith.constant 0 : i32
    %dma_wait3A_60 = tpu.memref_slice %arg2[%dma_wait3A_58, %dma_wait3A_59] : memref<10000x128xf32, #tpu.memory_space<hbm>> -> memref<80x128xf32, #tpu.memory_space<hbm>>
    %dma_wait3A_61 = arith.constant 0 : i32
    %dma_wait3A_62 = arith.constant 0 : i32
    %dma_wait3A_63 = tpu.memref_slice %arg2[%dma_wait3A_61, %dma_wait3A_62] : memref<10000x128xf32, #tpu.memory_space<hbm>> -> memref<80x128xf32, #tpu.memory_space<hbm>>
    tpu.wait_dma2 semaphore(%arg19 : memref<!tpu.dma_semaphore, #tpu.memory_space<semaphore_mem>>) src(%dma_wait3A_63 : memref<80x128xf32, #tpu.memory_space<hbm>>) dst(%arg13 : memref<80x128xf32, #tpu.memory_space<vmem>>)
    %mul3A_64 = arith.constant 10000 : i32
    %mul3A_65 = arith.muli %add3A, %mul3A_64 : i32
    %add3A_66 = arith.constant 9920 : i32
    %add3A_67 = arith.addi %mul3A_65, %add3A_66 : i32
    %dma_wait3A_68 = tpu.memref_slice %arg4[%add3A_67] : memref<320000xi32, #tpu.memory_space<hbm>> -> memref<80xi32, #tpu.memory_space<hbm>>
    %dma_wait3A_69 = tpu.memref_slice %arg4[%add3A_67] : memref<320000xi32, #tpu.memory_space<hbm>> -> memref<80xi32, #tpu.memory_space<hbm>>
    tpu.wait_dma2 semaphore(%arg15 : memref<!tpu.dma_semaphore, #tpu.memory_space<semaphore_mem>>) src(%dma_wait3A_69 : memref<80xi32, #tpu.memory_space<hbm>>) dst(%arg9 : memref<80xi32, #tpu.memory_space<vmem>>)
    %dma_wait3A_70 = arith.constant 9920 : i32
    %dma_wait3A_71 = tpu.memref_slice %arg7[%dma_wait3A_70] : memref<10000xi32, #tpu.memory_space<vmem>> -> memref<80xi32, #tpu.memory_space<vmem>>
    %dma_wait3A_72 = arith.constant 0 : i32
    %dma_wait3A_73 = arith.constant 0 : i32
    %dma_wait3A_74 = tpu.memref_slice %arg2[%dma_wait3A_72, %dma_wait3A_73] : memref<10000x128xf32, #tpu.memory_space<hbm>> -> memref<10000x128xf32, #tpu.memory_space<hbm>>
    tpu.wait_indirect_dma semaphore(%arg15 : memref<!tpu.dma_semaphore, #tpu.memory_space<semaphore_mem>>) src(%dma_wait3A_74 : memref<10000x128xf32, #tpu.memory_space<hbm>>) dst(%arg12 : memref<80x128xf32, #tpu.memory_space<vmem>>)
    %dma_start3A_75 = arith.constant 0 : i32
    %dma_start3A_76 = arith.constant 0 : i32
    %dma_start3A_77 = tpu.memref_slice %arg6[%dma_start3A_75, %dma_start3A_76] : memref<10240x128xf32, #tpu.memory_space<vmem_shared>> -> memref<10240x128xf32, #tpu.memory_space<vmem_shared>>
    tpu.enqueue_indirect_dma source(%arg12 : memref<80x128xf32, #tpu.memory_space<vmem>>) target(%dma_start3A_77 : memref<10240x128xf32, #tpu.memory_space<vmem_shared>>) offsets(%arg9 : memref<80xi32, #tpu.memory_space<vmem>>) semaphore(%arg18 : memref<!tpu.dma_semaphore, #tpu.memory_space<semaphore_mem>>) {add = true}
    %dma_wait3A_78 = arith.constant 0 : i32
    %dma_wait3A_79 = arith.constant 0 : i32
    %dma_wait3A_80 = tpu.memref_slice %arg2[%dma_wait3A_78, %dma_wait3A_79] : memref<10000x128xf32, #tpu.memory_space<hbm>> -> memref<80x128xf32, #tpu.memory_space<hbm>>
    %dma_wait3A_81 = arith.constant 0 : i32
    %dma_wait3A_82 = arith.constant 0 : i32
    %dma_wait3A_83 = tpu.memref_slice %arg2[%dma_wait3A_81, %dma_wait3A_82] : memref<10000x128xf32, #tpu.memory_space<hbm>> -> memref<80x128xf32, #tpu.memory_space<hbm>>
    tpu.wait_dma2 semaphore(%arg17 : memref<!tpu.dma_semaphore, #tpu.memory_space<semaphore_mem>>) src(%dma_wait3A_83 : memref<80x128xf32, #tpu.memory_space<hbm>>) dst(%arg11 : memref<80x128xf32, #tpu.memory_space<vmem>>)
    %dma_wait3A_84 = arith.constant 0 : i32
    %dma_wait3A_85 = arith.constant 0 : i32
    %dma_wait3A_86 = tpu.memref_slice %arg2[%dma_wait3A_84, %dma_wait3A_85] : memref<10000x128xf32, #tpu.memory_space<hbm>> -> memref<80x128xf32, #tpu.memory_space<hbm>>
    %dma_wait3A_87 = arith.constant 0 : i32
    %dma_wait3A_88 = arith.constant 0 : i32
    %dma_wait3A_89 = tpu.memref_slice %arg2[%dma_wait3A_87, %dma_wait3A_88] : memref<10000x128xf32, #tpu.memory_space<hbm>> -> memref<80x128xf32, #tpu.memory_space<hbm>>
    tpu.wait_dma2 semaphore(%arg18 : memref<!tpu.dma_semaphore, #tpu.memory_space<semaphore_mem>>) src(%dma_wait3A_89 : memref<80x128xf32, #tpu.memory_space<hbm>>) dst(%arg12 : memref<80x128xf32, #tpu.memory_space<vmem>>)
    %barrier3A_90 = arith.constant 0 : index
    tpu.barrier barrier_id(%barrier3A_90)
    %mul3A_91 = arith.constant 640 : i32
    %mul3A_92 = arith.muli %arg1, %mul3A_91 : i32
    "tpu.region"() ({
      %run_scoped3A = tpu.sem_alloc : memref<!tpu.dma_semaphore, #tpu.memory_space<semaphore_mem>>
      %dma_start3A_93 = arith.constant 0 : i32
      %dma_start3A_94 = tpu.memref_slice %arg5[%arg0, %mul3A_92, %dma_start3A_93] : memref<2x10240x128xf32, #tpu.memory_space<hbm>> -> memref<1x640x128xf32, #tpu.memory_space<hbm>>
      %dma_start3A_95 = tpu.memref_squeeze %dma_start3A_94 : memref<1x640x128xf32, #tpu.memory_space<hbm>> -> memref<640x128xf32, #tpu.memory_space<hbm>>
      %dma_start3A_96 = arith.constant 0 : i32
      %dma_start3A_97 = tpu.memref_slice %arg6[%mul3A_92, %dma_start3A_96] : memref<10240x128xf32, #tpu.memory_space<vmem_shared>> -> memref<640x128xf32, #tpu.memory_space<vmem_shared>>
      tpu.enqueue_dma source(%dma_start3A_97 : memref<640x128xf32, #tpu.memory_space<vmem_shared>>) target(%dma_start3A_95 : memref<640x128xf32, #tpu.memory_space<hbm>>) target_semaphore(%run_scoped3A : memref<!tpu.dma_semaphore, #tpu.memory_space<semaphore_mem>>)
      %dma_wait3A_98 = arith.constant 0 : i32
      %dma_wait3A_99 = tpu.memref_slice %arg5[%arg0, %mul3A_92, %dma_wait3A_98] : memref<2x10240x128xf32, #tpu.memory_space<hbm>> -> memref<1x640x128xf32, #tpu.memory_space<hbm>>
      %dma_wait3A_100 = tpu.memref_squeeze %dma_wait3A_99 : memref<1x640x128xf32, #tpu.memory_space<hbm>> -> memref<640x128xf32, #tpu.memory_space<hbm>>
      %dma_wait3A_101 = arith.constant 0 : i32
      %dma_wait3A_102 = tpu.memref_slice %arg6[%mul3A_92, %dma_wait3A_101] : memref<10240x128xf32, #tpu.memory_space<vmem_shared>> -> memref<640x128xf32, #tpu.memory_space<vmem_shared>>
      tpu.wait_dma2 semaphore(%run_scoped3A : memref<!tpu.dma_semaphore, #tpu.memory_space<semaphore_mem>>) src(%dma_wait3A_102 : memref<640x128xf32, #tpu.memory_space<vmem_shared>>) dst(%dma_wait3A_100 : memref<640x128xf32, #tpu.memory_space<hbm>>)
      tpu.yield
    }) : () -> ()
    return
  }
}

#map = affine_map<(d0, d1) -> (0)>
module attributes {stable_mosaic.version = 14 : i64} {
  func.func @body(%arg0: i32, %arg1: i32, %arg2: memref<320000xi32, #tpu.memory_space<hbm>>, %arg3: memref<327680xf32, #tpu.memory_space<hbm>>, %arg4: memref<10240xf32, #tpu.memory_space<vmem>>, %arg5: memref<10000xi32, #tpu.memory_space<vmem>>) attributes {dimension_semantics = [#tpu.dimension_semantics<core_parallel>, #tpu.dimension_semantics<subcore_parallel>], iteration_bounds = array<i64: 2, 16>, scalar_prefetch = 0 : i64, scratch_operands = 2 : i64, tpu.core_type = #tpu.core_type<sc_vector_subcore>, window_params = [{transform_indices = #map}, {transform_indices = #map}]} {
    %mul3A = arith.constant 16 : i32
    %mul3A_0 = arith.muli %arg0, %mul3A : i32
    %add3A = arith.addi %mul3A_0, %arg1 : i32
    %mul3A_1 = arith.constant 10000 : i32
    %mul3A_2 = arith.muli %add3A, %mul3A_1 : i32
    "tpu.region"() ({
      %run_scoped3A = tpu.sem_alloc : memref<!tpu.dma_semaphore, #tpu.memory_space<semaphore_mem>>
      %dma_start3A = tpu.memref_slice %arg2[%mul3A_2] : memref<320000xi32, #tpu.memory_space<hbm>> -> memref<10000xi32, #tpu.memory_space<hbm>>
      %dma_start3A_21 = tpu.memref_slice %arg2[%mul3A_2] : memref<320000xi32, #tpu.memory_space<hbm>> -> memref<10000xi32, #tpu.memory_space<hbm>>
      tpu.enqueue_dma source(%dma_start3A_21 : memref<10000xi32, #tpu.memory_space<hbm>>) target(%arg5 : memref<10000xi32, #tpu.memory_space<vmem>>) target_semaphore(%run_scoped3A : memref<!tpu.dma_semaphore, #tpu.memory_space<semaphore_mem>>)
      %dma_wait3A = tpu.memref_slice %arg2[%mul3A_2] : memref<320000xi32, #tpu.memory_space<hbm>> -> memref<10000xi32, #tpu.memory_space<hbm>>
      %dma_wait3A_22 = tpu.memref_slice %arg2[%mul3A_2] : memref<320000xi32, #tpu.memory_space<hbm>> -> memref<10000xi32, #tpu.memory_space<hbm>>
      tpu.wait_dma2 semaphore(%run_scoped3A : memref<!tpu.dma_semaphore, #tpu.memory_space<semaphore_mem>>) src(%dma_wait3A_22 : memref<10000xi32, #tpu.memory_space<hbm>>) dst(%arg5 : memref<10000xi32, #tpu.memory_space<vmem>>)
      tpu.yield
    }) : () -> ()
    %broadcast_in_dim3A = arith.constant 0.000000e+00 : f32
    %broadcast_in_dim3A_3 = vector.broadcast %broadcast_in_dim3A : f32 to vector<16xf32>
    %scan3A = arith.constant 0 : i32
    %scan3A_4 = arith.constant 0 : i32
    %scan3A_5 = arith.constant 640 : i32
    %scan3A_6 = arith.addi %scan3A_4, %scan3A_5 : i32
    %scan3A_7 = arith.constant 1 : i32
    %scan3A_8 = scf.for %scan3A_21 = %scan3A_4 to %scan3A_6 step %scan3A_7 iter_args(%scan3A_22 = %scan3A) -> (i32)  : i32 {
      %mul3A_23 = arith.constant 16 : i32
      %mul3A_24 = arith.muli %scan3A_21, %mul3A_23 : i32
      %swap3A = arith.index_cast %mul3A_24 : i32 to index
      %swap3A_25 = tpu.vector_load %arg4[%swap3A] {strides = array<i32>} : memref<10240xf32, #tpu.memory_space<vmem>>, vector<16xf32>,
      tpu.vector_store %arg4[%swap3A], %broadcast_in_dim3A_3 {strides = array<i32>} : memref<10240xf32, #tpu.memory_space<vmem>>, vector<16xf32>,
      %scan3A_26 = arith.constant 0 : i32
      scf.yield %scan3A_26 : i32
    }
    %scan3A_9 = arith.constant 640 : i32
    %broadcast_in_dim3A_10 = arith.constant 1.000000e+00 : f32
    %broadcast_in_dim3A_11 = vector.broadcast %broadcast_in_dim3A_10 : f32 to vector<16xf32>
    %scan3A_12 = arith.constant 0 : i32
    %scan3A_13 = arith.constant 0 : i32
    %scan3A_14 = arith.constant 625 : i32
    %scan3A_15 = arith.addi %scan3A_13, %scan3A_14 : i32
    %scan3A_16 = arith.constant 1 : i32
    %scan3A_17 = scf.for %scan3A_21 = %scan3A_13 to %scan3A_15 step %scan3A_16 iter_args(%scan3A_22 = %scan3A_12) -> (i32)  : i32 {
      %mul3A_23 = arith.constant 16 : i32
      %mul3A_24 = arith.muli %scan3A_21, %mul3A_23 : i32
      %get3A = arith.index_cast %mul3A_24 : i32 to index
      %get3A_25 = tpu.vector_load %arg5[%get3A] {strides = array<i32>} : memref<10000xi32, #tpu.memory_space<vmem>>, vector<16xi32>,
      tpu.vector_store_idx %arg4[%get3A_25], %broadcast_in_dim3A_11 {add = true} : memref<10240xf32, #tpu.memory_space<vmem>>[vector<16xi32>], vector<16xf32>,
      %scan3A_26 = arith.constant 0 : i32
      scf.yield %scan3A_26 : i32
    }
    %scan3A_18 = arith.constant 625 : i32
    %mul3A_19 = arith.constant 10240 : i32
    %mul3A_20 = arith.muli %add3A, %mul3A_19 : i32
    "tpu.region"() ({
      %run_scoped3A = tpu.sem_alloc : memref<!tpu.dma_semaphore, #tpu.memory_space<semaphore_mem>>
      %dma_start3A = tpu.memref_slice %arg3[%mul3A_20] : memref<327680xf32, #tpu.memory_space<hbm>> -> memref<10240xf32, #tpu.memory_space<hbm>>
      %dma_start3A_21 = tpu.memref_slice %arg3[%mul3A_20] : memref<327680xf32, #tpu.memory_space<hbm>> -> memref<10240xf32, #tpu.memory_space<hbm>>
      tpu.enqueue_dma source(%arg4 : memref<10240xf32, #tpu.memory_space<vmem>>) target(%dma_start3A_21 : memref<10240xf32, #tpu.memory_space<hbm>>) target_semaphore(%run_scoped3A : memref<!tpu.dma_semaphore, #tpu.memory_space<semaphore_mem>>)
      %dma_wait3A = tpu.memref_slice %arg3[%mul3A_20] : memref<327680xf32, #tpu.memory_space<hbm>> -> memref<10240xf32, #tpu.memory_space<hbm>>
      %dma_wait3A_22 = tpu.memref_slice %arg3[%mul3A_20] : memref<327680xf32, #tpu.memory_space<hbm>> -> memref<10240xf32, #tpu.memory_space<hbm>>
      tpu.wait_dma2 semaphore(%run_scoped3A : memref<!tpu.dma_semaphore, #tpu.memory_space<semaphore_mem>>) src(%arg4 : memref<10240xf32, #tpu.memory_space<vmem>>) dst(%dma_wait3A_22 : memref<10240xf32, #tpu.memory_space<hbm>>)
      tpu.yield
    }) : () -> ()
    return
  }
}

#map = affine_map<(d0, d1) -> (0, 0)>
#map1 = affine_map<(d0, d1) -> (0)>
#map2 = affine_map<(d0, d1) -> (0, 0, 0)>
module attributes {stable_mosaic.version = 14 : i64} {
  func.func @body(%arg0: i32, %arg1: i32, %arg2: memref<10000x128xf32, #tpu.memory_space<hbm>>, %arg3: memref<320000xi32, #tpu.memory_space<hbm>>, %arg4: memref<320000xi32, #tpu.memory_space<hbm>>, %arg5: memref<2x10240x128xf32, #tpu.memory_space<hbm>>, %arg6: memref<10240x128xf32, #tpu.memory_space<vmem_shared>>, %arg7: memref<10000xi32, #tpu.memory_space<vmem>>, %arg8: memref<80xi32, #tpu.memory_space<vmem>>, %arg9: memref<80xi32, #tpu.memory_space<vmem>>, %arg10: memref<80xi32, #tpu.memory_space<vmem>>, %arg11: memref<80x128xf32, #tpu.memory_space<vmem>>, %arg12: memref<80x128xf32, #tpu.memory_space<vmem>>, %arg13: memref<80x128xf32, #tpu.memory_space<vmem>>, %arg14: memref<!tpu.dma_semaphore, #tpu.memory_space<semaphore_mem>>, %arg15: memref<!tpu.dma_semaphore, #tpu.memory_space<semaphore_mem>>, %arg16: memref<!tpu.dma_semaphore, #tpu.memory_space<semaphore_mem>>, %arg17: memref<!tpu.dma_semaphore, #tpu.memory_space<semaphore_mem>>, %arg18: memref<!tpu.dma_semaphore, #tpu.memory_space<semaphore_mem>>, %arg19: memref<!tpu.dma_semaphore, #tpu.memory_space<semaphore_mem>>) attributes {dimension_semantics = [#tpu.dimension_semantics<core_parallel>, #tpu.dimension_semantics<subcore_parallel>], iteration_bounds = array<i64: 2, 16>, scalar_prefetch = 0 : i64, scratch_operands = 14 : i64, tpu.core_type = #tpu.core_type<sc_vector_subcore>, window_params = [{transform_indices = #map}, {transform_indices = #map1}, {transform_indices = #map1}, {transform_indices = #map2}]} {
    %mul3A = arith.constant 16 : i32
    %mul3A_0 = arith.muli %arg0, %mul3A : i32
    %add3A = arith.addi %mul3A_0, %arg1 : i32
    %broadcast_in_dim3A = arith.constant 0.000000e+00 : f32
    %broadcast_in_dim3A_1 = vector.broadcast %broadcast_in_dim3A : f32 to vector<16xf32>
    %scan3A = arith.constant 0 : i32
    %scan3A_2 = arith.constant 0 : i32
    %scan3A_3 = arith.constant 80 : i32
    %scan3A_4 = arith.addi %scan3A_2, %scan3A_3 : i32
    %scan3A_5 = arith.constant 1 : i32
    %scan3A_6 = scf.for %scan3A_93 = %scan3A_2 to %scan3A_4 step %scan3A_5 iter_args(%scan3A_94 = %scan3A) -> (i32)  : i32 {
      %swap3A = arith.index_cast %scan3A_93 : i32 to index
      %swap3A_95 = arith.constant 0 : index
      %swap3A_96 = tpu.vector_load %arg13[%swap3A, %swap3A_95] {strides = array<i32>} : memref<80x128xf32, #tpu.memory_space<vmem>>, vector<1x16xf32>,
      %swap3A_97 = vector.shape_cast %swap3A_96 : vector<1x16xf32> to vector<16xf32>
      %swap3A_98 = vector.shape_cast %broadcast_in_dim3A_1 : vector<16xf32> to vector<1x16xf32>
      tpu.vector_store %arg13[%swap3A, %swap3A_95], %swap3A_98 {strides = array<i32>} : memref<80x128xf32, #tpu.memory_space<vmem>>, vector<1x16xf32>,
      %swap3A_99 = arith.index_cast %scan3A_93 : i32 to index
      %swap3A_100 = arith.constant 16 : index
      %swap3A_101 = tpu.vector_load %arg13[%swap3A_99, %swap3A_100] {strides = array<i32>} : memref<80x128xf32, #tpu.memory_space<vmem>>, vector<1x16xf32>,
      %swap3A_102 = vector.shape_cast %swap3A_101 : vector<1x16xf32> to vector<16xf32>
      %swap3A_103 = vector.shape_cast %broadcast_in_dim3A_1 : vector<16xf32> to vector<1x16xf32>
      tpu.vector_store %arg13[%swap3A_99, %swap3A_100], %swap3A_103 {strides = array<i32>} : memref<80x128xf32, #tpu.memory_space<vmem>>, vector<1x16xf32>,
      %swap3A_104 = arith.index_cast %scan3A_93 : i32 to index
      %swap3A_105 = arith.constant 32 : index
      %swap3A_106 = tpu.vector_load %arg13[%swap3A_104, %swap3A_105] {strides = array<i32>} : memref<80x128xf32, #tpu.memory_space<vmem>>, vector<1x16xf32>,
      %swap3A_107 = vector.shape_cast %swap3A_106 : vector<1x16xf32> to vector<16xf32>
      %swap3A_108 = vector.shape_cast %broadcast_in_dim3A_1 : vector<16xf32> to vector<1x16xf32>
      tpu.vector_store %arg13[%swap3A_104, %swap3A_105], %swap3A_108 {strides = array<i32>} : memref<80x128xf32, #tpu.memory_space<vmem>>, vector<1x16xf32>,
      %swap3A_109 = arith.index_cast %scan3A_93 : i32 to index
      %swap3A_110 = arith.constant 48 : index
      %swap3A_111 = tpu.vector_load %arg13[%swap3A_109, %swap3A_110] {strides = array<i32>} : memref<80x128xf32, #tpu.memory_space<vmem>>, vector<1x16xf32>,
      %swap3A_112 = vector.shape_cast %swap3A_111 : vector<1x16xf32> to vector<16xf32>
      %swap3A_113 = vector.shape_cast %broadcast_in_dim3A_1 : vector<16xf32> to vector<1x16xf32>
      tpu.vector_store %arg13[%swap3A_109, %swap3A_110], %swap3A_113 {strides = array<i32>} : memref<80x128xf32, #tpu.memory_space<vmem>>, vector<1x16xf32>,
      %swap3A_114 = arith.index_cast %scan3A_93 : i32 to index
      %swap3A_115 = arith.constant 64 : index
      %swap3A_116 = tpu.vector_load %arg13[%swap3A_114, %swap3A_115] {strides = array<i32>} : memref<80x128xf32, #tpu.memory_space<vmem>>, vector<1x16xf32>,
      %swap3A_117 = vector.shape_cast %swap3A_116 : vector<1x16xf32> to vector<16xf32>
      %swap3A_118 = vector.shape_cast %broadcast_in_dim3A_1 : vector<16xf32> to vector<1x16xf32>
      tpu.vector_store %arg13[%swap3A_114, %swap3A_115], %swap3A_118 {strides = array<i32>} : memref<80x128xf32, #tpu.memory_space<vmem>>, vector<1x16xf32>,
      %swap3A_119 = arith.index_cast %scan3A_93 : i32 to index
      %swap3A_120 = arith.constant 80 : index
      %swap3A_121 = tpu.vector_load %arg13[%swap3A_119, %swap3A_120] {strides = array<i32>} : memref<80x128xf32, #tpu.memory_space<vmem>>, vector<1x16xf32>,
      %swap3A_122 = vector.shape_cast %swap3A_121 : vector<1x16xf32> to vector<16xf32>
      %swap3A_123 = vector.shape_cast %broadcast_in_dim3A_1 : vector<16xf32> to vector<1x16xf32>
      tpu.vector_store %arg13[%swap3A_119, %swap3A_120], %swap3A_123 {strides = array<i32>} : memref<80x128xf32, #tpu.memory_space<vmem>>, vector<1x16xf32>,
      %swap3A_124 = arith.index_cast %scan3A_93 : i32 to index
      %swap3A_125 = arith.constant 96 : index
      %swap3A_126 = tpu.vector_load %arg13[%swap3A_124, %swap3A_125] {strides = array<i32>} : memref<80x128xf32, #tpu.memory_space<vmem>>, vector<1x16xf32>,
      %swap3A_127 = vector.shape_cast %swap3A_126 : vector<1x16xf32> to vector<16xf32>
      %swap3A_128 = vector.shape_cast %broadcast_in_dim3A_1 : vector<16xf32> to vector<1x16xf32>
      tpu.vector_store %arg13[%swap3A_124, %swap3A_125], %swap3A_128 {strides = array<i32>} : memref<80x128xf32, #tpu.memory_space<vmem>>, vector<1x16xf32>,
      %swap3A_129 = arith.index_cast %scan3A_93 : i32 to index
      %swap3A_130 = arith.constant 112 : index
      %swap3A_131 = tpu.vector_load %arg13[%swap3A_129, %swap3A_130] {strides = array<i32>} : memref<80x128xf32, #tpu.memory_space<vmem>>, vector<1x16xf32>,
      %swap3A_132 = vector.shape_cast %swap3A_131 : vector<1x16xf32> to vector<16xf32>
      %swap3A_133 = vector.shape_cast %broadcast_in_dim3A_1 : vector<16xf32> to vector<1x16xf32>
      tpu.vector_store %arg13[%swap3A_129, %swap3A_130], %swap3A_133 {strides = array<i32>} : memref<80x128xf32, #tpu.memory_space<vmem>>, vector<1x16xf32>,
      %scan3A_134 = arith.constant 0 : i32
      scf.yield %scan3A_134 : i32
    }
    %scan3A_7 = arith.constant 80 : i32
    %mul3A_8 = arith.constant 10000 : i32
    %mul3A_9 = arith.muli %add3A, %mul3A_8 : i32
    "tpu.region"() ({
      %run_scoped3A = tpu.sem_alloc : memref<!tpu.dma_semaphore, #tpu.memory_space<semaphore_mem>>
      %dma_start3A_93 = tpu.memref_slice %arg3[%mul3A_9] : memref<320000xi32, #tpu.memory_space<hbm>> -> memref<10000xi32, #tpu.memory_space<hbm>>
      %dma_start3A_94 = tpu.memref_slice %arg3[%mul3A_9] : memref<320000xi32, #tpu.memory_space<hbm>> -> memref<10000xi32, #tpu.memory_space<hbm>>
      tpu.enqueue_dma source(%dma_start3A_94 : memref<10000xi32, #tpu.memory_space<hbm>>) target(%arg7 : memref<10000xi32, #tpu.memory_space<vmem>>) target_semaphore(%run_scoped3A : memref<!tpu.dma_semaphore, #tpu.memory_space<semaphore_mem>>)
      %dma_wait3A_95 = tpu.memref_slice %arg3[%mul3A_9] : memref<320000xi32, #tpu.memory_space<hbm>> -> memref<10000xi32, #tpu.memory_space<hbm>>
      %dma_wait3A_96 = tpu.memref_slice %arg3[%mul3A_9] : memref<320000xi32, #tpu.memory_space<hbm>> -> memref<10000xi32, #tpu.memory_space<hbm>>
      tpu.wait_dma2 semaphore(%run_scoped3A : memref<!tpu.dma_semaphore, #tpu.memory_space<semaphore_mem>>) src(%dma_wait3A_96 : memref<10000xi32, #tpu.memory_space<hbm>>) dst(%arg7 : memref<10000xi32, #tpu.memory_space<vmem>>)
      tpu.yield
    }) : () -> ()
    %mul3A_10 = arith.constant 10000 : i32
    %mul3A_11 = arith.muli %add3A, %mul3A_10 : i32
    %add3A_12 = arith.constant 0 : i32
    %add3A_13 = arith.addi %mul3A_11, %add3A_12 : i32
    %dma_start3A = tpu.memref_slice %arg4[%add3A_13] : memref<320000xi32, #tpu.memory_space<hbm>> -> memref<80xi32, #tpu.memory_space<hbm>>
    %dma_start3A_14 = tpu.memref_slice %arg4[%add3A_13] : memref<320000xi32, #tpu.memory_space<hbm>> -> memref<80xi32, #tpu.memory_space<hbm>>
    tpu.enqueue_dma source(%dma_start3A_14 : memref<80xi32, #tpu.memory_space<hbm>>) target(%arg8 : memref<80xi32, #tpu.memory_space<vmem>>) target_semaphore(%arg14 : memref<!tpu.dma_semaphore, #tpu.memory_space<semaphore_mem>>)
    %dma_start3A_15 = arith.constant 0 : i32
    %dma_start3A_16 = tpu.memref_slice %arg7[%dma_start3A_15] : memref<10000xi32, #tpu.memory_space<vmem>> -> memref<80xi32, #tpu.memory_space<vmem>>
    %dma_start3A_17 = arith.constant 0 : i32
    %dma_start3A_18 = arith.constant 0 : i32
    %dma_start3A_19 = tpu.memref_slice %arg2[%dma_start3A_17, %dma_start3A_18] : memref<10000x128xf32, #tpu.memory_space<hbm>> -> memref<10000x128xf32, #tpu.memory_space<hbm>>
    tpu.enqueue_indirect_dma source(%dma_start3A_19 : memref<10000x128xf32, #tpu.memory_space<hbm>>) target(%arg11 : memref<80x128xf32, #tpu.memory_space<vmem>>) offsets(%dma_start3A_16 : memref<80xi32, #tpu.memory_space<vmem>>) semaphore(%arg14 : memref<!tpu.dma_semaphore, #tpu.memory_space<semaphore_mem>>)
    %mul3A_20 = arith.constant 10000 : i32
    %mul3A_21 = arith.muli %add3A, %mul3A_20 : i32
    %add3A_22 = arith.constant 80 : i32
    %add3A_23 = arith.addi %mul3A_21, %add3A_22 : i32
    %dma_start3A_24 = tpu.memref_slice %arg4[%add3A_23] : memref<320000xi32, #tpu.memory_space<hbm>> -> memref<80xi32, #tpu.memory_space<hbm>>
    %dma_start3A_25 = tpu.memref_slice %arg4[%add3A_23] : memref<320000xi32, #tpu.memory_space<hbm>> -> memref<80xi32, #tpu.memory_space<hbm>>
    tpu.enqueue_dma source(%dma_start3A_25 : memref<80xi32, #tpu.memory_space<hbm>>) target(%arg9 : memref<80xi32, #tpu.memory_space<vmem>>) target_semaphore(%arg15 : memref<!tpu.dma_semaphore, #tpu.memory_space<semaphore_mem>>)
    %dma_start3A_26 = arith.constant 80 : i32
    %dma_start3A_27 = tpu.memref_slice %arg7[%dma_start3A_26] : memref<10000xi32, #tpu.memory_space<vmem>> -> memref<80xi32, #tpu.memory_space<vmem>>
    %dma_start3A_28 = arith.constant 0 : i32
    %dma_start3A_29 = arith.constant 0 : i32
    %dma_start3A_30 = tpu.memref_slice %arg2[%dma_start3A_28, %dma_start3A_29] : memref<10000x128xf32, #tpu.memory_space<hbm>> -> memref<10000x128xf32, #tpu.memory_space<hbm>>
    tpu.enqueue_indirect_dma source(%dma_start3A_30 : memref<10000x128xf32, #tpu.memory_space<hbm>>) target(%arg12 : memref<80x128xf32, #tpu.memory_space<vmem>>) offsets(%dma_start3A_27 : memref<80xi32, #tpu.memory_space<vmem>>) semaphore(%arg15 : memref<!tpu.dma_semaphore, #tpu.memory_space<semaphore_mem>>)
    %scan3A_31 = arith.constant 0 : i32
    %scan3A_32 = arith.constant 0 : i32
    %scan3A_33 = arith.constant 8 : i32
    %scan3A_34 = arith.addi %scan3A_32, %scan3A_33 : i32
    %scan3A_35 = arith.constant 1 : i32
    %scan3A_36 = scf.for %scan3A_93 = %scan3A_32 to %scan3A_34 step %scan3A_35 iter_args(%scan3A_94 = %scan3A_31) -> (i32)  : i32 {
      %mul3A_95 = arith.constant 640 : i32
      %mul3A_96 = arith.muli %arg1, %mul3A_95 : i32
      %mul3A_97 = arith.constant 80 : i32
      %mul3A_98 = arith.muli %scan3A_93, %mul3A_97 : i32
      %add3A_99 = arith.addi %mul3A_96, %mul3A_98 : i32
      "tpu.region"() ({
        %run_scoped3A = tpu.sem_alloc : memref<!tpu.dma_semaphore, #tpu.memory_space<semaphore_mem>>
        %dma_start3A_101 = arith.constant 0 : i32
        %dma_start3A_102 = tpu.memref_slice %arg6[%add3A_99, %dma_start3A_101] : memref<10240x128xf32, #tpu.memory_space<vmem_shared>> -> memref<80x128xf32, #tpu.memory_space<vmem_shared>>
        %dma_start3A_103 = arith.constant 0 : i32
        %dma_start3A_104 = tpu.memref_slice %arg6[%add3A_99, %dma_start3A_103] : memref<10240x128xf32, #tpu.memory_space<vmem_shared>> -> memref<80x128xf32, #tpu.memory_space<vmem_shared>>
        tpu.enqueue_dma source(%arg13 : memref<80x128xf32, #tpu.memory_space<vmem>>) target(%dma_start3A_104 : memref<80x128xf32, #tpu.memory_space<vmem_shared>>) target_semaphore(%run_scoped3A : memref<!tpu.dma_semaphore, #tpu.memory_space<semaphore_mem>>)
        %dma_wait3A_105 = arith.constant 0 : i32
        %dma_wait3A_106 = tpu.memref_slice %arg6[%add3A_99, %dma_wait3A_105] : memref<10240x128xf32, #tpu.memory_space<vmem_shared>> -> memref<80x128xf32, #tpu.memory_space<vmem_shared>>
        %dma_wait3A_107 = arith.constant 0 : i32
        %dma_wait3A_108 = tpu.memref_slice %arg6[%add3A_99, %dma_wait3A_107] : memref<10240x128xf32, #tpu.memory_space<vmem_shared>> -> memref<80x128xf32, #tpu.memory_space<vmem_shared>>
        tpu.wait_dma2 semaphore(%run_scoped3A : memref<!tpu.dma_semaphore, #tpu.memory_space<semaphore_mem>>) src(%arg13 : memref<80x128xf32, #tpu.memory_space<vmem>>) dst(%dma_wait3A_108 : memref<80x128xf32, #tpu.memory_space<vmem_shared>>)
        tpu.yield
      }) : () -> ()
      %scan3A_100 = arith.constant 0 : i32
      scf.yield %scan3A_100 : i32
    }
    %scan3A_37 = arith.constant 8 : i32
    %barrier3A = arith.constant 0 : index
    tpu.barrier barrier_id(%barrier3A)
    %scan3A_38 = arith.constant 0 : i32
    %scan3A_39 = arith.constant 0 : i32
    %scan3A_40 = arith.constant 41 : i32
    %scan3A_41 = arith.addi %scan3A_39, %scan3A_40 : i32
    %scan3A_42 = arith.constant 1 : i32
    %scan3A_43 = scf.for %scan3A_93 = %scan3A_39 to %scan3A_41 step %scan3A_42 iter_args(%scan3A_94 = %scan3A_38) -> (i32)  : i32 {
      %mul3A_95 = arith.constant 3 : i32
      %mul3A_96 = arith.muli %mul3A_95, %scan3A_93 : i32
      %add3A_97 = arith.constant 0 : i32
      %add3A_98 = arith.addi %mul3A_96, %add3A_97 : i32
      %mul3A_99 = arith.constant 10000 : i32
      %mul3A_100 = arith.muli %add3A, %mul3A_99 : i32
      %mul3A_101 = arith.constant 80 : i32
      %mul3A_102 = arith.muli %add3A_98, %mul3A_101 : i32
      %add3A_103 = arith.addi %mul3A_100, %mul3A_102 : i32
      %dma_wait3A_104 = tpu.memref_slice %arg4[%add3A_103] : memref<320000xi32, #tpu.memory_space<hbm>> -> memref<80xi32, #tpu.memory_space<hbm>>
      %dma_wait3A_105 = tpu.memref_slice %arg4[%add3A_103] : memref<320000xi32, #tpu.memory_space<hbm>> -> memref<80xi32, #tpu.memory_space<hbm>>
      tpu.wait_dma2 semaphore(%arg14 : memref<!tpu.dma_semaphore, #tpu.memory_space<semaphore_mem>>) src(%dma_wait3A_105 : memref<80xi32, #tpu.memory_space<hbm>>) dst(%arg8 : memref<80xi32, #tpu.memory_space<vmem>>)
      %mul3A_106 = arith.constant 80 : i32
      %mul3A_107 = arith.muli %add3A_98, %mul3A_106 : i32
      %dma_wait3A_108 = tpu.memref_slice %arg7[%mul3A_107] : memref<10000xi32, #tpu.memory_space<vmem>> -> memref<80xi32, #tpu.memory_space<vmem>>
      %dma_wait3A_109 = arith.constant 0 : i32
      %dma_wait3A_110 = arith.constant 0 : i32
      %dma_wait3A_111 = tpu.memref_slice %arg2[%dma_wait3A_109, %dma_wait3A_110] : memref<10000x128xf32, #tpu.memory_space<hbm>> -> memref<10000x128xf32, #tpu.memory_space<hbm>>
      tpu.wait_indirect_dma semaphore(%arg14 : memref<!tpu.dma_semaphore, #tpu.memory_space<semaphore_mem>>) src(%dma_wait3A_111 : memref<10000x128xf32, #tpu.memory_space<hbm>>) dst(%arg11 : memref<80x128xf32, #tpu.memory_space<vmem>>)
      %dma_start3A_112 = arith.constant 0 : i32
      %dma_start3A_113 = arith.constant 0 : i32
      %dma_start3A_114 = tpu.memref_slice %arg6[%dma_start3A_112, %dma_start3A_113] : memref<10240x128xf32, #tpu.memory_space<vmem_shared>> -> memref<10240x128xf32, #tpu.memory_space<vmem_shared>>
      tpu.enqueue_indirect_dma source(%arg11 : memref<80x128xf32, #tpu.memory_space<vmem>>) target(%dma_start3A_114 : memref<10240x128xf32, #tpu.memory_space<vmem_shared>>) offsets(%arg8 : memref<80xi32, #tpu.memory_space<vmem>>) semaphore(%arg17 : memref<!tpu.dma_semaphore, #tpu.memory_space<semaphore_mem>>) {add = true}
      %gt3A = arith.constant 0 : i32
      %gt3A_115 = arith.cmpi sgt, %add3A_98, %gt3A : i32
      %convert_element_type3A = arith.extui %gt3A_115 : i1 to i32
      %cond3A = arith.constant 0 : i32
      %cond3A_116 = arith.cmpi ne, %convert_element_type3A, %cond3A : i32
      scf.if %cond3A_116 {
        %dma_wait3A_188 = arith.constant 0 : i32
        %dma_wait3A_189 = arith.constant 0 : i32
        %dma_wait3A_190 = tpu.memref_slice %arg2[%dma_wait3A_188, %dma_wait3A_189] : memref<10000x128xf32, #tpu.memory_space<hbm>> -> memref<80x128xf32, #tpu.memory_space<hbm>>
        %dma_wait3A_191 = arith.constant 0 : i32
        %dma_wait3A_192 = arith.constant 0 : i32
        %dma_wait3A_193 = tpu.memref_slice %arg2[%dma_wait3A_191, %dma_wait3A_192] : memref<10000x128xf32, #tpu.memory_space<hbm>> -> memref<80x128xf32, #tpu.memory_space<hbm>>
        tpu.wait_dma2 semaphore(%arg19 : memref<!tpu.dma_semaphore, #tpu.memory_space<semaphore_mem>>) src(%dma_wait3A_193 : memref<80x128xf32, #tpu.memory_space<hbm>>) dst(%arg13 : memref<80x128xf32, #tpu.memory_space<vmem>>)
      } else {
      }
      %add3A_117 = arith.constant 2 : i32
      %add3A_118 = arith.addi %add3A_98, %add3A_117 : i32
      %lt3A = arith.constant 125 : i32
      %lt3A_119 = arith.cmpi slt, %add3A_118, %lt3A : i32
      %convert_element_type3A_120 = arith.extui %lt3A_119 : i1 to i32
      %cond3A_121 = arith.constant 0 : i32
      %cond3A_122 = arith.cmpi ne, %convert_element_type3A_120, %cond3A_121 : i32
      scf.if %cond3A_122 {
        %add3A_188 = arith.constant 2 : i32
        %add3A_189 = arith.addi %add3A_98, %add3A_188 : i32
        %mul3A_190 = arith.constant 10000 : i32
        %mul3A_191 = arith.muli %add3A, %mul3A_190 : i32
        %mul3A_192 = arith.constant 80 : i32
        %mul3A_193 = arith.muli %add3A_189, %mul3A_192 : i32
        %add3A_194 = arith.addi %mul3A_191, %mul3A_193 : i32
        %dma_start3A_195 = tpu.memref_slice %arg4[%add3A_194] : memref<320000xi32, #tpu.memory_space<hbm>> -> memref<80xi32, #tpu.memory_space<hbm>>
        %dma_start3A_196 = tpu.memref_slice %arg4[%add3A_194] : memref<320000xi32, #tpu.memory_space<hbm>> -> memref<80xi32, #tpu.memory_space<hbm>>
        tpu.enqueue_dma source(%dma_start3A_196 : memref<80xi32, #tpu.memory_space<hbm>>) target(%arg10 : memref<80xi32, #tpu.memory_space<vmem>>) target_semaphore(%arg16 : memref<!tpu.dma_semaphore, #tpu.memory_space<semaphore_mem>>)
        %mul3A_197 = arith.constant 80 : i32
        %mul3A_198 = arith.muli %add3A_189, %mul3A_197 : i32
        %dma_start3A_199 = tpu.memref_slice %arg7[%mul3A_198] : memref<10000xi32, #tpu.memory_space<vmem>> -> memref<80xi32, #tpu.memory_space<vmem>>
        %dma_start3A_200 = arith.constant 0 : i32
        %dma_start3A_201 = arith.constant 0 : i32
        %dma_start3A_202 = tpu.memref_slice %arg2[%dma_start3A_200, %dma_start3A_201] : memref<10000x128xf32, #tpu.memory_space<hbm>> -> memref<10000x128xf32, #tpu.memory_space<hbm>>
        tpu.enqueue_indirect_dma source(%dma_start3A_202 : memref<10000x128xf32, #tpu.memory_space<hbm>>) target(%arg13 : memref<80x128xf32, #tpu.memory_space<vmem>>) offsets(%dma_start3A_199 : memref<80xi32, #tpu.memory_space<vmem>>) semaphore(%arg16 : memref<!tpu.dma_semaphore, #tpu.memory_space<semaphore_mem>>)
      } else {
      }
      %mul3A_123 = arith.constant 3 : i32
      %mul3A_124 = arith.muli %mul3A_123, %scan3A_93 : i32
      %add3A_125 = arith.constant 1 : i32
      %add3A_126 = arith.addi %mul3A_124, %add3A_125 : i32
      %mul3A_127 = arith.constant 10000 : i32
      %mul3A_128 = arith.muli %add3A, %mul3A_127 : i32
      %mul3A_129 = arith.constant 80 : i32
      %mul3A_130 = arith.muli %add3A_126, %mul3A_129 : i32
      %add3A_131 = arith.addi %mul3A_128, %mul3A_130 : i32
      %dma_wait3A_132 = tpu.memref_slice %arg4[%add3A_131] : memref<320000xi32, #tpu.memory_space<hbm>> -> memref<80xi32, #tpu.memory_space<hbm>>
      %dma_wait3A_133 = tpu.memref_slice %arg4[%add3A_131] : memref<320000xi32, #tpu.memory_space<hbm>> -> memref<80xi32, #tpu.memory_space<hbm>>
      tpu.wait_dma2 semaphore(%arg15 : memref<!tpu.dma_semaphore, #tpu.memory_space<semaphore_mem>>) src(%dma_wait3A_133 : memref<80xi32, #tpu.memory_space<hbm>>) dst(%arg9 : memref<80xi32, #tpu.memory_space<vmem>>)
      %mul3A_134 = arith.constant 80 : i32
      %mul3A_135 = arith.muli %add3A_126, %mul3A_134 : i32
      %dma_wait3A_136 = tpu.memref_slice %arg7[%mul3A_135] : memref<10000xi32, #tpu.memory_space<vmem>> -> memref<80xi32, #tpu.memory_space<vmem>>
      %dma_wait3A_137 = arith.constant 0 : i32
      %dma_wait3A_138 = arith.constant 0 : i32
      %dma_wait3A_139 = tpu.memref_slice %arg2[%dma_wait3A_137, %dma_wait3A_138] : memref<10000x128xf32, #tpu.memory_space<hbm>> -> memref<10000x128xf32, #tpu.memory_space<hbm>>
      tpu.wait_indirect_dma semaphore(%arg15 : memref<!tpu.dma_semaphore, #tpu.memory_space<semaphore_mem>>) src(%dma_wait3A_139 : memref<10000x128xf32, #tpu.memory_space<hbm>>) dst(%arg12 : memref<80x128xf32, #tpu.memory_space<vmem>>)
      %dma_start3A_140 = arith.constant 0 : i32
      %dma_start3A_141 = arith.constant 0 : i32
      %dma_start3A_142 = tpu.memref_slice %arg6[%dma_start3A_140, %dma_start3A_141] : memref<10240x128xf32, #tpu.memory_space<vmem_shared>> -> memref<10240x128xf32, #tpu.memory_space<vmem_shared>>
      tpu.enqueue_indirect_dma source(%arg12 : memref<80x128xf32, #tpu.memory_space<vmem>>) target(%dma_start3A_142 : memref<10240x128xf32, #tpu.memory_space<vmem_shared>>) offsets(%arg9 : memref<80xi32, #tpu.memory_space<vmem>>) semaphore(%arg18 : memref<!tpu.dma_semaphore, #tpu.memory_space<semaphore_mem>>) {add = true}
      %gt3A_143 = arith.constant 0 : i32
      %gt3A_144 = arith.cmpi sgt, %add3A_126, %gt3A_143 : i32
      %convert_element_type3A_145 = arith.extui %gt3A_144 : i1 to i32
      %cond3A_146 = arith.constant 0 : i32
      %cond3A_147 = arith.cmpi ne, %convert_element_type3A_145, %cond3A_146 : i32
      scf.if %cond3A_147 {
        %dma_wait3A_188 = arith.constant 0 : i32
        %dma_wait3A_189 = arith.constant 0 : i32
        %dma_wait3A_190 = tpu.memref_slice %arg2[%dma_wait3A_188, %dma_wait3A_189] : memref<10000x128xf32, #tpu.memory_space<hbm>> -> memref<80x128xf32, #tpu.memory_space<hbm>>
        %dma_wait3A_191 = arith.constant 0 : i32
        %dma_wait3A_192 = arith.constant 0 : i32
        %dma_wait3A_193 = tpu.memref_slice %arg2[%dma_wait3A_191, %dma_wait3A_192] : memref<10000x128xf32, #tpu.memory_space<hbm>> -> memref<80x128xf32, #tpu.memory_space<hbm>>
        tpu.wait_dma2 semaphore(%arg17 : memref<!tpu.dma_semaphore, #tpu.memory_space<semaphore_mem>>) src(%dma_wait3A_193 : memref<80x128xf32, #tpu.memory_space<hbm>>) dst(%arg11 : memref<80x128xf32, #tpu.memory_space<vmem>>)
      } else {
      }
      %add3A_148 = arith.constant 2 : i32
      %add3A_149 = arith.addi %add3A_126, %add3A_148 : i32
      %lt3A_150 = arith.constant 125 : i32
      %lt3A_151 = arith.cmpi slt, %add3A_149, %lt3A_150 : i32
      %convert_element_type3A_152 = arith.extui %lt3A_151 : i1 to i32
      %cond3A_153 = arith.constant 0 : i32
      %cond3A_154 = arith.cmpi ne, %convert_element_type3A_152, %cond3A_153 : i32
      scf.if %cond3A_154 {
        %add3A_188 = arith.constant 2 : i32
        %add3A_189 = arith.addi %add3A_126, %add3A_188 : i32
        %mul3A_190 = arith.constant 10000 : i32
        %mul3A_191 = arith.muli %add3A, %mul3A_190 : i32
        %mul3A_192 = arith.constant 80 : i32
        %mul3A_193 = arith.muli %add3A_189, %mul3A_192 : i32
        %add3A_194 = arith.addi %mul3A_191, %mul3A_193 : i32
        %dma_start3A_195 = tpu.memref_slice %arg4[%add3A_194] : memref<320000xi32, #tpu.memory_space<hbm>> -> memref<80xi32, #tpu.memory_space<hbm>>
        %dma_start3A_196 = tpu.memref_slice %arg4[%add3A_194] : memref<320000xi32, #tpu.memory_space<hbm>> -> memref<80xi32, #tpu.memory_space<hbm>>
        tpu.enqueue_dma source(%dma_start3A_196 : memref<80xi32, #tpu.memory_space<hbm>>) target(%arg8 : memref<80xi32, #tpu.memory_space<vmem>>) target_semaphore(%arg14 : memref<!tpu.dma_semaphore, #tpu.memory_space<semaphore_mem>>)
        %mul3A_197 = arith.constant 80 : i32
        %mul3A_198 = arith.muli %add3A_189, %mul3A_197 : i32
        %dma_start3A_199 = tpu.memref_slice %arg7[%mul3A_198] : memref<10000xi32, #tpu.memory_space<vmem>> -> memref<80xi32, #tpu.memory_space<vmem>>
        %dma_start3A_200 = arith.constant 0 : i32
        %dma_start3A_201 = arith.constant 0 : i32
        %dma_start3A_202 = tpu.memref_slice %arg2[%dma_start3A_200, %dma_start3A_201] : memref<10000x128xf32, #tpu.memory_space<hbm>> -> memref<10000x128xf32, #tpu.memory_space<hbm>>
        tpu.enqueue_indirect_dma source(%dma_start3A_202 : memref<10000x128xf32, #tpu.memory_space<hbm>>) target(%arg11 : memref<80x128xf32, #tpu.memory_space<vmem>>) offsets(%dma_start3A_199 : memref<80xi32, #tpu.memory_space<vmem>>) semaphore(%arg14 : memref<!tpu.dma_semaphore, #tpu.memory_space<semaphore_mem>>)
      } else {
      }
      %mul3A_155 = arith.constant 3 : i32
      %mul3A_156 = arith.muli %mul3A_155, %scan3A_93 : i32
      %add3A_157 = arith.constant 2 : i32
      %add3A_158 = arith.addi %mul3A_156, %add3A_157 : i32
      %mul3A_159 = arith.constant 10000 : i32
      %mul3A_160 = arith.muli %add3A, %mul3A_159 : i32
      %mul3A_161 = arith.constant 80 : i32
      %mul3A_162 = arith.muli %add3A_158, %mul3A_161 : i32
      %add3A_163 = arith.addi %mul3A_160, %mul3A_162 : i32
      %dma_wait3A_164 = tpu.memref_slice %arg4[%add3A_163] : memref<320000xi32, #tpu.memory_space<hbm>> -> memref<80xi32, #tpu.memory_space<hbm>>
      %dma_wait3A_165 = tpu.memref_slice %arg4[%add3A_163] : memref<320000xi32, #tpu.memory_space<hbm>> -> memref<80xi32, #tpu.memory_space<hbm>>
      tpu.wait_dma2 semaphore(%arg16 : memref<!tpu.dma_semaphore, #tpu.memory_space<semaphore_mem>>) src(%dma_wait3A_165 : memref<80xi32, #tpu.memory_space<hbm>>) dst(%arg10 : memref<80xi32, #tpu.memory_space<vmem>>)
      %mul3A_166 = arith.constant 80 : i32
      %mul3A_167 = arith.muli %add3A_158, %mul3A_166 : i32
      %dma_wait3A_168 = tpu.memref_slice %arg7[%mul3A_167] : memref<10000xi32, #tpu.memory_space<vmem>> -> memref<80xi32, #tpu.memory_space<vmem>>
      %dma_wait3A_169 = arith.constant 0 : i32
      %dma_wait3A_170 = arith.constant 0 : i32
      %dma_wait3A_171 = tpu.memref_slice %arg2[%dma_wait3A_169, %dma_wait3A_170] : memref<10000x128xf32, #tpu.memory_space<hbm>> -> memref<10000x128xf32, #tpu.memory_space<hbm>>
      tpu.wait_indirect_dma semaphore(%arg16 : memref<!tpu.dma_semaphore, #tpu.memory_space<semaphore_mem>>) src(%dma_wait3A_171 : memref<10000x128xf32, #tpu.memory_space<hbm>>) dst(%arg13 : memref<80x128xf32, #tpu.memory_space<vmem>>)
      %dma_start3A_172 = arith.constant 0 : i32
      %dma_start3A_173 = arith.constant 0 : i32
      %dma_start3A_174 = tpu.memref_slice %arg6[%dma_start3A_172, %dma_start3A_173] : memref<10240x128xf32, #tpu.memory_space<vmem_shared>> -> memref<10240x128xf32, #tpu.memory_space<vmem_shared>>
      tpu.enqueue_indirect_dma source(%arg13 : memref<80x128xf32, #tpu.memory_space<vmem>>) target(%dma_start3A_174 : memref<10240x128xf32, #tpu.memory_space<vmem_shared>>) offsets(%arg10 : memref<80xi32, #tpu.memory_space<vmem>>) semaphore(%arg19 : memref<!tpu.dma_semaphore, #tpu.memory_space<semaphore_mem>>) {add = true}
      %gt3A_175 = arith.constant 0 : i32
      %gt3A_176 = arith.cmpi sgt, %add3A_158, %gt3A_175 : i32
      %convert_element_type3A_177 = arith.extui %gt3A_176 : i1 to i32
      %cond3A_178 = arith.constant 0 : i32
      %cond3A_179 = arith.cmpi ne, %convert_element_type3A_177, %cond3A_178 : i32
      scf.if %cond3A_179 {
        %dma_wait3A_188 = arith.constant 0 : i32
        %dma_wait3A_189 = arith.constant 0 : i32
        %dma_wait3A_190 = tpu.memref_slice %arg2[%dma_wait3A_188, %dma_wait3A_189] : memref<10000x128xf32, #tpu.memory_space<hbm>> -> memref<80x128xf32, #tpu.memory_space<hbm>>
        %dma_wait3A_191 = arith.constant 0 : i32
        %dma_wait3A_192 = arith.constant 0 : i32
        %dma_wait3A_193 = tpu.memref_slice %arg2[%dma_wait3A_191, %dma_wait3A_192] : memref<10000x128xf32, #tpu.memory_space<hbm>> -> memref<80x128xf32, #tpu.memory_space<hbm>>
        tpu.wait_dma2 semaphore(%arg18 : memref<!tpu.dma_semaphore, #tpu.memory_space<semaphore_mem>>) src(%dma_wait3A_193 : memref<80x128xf32, #tpu.memory_space<hbm>>) dst(%arg12 : memref<80x128xf32, #tpu.memory_space<vmem>>)
      } else {
      }
      %add3A_180 = arith.constant 2 : i32
      %add3A_181 = arith.addi %add3A_158, %add3A_180 : i32
      %lt3A_182 = arith.constant 125 : i32
      %lt3A_183 = arith.cmpi slt, %add3A_181, %lt3A_182 : i32
      %convert_element_type3A_184 = arith.extui %lt3A_183 : i1 to i32
      %cond3A_185 = arith.constant 0 : i32
      %cond3A_186 = arith.cmpi ne, %convert_element_type3A_184, %cond3A_185 : i32
      scf.if %cond3A_186 {
        %add3A_188 = arith.constant 2 : i32
        %add3A_189 = arith.addi %add3A_158, %add3A_188 : i32
        %mul3A_190 = arith.constant 10000 : i32
        %mul3A_191 = arith.muli %add3A, %mul3A_190 : i32
        %mul3A_192 = arith.constant 80 : i32
        %mul3A_193 = arith.muli %add3A_189, %mul3A_192 : i32
        %add3A_194 = arith.addi %mul3A_191, %mul3A_193 : i32
        %dma_start3A_195 = tpu.memref_slice %arg4[%add3A_194] : memref<320000xi32, #tpu.memory_space<hbm>> -> memref<80xi32, #tpu.memory_space<hbm>>
        %dma_start3A_196 = tpu.memref_slice %arg4[%add3A_194] : memref<320000xi32, #tpu.memory_space<hbm>> -> memref<80xi32, #tpu.memory_space<hbm>>
        tpu.enqueue_dma source(%dma_start3A_196 : memref<80xi32, #tpu.memory_space<hbm>>) target(%arg9 : memref<80xi32, #tpu.memory_space<vmem>>) target_semaphore(%arg15 : memref<!tpu.dma_semaphore, #tpu.memory_space<semaphore_mem>>)
        %mul3A_197 = arith.constant 80 : i32
        %mul3A_198 = arith.muli %add3A_189, %mul3A_197 : i32
        %dma_start3A_199 = tpu.memref_slice %arg7[%mul3A_198] : memref<10000xi32, #tpu.memory_space<vmem>> -> memref<80xi32, #tpu.memory_space<vmem>>
        %dma_start3A_200 = arith.constant 0 : i32
        %dma_start3A_201 = arith.constant 0 : i32
        %dma_start3A_202 = tpu.memref_slice %arg2[%dma_start3A_200, %dma_start3A_201] : memref<10000x128xf32, #tpu.memory_space<hbm>> -> memref<10000x128xf32, #tpu.memory_space<hbm>>
        tpu.enqueue_indirect_dma source(%dma_start3A_202 : memref<10000x128xf32, #tpu.memory_space<hbm>>) target(%arg12 : memref<80x128xf32, #tpu.memory_space<vmem>>) offsets(%dma_start3A_199 : memref<80xi32, #tpu.memory_space<vmem>>) semaphore(%arg15 : memref<!tpu.dma_semaphore, #tpu.memory_space<semaphore_mem>>)
      } else {
      }
      %scan3A_187 = arith.constant 0 : i32
      scf.yield %scan3A_187 : i32
    }
    %scan3A_44 = arith.constant 41 : i32
    %mul3A_45 = arith.constant 10000 : i32
    %mul3A_46 = arith.muli %add3A, %mul3A_45 : i32
    %add3A_47 = arith.constant 9840 : i32
    %add3A_48 = arith.addi %mul3A_46, %add3A_47 : i32
    %dma_wait3A = tpu.memref_slice %arg4[%add3A_48] : memref<320000xi32, #tpu.memory_space<hbm>> -> memref<80xi32, #tpu.memory_space<hbm>>
    %dma_wait3A_49 = tpu.memref_slice %arg4[%add3A_48] : memref<320000xi32, #tpu.memory_space<hbm>> -> memref<80xi32, #tpu.memory_space<hbm>>
    tpu.wait_dma2 semaphore(%arg14 : memref<!tpu.dma_semaphore, #tpu.memory_space<semaphore_mem>>) src(%dma_wait3A_49 : memref<80xi32, #tpu.memory_space<hbm>>) dst(%arg8 : memref<80xi32, #tpu.memory_space<vmem>>)
    %dma_wait3A_50 = arith.constant 9840 : i32
    %dma_wait3A_51 = tpu.memref_slice %arg7[%dma_wait3A_50] : memref<10000xi32, #tpu.memory_space<vmem>> -> memref<80xi32, #tpu.memory_space<vmem>>
    %dma_wait3A_52 = arith.constant 0 : i32
    %dma_wait3A_53 = arith.constant 0 : i32
    %dma_wait3A_54 = tpu.memref_slice %arg2[%dma_wait3A_52, %dma_wait3A_53] : memref<10000x128xf32, #tpu.memory_space<hbm>> -> memref<10000x128xf32, #tpu.memory_space<hbm>>
    tpu.wait_indirect_dma semaphore(%arg14 : memref<!tpu.dma_semaphore, #tpu.memory_space<semaphore_mem>>) src(%dma_wait3A_54 : memref<10000x128xf32, #tpu.memory_space<hbm>>) dst(%arg11 : memref<80x128xf32, #tpu.memory_space<vmem>>)
    %dma_start3A_55 = arith.constant 0 : i32
    %dma_start3A_56 = arith.constant 0 : i32
    %dma_start3A_57 = tpu.memref_slice %arg6[%dma_start3A_55, %dma_start3A_56] : memref<10240x128xf32, #tpu.memory_space<vmem_shared>> -> memref<10240x128xf32, #tpu.memory_space<vmem_shared>>
    tpu.enqueue_indirect_dma source(%arg11 : memref<80x128xf32, #tpu.memory_space<vmem>>) target(%dma_start3A_57 : memref<10240x128xf32, #tpu.memory_space<vmem_shared>>) offsets(%arg8 : memref<80xi32, #tpu.memory_space<vmem>>) semaphore(%arg17 : memref<!tpu.dma_semaphore, #tpu.memory_space<semaphore_mem>>) {add = true}
    %dma_wait3A_58 = arith.constant 0 : i32
    %dma_wait3A_59 = arith.constant 0 : i32
    %dma_wait3A_60 = tpu.memref_slice %arg2[%dma_wait3A_58, %dma_wait3A_59] : memref<10000x128xf32, #tpu.memory_space<hbm>> -> memref<80x128xf32, #tpu.memory_space<hbm>>
    %dma_wait3A_61 = arith.constant 0 : i32
    %dma_wait3A_62 = arith.constant 0 : i32
    %dma_wait3A_63 = tpu.memref_slice %arg2[%dma_wait3A_61, %dma_wait3A_62] : memref<10000x128xf32, #tpu.memory_space<hbm>> -> memref<80x128xf32, #tpu.memory_space<hbm>>
    tpu.wait_dma2 semaphore(%arg19 : memref<!tpu.dma_semaphore, #tpu.memory_space<semaphore_mem>>) src(%dma_wait3A_63 : memref<80x128xf32, #tpu.memory_space<hbm>>) dst(%arg13 : memref<80x128xf32, #tpu.memory_space<vmem>>)
    %mul3A_64 = arith.constant 10000 : i32
    %mul3A_65 = arith.muli %add3A, %mul3A_64 : i32
    %add3A_66 = arith.constant 9920 : i32
    %add3A_67 = arith.addi %mul3A_65, %add3A_66 : i32
    %dma_wait3A_68 = tpu.memref_slice %arg4[%add3A_67] : memref<320000xi32, #tpu.memory_space<hbm>> -> memref<80xi32, #tpu.memory_space<hbm>>
    %dma_wait3A_69 = tpu.memref_slice %arg4[%add3A_67] : memref<320000xi32, #tpu.memory_space<hbm>> -> memref<80xi32, #tpu.memory_space<hbm>>
    tpu.wait_dma2 semaphore(%arg15 : memref<!tpu.dma_semaphore, #tpu.memory_space<semaphore_mem>>) src(%dma_wait3A_69 : memref<80xi32, #tpu.memory_space<hbm>>) dst(%arg9 : memref<80xi32, #tpu.memory_space<vmem>>)
    %dma_wait3A_70 = arith.constant 9920 : i32
    %dma_wait3A_71 = tpu.memref_slice %arg7[%dma_wait3A_70] : memref<10000xi32, #tpu.memory_space<vmem>> -> memref<80xi32, #tpu.memory_space<vmem>>
    %dma_wait3A_72 = arith.constant 0 : i32
    %dma_wait3A_73 = arith.constant 0 : i32
    %dma_wait3A_74 = tpu.memref_slice %arg2[%dma_wait3A_72, %dma_wait3A_73] : memref<10000x128xf32, #tpu.memory_space<hbm>> -> memref<10000x128xf32, #tpu.memory_space<hbm>>
    tpu.wait_indirect_dma semaphore(%arg15 : memref<!tpu.dma_semaphore, #tpu.memory_space<semaphore_mem>>) src(%dma_wait3A_74 : memref<10000x128xf32, #tpu.memory_space<hbm>>) dst(%arg12 : memref<80x128xf32, #tpu.memory_space<vmem>>)
    %dma_start3A_75 = arith.constant 0 : i32
    %dma_start3A_76 = arith.constant 0 : i32
    %dma_start3A_77 = tpu.memref_slice %arg6[%dma_start3A_75, %dma_start3A_76] : memref<10240x128xf32, #tpu.memory_space<vmem_shared>> -> memref<10240x128xf32, #tpu.memory_space<vmem_shared>>
    tpu.enqueue_indirect_dma source(%arg12 : memref<80x128xf32, #tpu.memory_space<vmem>>) target(%dma_start3A_77 : memref<10240x128xf32, #tpu.memory_space<vmem_shared>>) offsets(%arg9 : memref<80xi32, #tpu.memory_space<vmem>>) semaphore(%arg18 : memref<!tpu.dma_semaphore, #tpu.memory_space<semaphore_mem>>) {add = true}
    %dma_wait3A_78 = arith.constant 0 : i32
    %dma_wait3A_79 = arith.constant 0 : i32
    %dma_wait3A_80 = tpu.memref_slice %arg2[%dma_wait3A_78, %dma_wait3A_79] : memref<10000x128xf32, #tpu.memory_space<hbm>> -> memref<80x128xf32, #tpu.memory_space<hbm>>
    %dma_wait3A_81 = arith.constant 0 : i32
    %dma_wait3A_82 = arith.constant 0 : i32
    %dma_wait3A_83 = tpu.memref_slice %arg2[%dma_wait3A_81, %dma_wait3A_82] : memref<10000x128xf32, #tpu.memory_space<hbm>> -> memref<80x128xf32, #tpu.memory_space<hbm>>
    tpu.wait_dma2 semaphore(%arg17 : memref<!tpu.dma_semaphore, #tpu.memory_space<semaphore_mem>>) src(%dma_wait3A_83 : memref<80x128xf32, #tpu.memory_space<hbm>>) dst(%arg11 : memref<80x128xf32, #tpu.memory_space<vmem>>)
    %dma_wait3A_84 = arith.constant 0 : i32
    %dma_wait3A_85 = arith.constant 0 : i32
    %dma_wait3A_86 = tpu.memref_slice %arg2[%dma_wait3A_84, %dma_wait3A_85] : memref<10000x128xf32, #tpu.memory_space<hbm>> -> memref<80x128xf32, #tpu.memory_space<hbm>>
    %dma_wait3A_87 = arith.constant 0 : i32
    %dma_wait3A_88 = arith.constant 0 : i32
    %dma_wait3A_89 = tpu.memref_slice %arg2[%dma_wait3A_87, %dma_wait3A_88] : memref<10000x128xf32, #tpu.memory_space<hbm>> -> memref<80x128xf32, #tpu.memory_space<hbm>>
    tpu.wait_dma2 semaphore(%arg18 : memref<!tpu.dma_semaphore, #tpu.memory_space<semaphore_mem>>) src(%dma_wait3A_89 : memref<80x128xf32, #tpu.memory_space<hbm>>) dst(%arg12 : memref<80x128xf32, #tpu.memory_space<vmem>>)
    %barrier3A_90 = arith.constant 0 : index
    tpu.barrier barrier_id(%barrier3A_90)
    %mul3A_91 = arith.constant 640 : i32
    %mul3A_92 = arith.muli %arg1, %mul3A_91 : i32
    "tpu.region"() ({
      %run_scoped3A = tpu.sem_alloc : memref<!tpu.dma_semaphore, #tpu.memory_space<semaphore_mem>>
      %dma_start3A_93 = arith.constant 0 : i32
      %dma_start3A_94 = tpu.memref_slice %arg5[%arg0, %mul3A_92, %dma_start3A_93] : memref<2x10240x128xf32, #tpu.memory_space<hbm>> -> memref<1x640x128xf32, #tpu.memory_space<hbm>>
      %dma_start3A_95 = tpu.memref_squeeze %dma_start3A_94 : memref<1x640x128xf32, #tpu.memory_space<hbm>> -> memref<640x128xf32, #tpu.memory_space<hbm>>
      %dma_start3A_96 = arith.constant 0 : i32
      %dma_start3A_97 = tpu.memref_slice %arg6[%mul3A_92, %dma_start3A_96] : memref<10240x128xf32, #tpu.memory_space<vmem_shared>> -> memref<640x128xf32, #tpu.memory_space<vmem_shared>>
      tpu.enqueue_dma source(%dma_start3A_97 : memref<640x128xf32, #tpu.memory_space<vmem_shared>>) target(%dma_start3A_95 : memref<640x128xf32, #tpu.memory_space<hbm>>) target_semaphore(%run_scoped3A : memref<!tpu.dma_semaphore, #tpu.memory_space<semaphore_mem>>)
      %dma_wait3A_98 = arith.constant 0 : i32
      %dma_wait3A_99 = tpu.memref_slice %arg5[%arg0, %mul3A_92, %dma_wait3A_98] : memref<2x10240x128xf32, #tpu.memory_space<hbm>> -> memref<1x640x128xf32, #tpu.memory_space<hbm>>
      %dma_wait3A_100 = tpu.memref_squeeze %dma_wait3A_99 : memref<1x640x128xf32, #tpu.memory_space<hbm>> -> memref<640x128xf32, #tpu.memory_space<hbm>>
      %dma_wait3A_101 = arith.constant 0 : i32
      %dma_wait3A_102 = tpu.memref_slice %arg6[%mul3A_92, %dma_wait3A_101] : memref<10240x128xf32, #tpu.memory_space<vmem_shared>> -> memref<640x128xf32, #tpu.memory_space<vmem_shared>>
      tpu.wait_dma2 semaphore(%run_scoped3A : memref<!tpu.dma_semaphore, #tpu.memory_space<semaphore_mem>>) src(%dma_wait3A_102 : memref<640x128xf32, #tpu.memory_space<vmem_shared>>) dst(%dma_wait3A_100 : memref<640x128xf32, #tpu.memory_space<hbm>>)
      tpu.yield
    }) : () -> ()
    return
  }
}

#map = affine_map<(d0, d1) -> (0, 0)>
#map1 = affine_map<(d0, d1) -> (0)>
#map2 = affine_map<(d0, d1) -> (0, 0, 0)>
module attributes {stable_mosaic.version = 14 : i64} {
  func.func @body(%arg0: i32, %arg1: i32, %arg2: memref<10000x128xf32, #tpu.memory_space<hbm>>, %arg3: memref<320000xi32, #tpu.memory_space<hbm>>, %arg4: memref<320000xi32, #tpu.memory_space<hbm>>, %arg5: memref<2x10240x128xf32, #tpu.memory_space<hbm>>, %arg6: memref<10240x128xf32, #tpu.memory_space<vmem_shared>>, %arg7: memref<10000xi32, #tpu.memory_space<vmem>>, %arg8: memref<80xi32, #tpu.memory_space<vmem>>, %arg9: memref<80xi32, #tpu.memory_space<vmem>>, %arg10: memref<80xi32, #tpu.memory_space<vmem>>, %arg11: memref<80x128xf32, #tpu.memory_space<vmem>>, %arg12: memref<80x128xf32, #tpu.memory_space<vmem>>, %arg13: memref<80x128xf32, #tpu.memory_space<vmem>>, %arg14: memref<!tpu.dma_semaphore, #tpu.memory_space<semaphore_mem>>, %arg15: memref<!tpu.dma_semaphore, #tpu.memory_space<semaphore_mem>>, %arg16: memref<!tpu.dma_semaphore, #tpu.memory_space<semaphore_mem>>, %arg17: memref<!tpu.dma_semaphore, #tpu.memory_space<semaphore_mem>>, %arg18: memref<!tpu.dma_semaphore, #tpu.memory_space<semaphore_mem>>, %arg19: memref<!tpu.dma_semaphore, #tpu.memory_space<semaphore_mem>>) attributes {dimension_semantics = [#tpu.dimension_semantics<core_parallel>, #tpu.dimension_semantics<subcore_parallel>], iteration_bounds = array<i64: 2, 16>, scalar_prefetch = 0 : i64, scratch_operands = 14 : i64, tpu.core_type = #tpu.core_type<sc_vector_subcore>, window_params = [{transform_indices = #map}, {transform_indices = #map1}, {transform_indices = #map1}, {transform_indices = #map2}]} {
    %mul3A = arith.constant 16 : i32
    %mul3A_0 = arith.muli %arg0, %mul3A : i32
    %add3A = arith.addi %mul3A_0, %arg1 : i32
    %broadcast_in_dim3A = arith.constant 0.000000e+00 : f32
    %broadcast_in_dim3A_1 = vector.broadcast %broadcast_in_dim3A : f32 to vector<16xf32>
    %scan3A = arith.constant 0 : i32
    %scan3A_2 = arith.constant 0 : i32
    %scan3A_3 = arith.constant 80 : i32
    %scan3A_4 = arith.addi %scan3A_2, %scan3A_3 : i32
    %scan3A_5 = arith.constant 1 : i32
    %scan3A_6 = scf.for %scan3A_93 = %scan3A_2 to %scan3A_4 step %scan3A_5 iter_args(%scan3A_94 = %scan3A) -> (i32)  : i32 {
      %swap3A = arith.index_cast %scan3A_93 : i32 to index
      %swap3A_95 = arith.constant 0 : index
      %swap3A_96 = tpu.vector_load %arg13[%swap3A, %swap3A_95] {strides = array<i32>} : memref<80x128xf32, #tpu.memory_space<vmem>>, vector<1x16xf32>,
      %swap3A_97 = vector.shape_cast %swap3A_96 : vector<1x16xf32> to vector<16xf32>
      %swap3A_98 = vector.shape_cast %broadcast_in_dim3A_1 : vector<16xf32> to vector<1x16xf32>
      tpu.vector_store %arg13[%swap3A, %swap3A_95], %swap3A_98 {strides = array<i32>} : memref<80x128xf32, #tpu.memory_space<vmem>>, vector<1x16xf32>,
      %swap3A_99 = arith.index_cast %scan3A_93 : i32 to index
      %swap3A_100 = arith.constant 16 : index
      %swap3A_101 = tpu.vector_load %arg13[%swap3A_99, %swap3A_100] {strides = array<i32>} : memref<80x128xf32, #tpu.memory_space<vmem>>, vector<1x16xf32>,
      %swap3A_102 = vector.shape_cast %swap3A_101 : vector<1x16xf32> to vector<16xf32>
      %swap3A_103 = vector.shape_cast %broadcast_in_dim3A_1 : vector<16xf32> to vector<1x16xf32>
      tpu.vector_store %arg13[%swap3A_99, %swap3A_100], %swap3A_103 {strides = array<i32>} : memref<80x128xf32, #tpu.memory_space<vmem>>, vector<1x16xf32>,
      %swap3A_104 = arith.index_cast %scan3A_93 : i32 to index
      %swap3A_105 = arith.constant 32 : index
      %swap3A_106 = tpu.vector_load %arg13[%swap3A_104, %swap3A_105] {strides = array<i32>} : memref<80x128xf32, #tpu.memory_space<vmem>>, vector<1x16xf32>,
      %swap3A_107 = vector.shape_cast %swap3A_106 : vector<1x16xf32> to vector<16xf32>
      %swap3A_108 = vector.shape_cast %broadcast_in_dim3A_1 : vector<16xf32> to vector<1x16xf32>
      tpu.vector_store %arg13[%swap3A_104, %swap3A_105], %swap3A_108 {strides = array<i32>} : memref<80x128xf32, #tpu.memory_space<vmem>>, vector<1x16xf32>,
      %swap3A_109 = arith.index_cast %scan3A_93 : i32 to index
      %swap3A_110 = arith.constant 48 : index
      %swap3A_111 = tpu.vector_load %arg13[%swap3A_109, %swap3A_110] {strides = array<i32>} : memref<80x128xf32, #tpu.memory_space<vmem>>, vector<1x16xf32>,
      %swap3A_112 = vector.shape_cast %swap3A_111 : vector<1x16xf32> to vector<16xf32>
      %swap3A_113 = vector.shape_cast %broadcast_in_dim3A_1 : vector<16xf32> to vector<1x16xf32>
      tpu.vector_store %arg13[%swap3A_109, %swap3A_110], %swap3A_113 {strides = array<i32>} : memref<80x128xf32, #tpu.memory_space<vmem>>, vector<1x16xf32>,
      %swap3A_114 = arith.index_cast %scan3A_93 : i32 to index
      %swap3A_115 = arith.constant 64 : index
      %swap3A_116 = tpu.vector_load %arg13[%swap3A_114, %swap3A_115] {strides = array<i32>} : memref<80x128xf32, #tpu.memory_space<vmem>>, vector<1x16xf32>,
      %swap3A_117 = vector.shape_cast %swap3A_116 : vector<1x16xf32> to vector<16xf32>
      %swap3A_118 = vector.shape_cast %broadcast_in_dim3A_1 : vector<16xf32> to vector<1x16xf32>
      tpu.vector_store %arg13[%swap3A_114, %swap3A_115], %swap3A_118 {strides = array<i32>} : memref<80x128xf32, #tpu.memory_space<vmem>>, vector<1x16xf32>,
      %swap3A_119 = arith.index_cast %scan3A_93 : i32 to index
      %swap3A_120 = arith.constant 80 : index
      %swap3A_121 = tpu.vector_load %arg13[%swap3A_119, %swap3A_120] {strides = array<i32>} : memref<80x128xf32, #tpu.memory_space<vmem>>, vector<1x16xf32>,
      %swap3A_122 = vector.shape_cast %swap3A_121 : vector<1x16xf32> to vector<16xf32>
      %swap3A_123 = vector.shape_cast %broadcast_in_dim3A_1 : vector<16xf32> to vector<1x16xf32>
      tpu.vector_store %arg13[%swap3A_119, %swap3A_120], %swap3A_123 {strides = array<i32>} : memref<80x128xf32, #tpu.memory_space<vmem>>, vector<1x16xf32>,
      %swap3A_124 = arith.index_cast %scan3A_93 : i32 to index
      %swap3A_125 = arith.constant 96 : index
      %swap3A_126 = tpu.vector_load %arg13[%swap3A_124, %swap3A_125] {strides = array<i32>} : memref<80x128xf32, #tpu.memory_space<vmem>>, vector<1x16xf32>,
      %swap3A_127 = vector.shape_cast %swap3A_126 : vector<1x16xf32> to vector<16xf32>
      %swap3A_128 = vector.shape_cast %broadcast_in_dim3A_1 : vector<16xf32> to vector<1x16xf32>
      tpu.vector_store %arg13[%swap3A_124, %swap3A_125], %swap3A_128 {strides = array<i32>} : memref<80x128xf32, #tpu.memory_space<vmem>>, vector<1x16xf32>,
      %swap3A_129 = arith.index_cast %scan3A_93 : i32 to index
      %swap3A_130 = arith.constant 112 : index
      %swap3A_131 = tpu.vector_load %arg13[%swap3A_129, %swap3A_130] {strides = array<i32>} : memref<80x128xf32, #tpu.memory_space<vmem>>, vector<1x16xf32>,
      %swap3A_132 = vector.shape_cast %swap3A_131 : vector<1x16xf32> to vector<16xf32>
      %swap3A_133 = vector.shape_cast %broadcast_in_dim3A_1 : vector<16xf32> to vector<1x16xf32>
      tpu.vector_store %arg13[%swap3A_129, %swap3A_130], %swap3A_133 {strides = array<i32>} : memref<80x128xf32, #tpu.memory_space<vmem>>, vector<1x16xf32>,
      %scan3A_134 = arith.constant 0 : i32
      scf.yield %scan3A_134 : i32
    }
    %scan3A_7 = arith.constant 80 : i32
    %mul3A_8 = arith.constant 10000 : i32
    %mul3A_9 = arith.muli %add3A, %mul3A_8 : i32
    "tpu.region"() ({
      %run_scoped3A = tpu.sem_alloc : memref<!tpu.dma_semaphore, #tpu.memory_space<semaphore_mem>>
      %dma_start3A_93 = tpu.memref_slice %arg3[%mul3A_9] : memref<320000xi32, #tpu.memory_space<hbm>> -> memref<10000xi32, #tpu.memory_space<hbm>>
      %dma_start3A_94 = tpu.memref_slice %arg3[%mul3A_9] : memref<320000xi32, #tpu.memory_space<hbm>> -> memref<10000xi32, #tpu.memory_space<hbm>>
      tpu.enqueue_dma source(%dma_start3A_94 : memref<10000xi32, #tpu.memory_space<hbm>>) target(%arg7 : memref<10000xi32, #tpu.memory_space<vmem>>) target_semaphore(%run_scoped3A : memref<!tpu.dma_semaphore, #tpu.memory_space<semaphore_mem>>)
      %dma_wait3A_95 = tpu.memref_slice %arg3[%mul3A_9] : memref<320000xi32, #tpu.memory_space<hbm>> -> memref<10000xi32, #tpu.memory_space<hbm>>
      %dma_wait3A_96 = tpu.memref_slice %arg3[%mul3A_9] : memref<320000xi32, #tpu.memory_space<hbm>> -> memref<10000xi32, #tpu.memory_space<hbm>>
      tpu.wait_dma2 semaphore(%run_scoped3A : memref<!tpu.dma_semaphore, #tpu.memory_space<semaphore_mem>>) src(%dma_wait3A_96 : memref<10000xi32, #tpu.memory_space<hbm>>) dst(%arg7 : memref<10000xi32, #tpu.memory_space<vmem>>)
      tpu.yield
    }) : () -> ()
    %mul3A_10 = arith.constant 10000 : i32
    %mul3A_11 = arith.muli %add3A, %mul3A_10 : i32
    %add3A_12 = arith.constant 0 : i32
    %add3A_13 = arith.addi %mul3A_11, %add3A_12 : i32
    %dma_start3A = tpu.memref_slice %arg4[%add3A_13] : memref<320000xi32, #tpu.memory_space<hbm>> -> memref<80xi32, #tpu.memory_space<hbm>>
    %dma_start3A_14 = tpu.memref_slice %arg4[%add3A_13] : memref<320000xi32, #tpu.memory_space<hbm>> -> memref<80xi32, #tpu.memory_space<hbm>>
    tpu.enqueue_dma source(%dma_start3A_14 : memref<80xi32, #tpu.memory_space<hbm>>) target(%arg8 : memref<80xi32, #tpu.memory_space<vmem>>) target_semaphore(%arg14 : memref<!tpu.dma_semaphore, #tpu.memory_space<semaphore_mem>>)
    %dma_start3A_15 = arith.constant 0 : i32
    %dma_start3A_16 = tpu.memref_slice %arg7[%dma_start3A_15] : memref<10000xi32, #tpu.memory_space<vmem>> -> memref<80xi32, #tpu.memory_space<vmem>>
    %dma_start3A_17 = arith.constant 0 : i32
    %dma_start3A_18 = arith.constant 0 : i32
    %dma_start3A_19 = tpu.memref_slice %arg2[%dma_start3A_17, %dma_start3A_18] : memref<10000x128xf32, #tpu.memory_space<hbm>> -> memref<10000x128xf32, #tpu.memory_space<hbm>>
    tpu.enqueue_indirect_dma source(%dma_start3A_19 : memref<10000x128xf32, #tpu.memory_space<hbm>>) target(%arg11 : memref<80x128xf32, #tpu.memory_space<vmem>>) offsets(%dma_start3A_16 : memref<80xi32, #tpu.memory_space<vmem>>) semaphore(%arg14 : memref<!tpu.dma_semaphore, #tpu.memory_space<semaphore_mem>>)
    %mul3A_20 = arith.constant 10000 : i32
    %mul3A_21 = arith.muli %add3A, %mul3A_20 : i32
    %add3A_22 = arith.constant 80 : i32
    %add3A_23 = arith.addi %mul3A_21, %add3A_22 : i32
    %dma_start3A_24 = tpu.memref_slice %arg4[%add3A_23] : memref<320000xi32, #tpu.memory_space<hbm>> -> memref<80xi32, #tpu.memory_space<hbm>>
    %dma_start3A_25 = tpu.memref_slice %arg4[%add3A_23] : memref<320000xi32, #tpu.memory_space<hbm>> -> memref<80xi32, #tpu.memory_space<hbm>>
    tpu.enqueue_dma source(%dma_start3A_25 : memref<80xi32, #tpu.memory_space<hbm>>) target(%arg9 : memref<80xi32, #tpu.memory_space<vmem>>) target_semaphore(%arg15 : memref<!tpu.dma_semaphore, #tpu.memory_space<semaphore_mem>>)
    %dma_start3A_26 = arith.constant 80 : i32
    %dma_start3A_27 = tpu.memref_slice %arg7[%dma_start3A_26] : memref<10000xi32, #tpu.memory_space<vmem>> -> memref<80xi32, #tpu.memory_space<vmem>>
    %dma_start3A_28 = arith.constant 0 : i32
    %dma_start3A_29 = arith.constant 0 : i32
    %dma_start3A_30 = tpu.memref_slice %arg2[%dma_start3A_28, %dma_start3A_29] : memref<10000x128xf32, #tpu.memory_space<hbm>> -> memref<10000x128xf32, #tpu.memory_space<hbm>>
    tpu.enqueue_indirect_dma source(%dma_start3A_30 : memref<10000x128xf32, #tpu.memory_space<hbm>>) target(%arg12 : memref<80x128xf32, #tpu.memory_space<vmem>>) offsets(%dma_start3A_27 : memref<80xi32, #tpu.memory_space<vmem>>) semaphore(%arg15 : memref<!tpu.dma_semaphore, #tpu.memory_space<semaphore_mem>>)
    %scan3A_31 = arith.constant 0 : i32
    %scan3A_32 = arith.constant 0 : i32
    %scan3A_33 = arith.constant 8 : i32
    %scan3A_34 = arith.addi %scan3A_32, %scan3A_33 : i32
    %scan3A_35 = arith.constant 1 : i32
    %scan3A_36 = scf.for %scan3A_93 = %scan3A_32 to %scan3A_34 step %scan3A_35 iter_args(%scan3A_94 = %scan3A_31) -> (i32)  : i32 {
      %mul3A_95 = arith.constant 640 : i32
      %mul3A_96 = arith.muli %arg1, %mul3A_95 : i32
      %mul3A_97 = arith.constant 80 : i32
      %mul3A_98 = arith.muli %scan3A_93, %mul3A_97 : i32
      %add3A_99 = arith.addi %mul3A_96, %mul3A_98 : i32
      "tpu.region"() ({
        %run_scoped3A = tpu.sem_alloc : memref<!tpu.dma_semaphore, #tpu.memory_space<semaphore_mem>>
        %dma_start3A_101 = arith.constant 0 : i32
        %dma_start3A_102 = tpu.memref_slice %arg6[%add3A_99, %dma_start3A_101] : memref<10240x128xf32, #tpu.memory_space<vmem_shared>> -> memref<80x128xf32, #tpu.memory_space<vmem_shared>>
        %dma_start3A_103 = arith.constant 0 : i32
        %dma_start3A_104 = tpu.memref_slice %arg6[%add3A_99, %dma_start3A_103] : memref<10240x128xf32, #tpu.memory_space<vmem_shared>> -> memref<80x128xf32, #tpu.memory_space<vmem_shared>>
        tpu.enqueue_dma source(%arg13 : memref<80x128xf32, #tpu.memory_space<vmem>>) target(%dma_start3A_104 : memref<80x128xf32, #tpu.memory_space<vmem_shared>>) target_semaphore(%run_scoped3A : memref<!tpu.dma_semaphore, #tpu.memory_space<semaphore_mem>>)
        %dma_wait3A_105 = arith.constant 0 : i32
        %dma_wait3A_106 = tpu.memref_slice %arg6[%add3A_99, %dma_wait3A_105] : memref<10240x128xf32, #tpu.memory_space<vmem_shared>> -> memref<80x128xf32, #tpu.memory_space<vmem_shared>>
        %dma_wait3A_107 = arith.constant 0 : i32
        %dma_wait3A_108 = tpu.memref_slice %arg6[%add3A_99, %dma_wait3A_107] : memref<10240x128xf32, #tpu.memory_space<vmem_shared>> -> memref<80x128xf32, #tpu.memory_space<vmem_shared>>
        tpu.wait_dma2 semaphore(%run_scoped3A : memref<!tpu.dma_semaphore, #tpu.memory_space<semaphore_mem>>) src(%arg13 : memref<80x128xf32, #tpu.memory_space<vmem>>) dst(%dma_wait3A_108 : memref<80x128xf32, #tpu.memory_space<vmem_shared>>)
        tpu.yield
      }) : () -> ()
      %scan3A_100 = arith.constant 0 : i32
      scf.yield %scan3A_100 : i32
    }
    %scan3A_37 = arith.constant 8 : i32
    %barrier3A = arith.constant 0 : index
    tpu.barrier barrier_id(%barrier3A)
    %scan3A_38 = arith.constant 0 : i32
    %scan3A_39 = arith.constant 0 : i32
    %scan3A_40 = arith.constant 41 : i32
    %scan3A_41 = arith.addi %scan3A_39, %scan3A_40 : i32
    %scan3A_42 = arith.constant 1 : i32
    %scan3A_43 = scf.for %scan3A_93 = %scan3A_39 to %scan3A_41 step %scan3A_42 iter_args(%scan3A_94 = %scan3A_38) -> (i32)  : i32 {
      %mul3A_95 = arith.constant 3 : i32
      %mul3A_96 = arith.muli %mul3A_95, %scan3A_93 : i32
      %add3A_97 = arith.constant 0 : i32
      %add3A_98 = arith.addi %mul3A_96, %add3A_97 : i32
      %mul3A_99 = arith.constant 10000 : i32
      %mul3A_100 = arith.muli %add3A, %mul3A_99 : i32
      %mul3A_101 = arith.constant 80 : i32
      %mul3A_102 = arith.muli %add3A_98, %mul3A_101 : i32
      %add3A_103 = arith.addi %mul3A_100, %mul3A_102 : i32
      %dma_wait3A_104 = tpu.memref_slice %arg4[%add3A_103] : memref<320000xi32, #tpu.memory_space<hbm>> -> memref<80xi32, #tpu.memory_space<hbm>>
      %dma_wait3A_105 = tpu.memref_slice %arg4[%add3A_103] : memref<320000xi32, #tpu.memory_space<hbm>> -> memref<80xi32, #tpu.memory_space<hbm>>
      tpu.wait_dma2 semaphore(%arg14 : memref<!tpu.dma_semaphore, #tpu.memory_space<semaphore_mem>>) src(%dma_wait3A_105 : memref<80xi32, #tpu.memory_space<hbm>>) dst(%arg8 : memref<80xi32, #tpu.memory_space<vmem>>)
      %mul3A_106 = arith.constant 80 : i32
      %mul3A_107 = arith.muli %add3A_98, %mul3A_106 : i32
      %dma_wait3A_108 = tpu.memref_slice %arg7[%mul3A_107] : memref<10000xi32, #tpu.memory_space<vmem>> -> memref<80xi32, #tpu.memory_space<vmem>>
      %dma_wait3A_109 = arith.constant 0 : i32
      %dma_wait3A_110 = arith.constant 0 : i32
      %dma_wait3A_111 = tpu.memref_slice %arg2[%dma_wait3A_109, %dma_wait3A_110] : memref<10000x128xf32, #tpu.memory_space<hbm>> -> memref<10000x128xf32, #tpu.memory_space<hbm>>
      tpu.wait_indirect_dma semaphore(%arg14 : memref<!tpu.dma_semaphore, #tpu.memory_space<semaphore_mem>>) src(%dma_wait3A_111 : memref<10000x128xf32, #tpu.memory_space<hbm>>) dst(%arg11 : memref<80x128xf32, #tpu.memory_space<vmem>>)
      %dma_start3A_112 = arith.constant 0 : i32
      %dma_start3A_113 = arith.constant 0 : i32
      %dma_start3A_114 = tpu.memref_slice %arg6[%dma_start3A_112, %dma_start3A_113] : memref<10240x128xf32, #tpu.memory_space<vmem_shared>> -> memref<10240x128xf32, #tpu.memory_space<vmem_shared>>
      tpu.enqueue_indirect_dma source(%arg11 : memref<80x128xf32, #tpu.memory_space<vmem>>) target(%dma_start3A_114 : memref<10240x128xf32, #tpu.memory_space<vmem_shared>>) offsets(%arg8 : memref<80xi32, #tpu.memory_space<vmem>>) semaphore(%arg17 : memref<!tpu.dma_semaphore, #tpu.memory_space<semaphore_mem>>) {add = true}
      %gt3A = arith.constant 0 : i32
      %gt3A_115 = arith.cmpi sgt, %add3A_98, %gt3A : i32
      %convert_element_type3A = arith.extui %gt3A_115 : i1 to i32
      %cond3A = arith.constant 0 : i32
      %cond3A_116 = arith.cmpi ne, %convert_element_type3A, %cond3A : i32
      scf.if %cond3A_116 {
        %dma_wait3A_188 = arith.constant 0 : i32
        %dma_wait3A_189 = arith.constant 0 : i32
        %dma_wait3A_190 = tpu.memref_slice %arg2[%dma_wait3A_188, %dma_wait3A_189] : memref<10000x128xf32, #tpu.memory_space<hbm>> -> memref<80x128xf32, #tpu.memory_space<hbm>>
        %dma_wait3A_191 = arith.constant 0 : i32
        %dma_wait3A_192 = arith.constant 0 : i32
        %dma_wait3A_193 = tpu.memref_slice %arg2[%dma_wait3A_191, %dma_wait3A_192] : memref<10000x128xf32, #tpu.memory_space<hbm>> -> memref<80x128xf32, #tpu.memory_space<hbm>>
        tpu.wait_dma2 semaphore(%arg19 : memref<!tpu.dma_semaphore, #tpu.memory_space<semaphore_mem>>) src(%dma_wait3A_193 : memref<80x128xf32, #tpu.memory_space<hbm>>) dst(%arg13 : memref<80x128xf32, #tpu.memory_space<vmem>>)
      } else {
      }
      %add3A_117 = arith.constant 2 : i32
      %add3A_118 = arith.addi %add3A_98, %add3A_117 : i32
      %lt3A = arith.constant 125 : i32
      %lt3A_119 = arith.cmpi slt, %add3A_118, %lt3A : i32
      %convert_element_type3A_120 = arith.extui %lt3A_119 : i1 to i32
      %cond3A_121 = arith.constant 0 : i32
      %cond3A_122 = arith.cmpi ne, %convert_element_type3A_120, %cond3A_121 : i32
      scf.if %cond3A_122 {
        %add3A_188 = arith.constant 2 : i32
        %add3A_189 = arith.addi %add3A_98, %add3A_188 : i32
        %mul3A_190 = arith.constant 10000 : i32
        %mul3A_191 = arith.muli %add3A, %mul3A_190 : i32
        %mul3A_192 = arith.constant 80 : i32
        %mul3A_193 = arith.muli %add3A_189, %mul3A_192 : i32
        %add3A_194 = arith.addi %mul3A_191, %mul3A_193 : i32
        %dma_start3A_195 = tpu.memref_slice %arg4[%add3A_194] : memref<320000xi32, #tpu.memory_space<hbm>> -> memref<80xi32, #tpu.memory_space<hbm>>
        %dma_start3A_196 = tpu.memref_slice %arg4[%add3A_194] : memref<320000xi32, #tpu.memory_space<hbm>> -> memref<80xi32, #tpu.memory_space<hbm>>
        tpu.enqueue_dma source(%dma_start3A_196 : memref<80xi32, #tpu.memory_space<hbm>>) target(%arg10 : memref<80xi32, #tpu.memory_space<vmem>>) target_semaphore(%arg16 : memref<!tpu.dma_semaphore, #tpu.memory_space<semaphore_mem>>)
        %mul3A_197 = arith.constant 80 : i32
        %mul3A_198 = arith.muli %add3A_189, %mul3A_197 : i32
        %dma_start3A_199 = tpu.memref_slice %arg7[%mul3A_198] : memref<10000xi32, #tpu.memory_space<vmem>> -> memref<80xi32, #tpu.memory_space<vmem>>
        %dma_start3A_200 = arith.constant 0 : i32
        %dma_start3A_201 = arith.constant 0 : i32
        %dma_start3A_202 = tpu.memref_slice %arg2[%dma_start3A_200, %dma_start3A_201] : memref<10000x128xf32, #tpu.memory_space<hbm>> -> memref<10000x128xf32, #tpu.memory_space<hbm>>
        tpu.enqueue_indirect_dma source(%dma_start3A_202 : memref<10000x128xf32, #tpu.memory_space<hbm>>) target(%arg13 : memref<80x128xf32, #tpu.memory_space<vmem>>) offsets(%dma_start3A_199 : memref<80xi32, #tpu.memory_space<vmem>>) semaphore(%arg16 : memref<!tpu.dma_semaphore, #tpu.memory_space<semaphore_mem>>)
      } else {
      }
      %mul3A_123 = arith.constant 3 : i32
      %mul3A_124 = arith.muli %mul3A_123, %scan3A_93 : i32
      %add3A_125 = arith.constant 1 : i32
      %add3A_126 = arith.addi %mul3A_124, %add3A_125 : i32
      %mul3A_127 = arith.constant 10000 : i32
      %mul3A_128 = arith.muli %add3A, %mul3A_127 : i32
      %mul3A_129 = arith.constant 80 : i32
      %mul3A_130 = arith.muli %add3A_126, %mul3A_129 : i32
      %add3A_131 = arith.addi %mul3A_128, %mul3A_130 : i32
      %dma_wait3A_132 = tpu.memref_slice %arg4[%add3A_131] : memref<320000xi32, #tpu.memory_space<hbm>> -> memref<80xi32, #tpu.memory_space<hbm>>
      %dma_wait3A_133 = tpu.memref_slice %arg4[%add3A_131] : memref<320000xi32, #tpu.memory_space<hbm>> -> memref<80xi32, #tpu.memory_space<hbm>>
      tpu.wait_dma2 semaphore(%arg15 : memref<!tpu.dma_semaphore, #tpu.memory_space<semaphore_mem>>) src(%dma_wait3A_133 : memref<80xi32, #tpu.memory_space<hbm>>) dst(%arg9 : memref<80xi32, #tpu.memory_space<vmem>>)
      %mul3A_134 = arith.constant 80 : i32
      %mul3A_135 = arith.muli %add3A_126, %mul3A_134 : i32
      %dma_wait3A_136 = tpu.memref_slice %arg7[%mul3A_135] : memref<10000xi32, #tpu.memory_space<vmem>> -> memref<80xi32, #tpu.memory_space<vmem>>
      %dma_wait3A_137 = arith.constant 0 : i32
      %dma_wait3A_138 = arith.constant 0 : i32
      %dma_wait3A_139 = tpu.memref_slice %arg2[%dma_wait3A_137, %dma_wait3A_138] : memref<10000x128xf32, #tpu.memory_space<hbm>> -> memref<10000x128xf32, #tpu.memory_space<hbm>>
      tpu.wait_indirect_dma semaphore(%arg15 : memref<!tpu.dma_semaphore, #tpu.memory_space<semaphore_mem>>) src(%dma_wait3A_139 : memref<10000x128xf32, #tpu.memory_space<hbm>>) dst(%arg12 : memref<80x128xf32, #tpu.memory_space<vmem>>)
      %dma_start3A_140 = arith.constant 0 : i32
      %dma_start3A_141 = arith.constant 0 : i32
      %dma_start3A_142 = tpu.memref_slice %arg6[%dma_start3A_140, %dma_start3A_141] : memref<10240x128xf32, #tpu.memory_space<vmem_shared>> -> memref<10240x128xf32, #tpu.memory_space<vmem_shared>>
      tpu.enqueue_indirect_dma source(%arg12 : memref<80x128xf32, #tpu.memory_space<vmem>>) target(%dma_start3A_142 : memref<10240x128xf32, #tpu.memory_space<vmem_shared>>) offsets(%arg9 : memref<80xi32, #tpu.memory_space<vmem>>) semaphore(%arg18 : memref<!tpu.dma_semaphore, #tpu.memory_space<semaphore_mem>>) {add = true}
      %gt3A_143 = arith.constant 0 : i32
      %gt3A_144 = arith.cmpi sgt, %add3A_126, %gt3A_143 : i32
      %convert_element_type3A_145 = arith.extui %gt3A_144 : i1 to i32
      %cond3A_146 = arith.constant 0 : i32
      %cond3A_147 = arith.cmpi ne, %convert_element_type3A_145, %cond3A_146 : i32
      scf.if %cond3A_147 {
        %dma_wait3A_188 = arith.constant 0 : i32
        %dma_wait3A_189 = arith.constant 0 : i32
        %dma_wait3A_190 = tpu.memref_slice %arg2[%dma_wait3A_188, %dma_wait3A_189] : memref<10000x128xf32, #tpu.memory_space<hbm>> -> memref<80x128xf32, #tpu.memory_space<hbm>>
        %dma_wait3A_191 = arith.constant 0 : i32
        %dma_wait3A_192 = arith.constant 0 : i32
        %dma_wait3A_193 = tpu.memref_slice %arg2[%dma_wait3A_191, %dma_wait3A_192] : memref<10000x128xf32, #tpu.memory_space<hbm>> -> memref<80x128xf32, #tpu.memory_space<hbm>>
        tpu.wait_dma2 semaphore(%arg17 : memref<!tpu.dma_semaphore, #tpu.memory_space<semaphore_mem>>) src(%dma_wait3A_193 : memref<80x128xf32, #tpu.memory_space<hbm>>) dst(%arg11 : memref<80x128xf32, #tpu.memory_space<vmem>>)
      } else {
      }
      %add3A_148 = arith.constant 2 : i32
      %add3A_149 = arith.addi %add3A_126, %add3A_148 : i32
      %lt3A_150 = arith.constant 125 : i32
      %lt3A_151 = arith.cmpi slt, %add3A_149, %lt3A_150 : i32
      %convert_element_type3A_152 = arith.extui %lt3A_151 : i1 to i32
      %cond3A_153 = arith.constant 0 : i32
      %cond3A_154 = arith.cmpi ne, %convert_element_type3A_152, %cond3A_153 : i32
      scf.if %cond3A_154 {
        %add3A_188 = arith.constant 2 : i32
        %add3A_189 = arith.addi %add3A_126, %add3A_188 : i32
        %mul3A_190 = arith.constant 10000 : i32
        %mul3A_191 = arith.muli %add3A, %mul3A_190 : i32
        %mul3A_192 = arith.constant 80 : i32
        %mul3A_193 = arith.muli %add3A_189, %mul3A_192 : i32
        %add3A_194 = arith.addi %mul3A_191, %mul3A_193 : i32
        %dma_start3A_195 = tpu.memref_slice %arg4[%add3A_194] : memref<320000xi32, #tpu.memory_space<hbm>> -> memref<80xi32, #tpu.memory_space<hbm>>
        %dma_start3A_196 = tpu.memref_slice %arg4[%add3A_194] : memref<320000xi32, #tpu.memory_space<hbm>> -> memref<80xi32, #tpu.memory_space<hbm>>
        tpu.enqueue_dma source(%dma_start3A_196 : memref<80xi32, #tpu.memory_space<hbm>>) target(%arg8 : memref<80xi32, #tpu.memory_space<vmem>>) target_semaphore(%arg14 : memref<!tpu.dma_semaphore, #tpu.memory_space<semaphore_mem>>)
        %mul3A_197 = arith.constant 80 : i32
        %mul3A_198 = arith.muli %add3A_189, %mul3A_197 : i32
        %dma_start3A_199 = tpu.memref_slice %arg7[%mul3A_198] : memref<10000xi32, #tpu.memory_space<vmem>> -> memref<80xi32, #tpu.memory_space<vmem>>
        %dma_start3A_200 = arith.constant 0 : i32
        %dma_start3A_201 = arith.constant 0 : i32
        %dma_start3A_202 = tpu.memref_slice %arg2[%dma_start3A_200, %dma_start3A_201] : memref<10000x128xf32, #tpu.memory_space<hbm>> -> memref<10000x128xf32, #tpu.memory_space<hbm>>
        tpu.enqueue_indirect_dma source(%dma_start3A_202 : memref<10000x128xf32, #tpu.memory_space<hbm>>) target(%arg11 : memref<80x128xf32, #tpu.memory_space<vmem>>) offsets(%dma_start3A_199 : memref<80xi32, #tpu.memory_space<vmem>>) semaphore(%arg14 : memref<!tpu.dma_semaphore, #tpu.memory_space<semaphore_mem>>)
      } else {
      }
      %mul3A_155 = arith.constant 3 : i32
      %mul3A_156 = arith.muli %mul3A_155, %scan3A_93 : i32
      %add3A_157 = arith.constant 2 : i32
      %add3A_158 = arith.addi %mul3A_156, %add3A_157 : i32
      %mul3A_159 = arith.constant 10000 : i32
      %mul3A_160 = arith.muli %add3A, %mul3A_159 : i32
      %mul3A_161 = arith.constant 80 : i32
      %mul3A_162 = arith.muli %add3A_158, %mul3A_161 : i32
      %add3A_163 = arith.addi %mul3A_160, %mul3A_162 : i32
      %dma_wait3A_164 = tpu.memref_slice %arg4[%add3A_163] : memref<320000xi32, #tpu.memory_space<hbm>> -> memref<80xi32, #tpu.memory_space<hbm>>
      %dma_wait3A_165 = tpu.memref_slice %arg4[%add3A_163] : memref<320000xi32, #tpu.memory_space<hbm>> -> memref<80xi32, #tpu.memory_space<hbm>>
      tpu.wait_dma2 semaphore(%arg16 : memref<!tpu.dma_semaphore, #tpu.memory_space<semaphore_mem>>) src(%dma_wait3A_165 : memref<80xi32, #tpu.memory_space<hbm>>) dst(%arg10 : memref<80xi32, #tpu.memory_space<vmem>>)
      %mul3A_166 = arith.constant 80 : i32
      %mul3A_167 = arith.muli %add3A_158, %mul3A_166 : i32
      %dma_wait3A_168 = tpu.memref_slice %arg7[%mul3A_167] : memref<10000xi32, #tpu.memory_space<vmem>> -> memref<80xi32, #tpu.memory_space<vmem>>
      %dma_wait3A_169 = arith.constant 0 : i32
      %dma_wait3A_170 = arith.constant 0 : i32
      %dma_wait3A_171 = tpu.memref_slice %arg2[%dma_wait3A_169, %dma_wait3A_170] : memref<10000x128xf32, #tpu.memory_space<hbm>> -> memref<10000x128xf32, #tpu.memory_space<hbm>>
      tpu.wait_indirect_dma semaphore(%arg16 : memref<!tpu.dma_semaphore, #tpu.memory_space<semaphore_mem>>) src(%dma_wait3A_171 : memref<10000x128xf32, #tpu.memory_space<hbm>>) dst(%arg13 : memref<80x128xf32, #tpu.memory_space<vmem>>)
      %dma_start3A_172 = arith.constant 0 : i32
      %dma_start3A_173 = arith.constant 0 : i32
      %dma_start3A_174 = tpu.memref_slice %arg6[%dma_start3A_172, %dma_start3A_173] : memref<10240x128xf32, #tpu.memory_space<vmem_shared>> -> memref<10240x128xf32, #tpu.memory_space<vmem_shared>>
      tpu.enqueue_indirect_dma source(%arg13 : memref<80x128xf32, #tpu.memory_space<vmem>>) target(%dma_start3A_174 : memref<10240x128xf32, #tpu.memory_space<vmem_shared>>) offsets(%arg10 : memref<80xi32, #tpu.memory_space<vmem>>) semaphore(%arg19 : memref<!tpu.dma_semaphore, #tpu.memory_space<semaphore_mem>>) {add = true}
      %gt3A_175 = arith.constant 0 : i32
      %gt3A_176 = arith.cmpi sgt, %add3A_158, %gt3A_175 : i32
      %convert_element_type3A_177 = arith.extui %gt3A_176 : i1 to i32
      %cond3A_178 = arith.constant 0 : i32
      %cond3A_179 = arith.cmpi ne, %convert_element_type3A_177, %cond3A_178 : i32
      scf.if %cond3A_179 {
        %dma_wait3A_188 = arith.constant 0 : i32
        %dma_wait3A_189 = arith.constant 0 : i32
        %dma_wait3A_190 = tpu.memref_slice %arg2[%dma_wait3A_188, %dma_wait3A_189] : memref<10000x128xf32, #tpu.memory_space<hbm>> -> memref<80x128xf32, #tpu.memory_space<hbm>>
        %dma_wait3A_191 = arith.constant 0 : i32
        %dma_wait3A_192 = arith.constant 0 : i32
        %dma_wait3A_193 = tpu.memref_slice %arg2[%dma_wait3A_191, %dma_wait3A_192] : memref<10000x128xf32, #tpu.memory_space<hbm>> -> memref<80x128xf32, #tpu.memory_space<hbm>>
        tpu.wait_dma2 semaphore(%arg18 : memref<!tpu.dma_semaphore, #tpu.memory_space<semaphore_mem>>) src(%dma_wait3A_193 : memref<80x128xf32, #tpu.memory_space<hbm>>) dst(%arg12 : memref<80x128xf32, #tpu.memory_space<vmem>>)
      } else {
      }
      %add3A_180 = arith.constant 2 : i32
      %add3A_181 = arith.addi %add3A_158, %add3A_180 : i32
      %lt3A_182 = arith.constant 125 : i32
      %lt3A_183 = arith.cmpi slt, %add3A_181, %lt3A_182 : i32
      %convert_element_type3A_184 = arith.extui %lt3A_183 : i1 to i32
      %cond3A_185 = arith.constant 0 : i32
      %cond3A_186 = arith.cmpi ne, %convert_element_type3A_184, %cond3A_185 : i32
      scf.if %cond3A_186 {
        %add3A_188 = arith.constant 2 : i32
        %add3A_189 = arith.addi %add3A_158, %add3A_188 : i32
        %mul3A_190 = arith.constant 10000 : i32
        %mul3A_191 = arith.muli %add3A, %mul3A_190 : i32
        %mul3A_192 = arith.constant 80 : i32
        %mul3A_193 = arith.muli %add3A_189, %mul3A_192 : i32
        %add3A_194 = arith.addi %mul3A_191, %mul3A_193 : i32
        %dma_start3A_195 = tpu.memref_slice %arg4[%add3A_194] : memref<320000xi32, #tpu.memory_space<hbm>> -> memref<80xi32, #tpu.memory_space<hbm>>
        %dma_start3A_196 = tpu.memref_slice %arg4[%add3A_194] : memref<320000xi32, #tpu.memory_space<hbm>> -> memref<80xi32, #tpu.memory_space<hbm>>
        tpu.enqueue_dma source(%dma_start3A_196 : memref<80xi32, #tpu.memory_space<hbm>>) target(%arg9 : memref<80xi32, #tpu.memory_space<vmem>>) target_semaphore(%arg15 : memref<!tpu.dma_semaphore, #tpu.memory_space<semaphore_mem>>)
        %mul3A_197 = arith.constant 80 : i32
        %mul3A_198 = arith.muli %add3A_189, %mul3A_197 : i32
        %dma_start3A_199 = tpu.memref_slice %arg7[%mul3A_198] : memref<10000xi32, #tpu.memory_space<vmem>> -> memref<80xi32, #tpu.memory_space<vmem>>
        %dma_start3A_200 = arith.constant 0 : i32
        %dma_start3A_201 = arith.constant 0 : i32
        %dma_start3A_202 = tpu.memref_slice %arg2[%dma_start3A_200, %dma_start3A_201] : memref<10000x128xf32, #tpu.memory_space<hbm>> -> memref<10000x128xf32, #tpu.memory_space<hbm>>
        tpu.enqueue_indirect_dma source(%dma_start3A_202 : memref<10000x128xf32, #tpu.memory_space<hbm>>) target(%arg12 : memref<80x128xf32, #tpu.memory_space<vmem>>) offsets(%dma_start3A_199 : memref<80xi32, #tpu.memory_space<vmem>>) semaphore(%arg15 : memref<!tpu.dma_semaphore, #tpu.memory_space<semaphore_mem>>)
      } else {
      }
      %scan3A_187 = arith.constant 0 : i32
      scf.yield %scan3A_187 : i32
    }
    %scan3A_44 = arith.constant 41 : i32
    %mul3A_45 = arith.constant 10000 : i32
    %mul3A_46 = arith.muli %add3A, %mul3A_45 : i32
    %add3A_47 = arith.constant 9840 : i32
    %add3A_48 = arith.addi %mul3A_46, %add3A_47 : i32
    %dma_wait3A = tpu.memref_slice %arg4[%add3A_48] : memref<320000xi32, #tpu.memory_space<hbm>> -> memref<80xi32, #tpu.memory_space<hbm>>
    %dma_wait3A_49 = tpu.memref_slice %arg4[%add3A_48] : memref<320000xi32, #tpu.memory_space<hbm>> -> memref<80xi32, #tpu.memory_space<hbm>>
    tpu.wait_dma2 semaphore(%arg14 : memref<!tpu.dma_semaphore, #tpu.memory_space<semaphore_mem>>) src(%dma_wait3A_49 : memref<80xi32, #tpu.memory_space<hbm>>) dst(%arg8 : memref<80xi32, #tpu.memory_space<vmem>>)
    %dma_wait3A_50 = arith.constant 9840 : i32
    %dma_wait3A_51 = tpu.memref_slice %arg7[%dma_wait3A_50] : memref<10000xi32, #tpu.memory_space<vmem>> -> memref<80xi32, #tpu.memory_space<vmem>>
    %dma_wait3A_52 = arith.constant 0 : i32
    %dma_wait3A_53 = arith.constant 0 : i32
    %dma_wait3A_54 = tpu.memref_slice %arg2[%dma_wait3A_52, %dma_wait3A_53] : memref<10000x128xf32, #tpu.memory_space<hbm>> -> memref<10000x128xf32, #tpu.memory_space<hbm>>
    tpu.wait_indirect_dma semaphore(%arg14 : memref<!tpu.dma_semaphore, #tpu.memory_space<semaphore_mem>>) src(%dma_wait3A_54 : memref<10000x128xf32, #tpu.memory_space<hbm>>) dst(%arg11 : memref<80x128xf32, #tpu.memory_space<vmem>>)
    %dma_start3A_55 = arith.constant 0 : i32
    %dma_start3A_56 = arith.constant 0 : i32
    %dma_start3A_57 = tpu.memref_slice %arg6[%dma_start3A_55, %dma_start3A_56] : memref<10240x128xf32, #tpu.memory_space<vmem_shared>> -> memref<10240x128xf32, #tpu.memory_space<vmem_shared>>
    tpu.enqueue_indirect_dma source(%arg11 : memref<80x128xf32, #tpu.memory_space<vmem>>) target(%dma_start3A_57 : memref<10240x128xf32, #tpu.memory_space<vmem_shared>>) offsets(%arg8 : memref<80xi32, #tpu.memory_space<vmem>>) semaphore(%arg17 : memref<!tpu.dma_semaphore, #tpu.memory_space<semaphore_mem>>) {add = true}
    %dma_wait3A_58 = arith.constant 0 : i32
    %dma_wait3A_59 = arith.constant 0 : i32
    %dma_wait3A_60 = tpu.memref_slice %arg2[%dma_wait3A_58, %dma_wait3A_59] : memref<10000x128xf32, #tpu.memory_space<hbm>> -> memref<80x128xf32, #tpu.memory_space<hbm>>
    %dma_wait3A_61 = arith.constant 0 : i32
    %dma_wait3A_62 = arith.constant 0 : i32
    %dma_wait3A_63 = tpu.memref_slice %arg2[%dma_wait3A_61, %dma_wait3A_62] : memref<10000x128xf32, #tpu.memory_space<hbm>> -> memref<80x128xf32, #tpu.memory_space<hbm>>
    tpu.wait_dma2 semaphore(%arg19 : memref<!tpu.dma_semaphore, #tpu.memory_space<semaphore_mem>>) src(%dma_wait3A_63 : memref<80x128xf32, #tpu.memory_space<hbm>>) dst(%arg13 : memref<80x128xf32, #tpu.memory_space<vmem>>)
    %mul3A_64 = arith.constant 10000 : i32
    %mul3A_65 = arith.muli %add3A, %mul3A_64 : i32
    %add3A_66 = arith.constant 9920 : i32
    %add3A_67 = arith.addi %mul3A_65, %add3A_66 : i32
    %dma_wait3A_68 = tpu.memref_slice %arg4[%add3A_67] : memref<320000xi32, #tpu.memory_space<hbm>> -> memref<80xi32, #tpu.memory_space<hbm>>
    %dma_wait3A_69 = tpu.memref_slice %arg4[%add3A_67] : memref<320000xi32, #tpu.memory_space<hbm>> -> memref<80xi32, #tpu.memory_space<hbm>>
    tpu.wait_dma2 semaphore(%arg15 : memref<!tpu.dma_semaphore, #tpu.memory_space<semaphore_mem>>) src(%dma_wait3A_69 : memref<80xi32, #tpu.memory_space<hbm>>) dst(%arg9 : memref<80xi32, #tpu.memory_space<vmem>>)
    %dma_wait3A_70 = arith.constant 9920 : i32
    %dma_wait3A_71 = tpu.memref_slice %arg7[%dma_wait3A_70] : memref<10000xi32, #tpu.memory_space<vmem>> -> memref<80xi32, #tpu.memory_space<vmem>>
    %dma_wait3A_72 = arith.constant 0 : i32
    %dma_wait3A_73 = arith.constant 0 : i32
    %dma_wait3A_74 = tpu.memref_slice %arg2[%dma_wait3A_72, %dma_wait3A_73] : memref<10000x128xf32, #tpu.memory_space<hbm>> -> memref<10000x128xf32, #tpu.memory_space<hbm>>
    tpu.wait_indirect_dma semaphore(%arg15 : memref<!tpu.dma_semaphore, #tpu.memory_space<semaphore_mem>>) src(%dma_wait3A_74 : memref<10000x128xf32, #tpu.memory_space<hbm>>) dst(%arg12 : memref<80x128xf32, #tpu.memory_space<vmem>>)
    %dma_start3A_75 = arith.constant 0 : i32
    %dma_start3A_76 = arith.constant 0 : i32
    %dma_start3A_77 = tpu.memref_slice %arg6[%dma_start3A_75, %dma_start3A_76] : memref<10240x128xf32, #tpu.memory_space<vmem_shared>> -> memref<10240x128xf32, #tpu.memory_space<vmem_shared>>
    tpu.enqueue_indirect_dma source(%arg12 : memref<80x128xf32, #tpu.memory_space<vmem>>) target(%dma_start3A_77 : memref<10240x128xf32, #tpu.memory_space<vmem_shared>>) offsets(%arg9 : memref<80xi32, #tpu.memory_space<vmem>>) semaphore(%arg18 : memref<!tpu.dma_semaphore, #tpu.memory_space<semaphore_mem>>) {add = true}
    %dma_wait3A_78 = arith.constant 0 : i32
    %dma_wait3A_79 = arith.constant 0 : i32
    %dma_wait3A_80 = tpu.memref_slice %arg2[%dma_wait3A_78, %dma_wait3A_79] : memref<10000x128xf32, #tpu.memory_space<hbm>> -> memref<80x128xf32, #tpu.memory_space<hbm>>
    %dma_wait3A_81 = arith.constant 0 : i32
    %dma_wait3A_82 = arith.constant 0 : i32
    %dma_wait3A_83 = tpu.memref_slice %arg2[%dma_wait3A_81, %dma_wait3A_82] : memref<10000x128xf32, #tpu.memory_space<hbm>> -> memref<80x128xf32, #tpu.memory_space<hbm>>
    tpu.wait_dma2 semaphore(%arg17 : memref<!tpu.dma_semaphore, #tpu.memory_space<semaphore_mem>>) src(%dma_wait3A_83 : memref<80x128xf32, #tpu.memory_space<hbm>>) dst(%arg11 : memref<80x128xf32, #tpu.memory_space<vmem>>)
    %dma_wait3A_84 = arith.constant 0 : i32
    %dma_wait3A_85 = arith.constant 0 : i32
    %dma_wait3A_86 = tpu.memref_slice %arg2[%dma_wait3A_84, %dma_wait3A_85] : memref<10000x128xf32, #tpu.memory_space<hbm>> -> memref<80x128xf32, #tpu.memory_space<hbm>>
    %dma_wait3A_87 = arith.constant 0 : i32
    %dma_wait3A_88 = arith.constant 0 : i32
    %dma_wait3A_89 = tpu.memref_slice %arg2[%dma_wait3A_87, %dma_wait3A_88] : memref<10000x128xf32, #tpu.memory_space<hbm>> -> memref<80x128xf32, #tpu.memory_space<hbm>>
    tpu.wait_dma2 semaphore(%arg18 : memref<!tpu.dma_semaphore, #tpu.memory_space<semaphore_mem>>) src(%dma_wait3A_89 : memref<80x128xf32, #tpu.memory_space<hbm>>) dst(%arg12 : memref<80x128xf32, #tpu.memory_space<vmem>>)
    %barrier3A_90 = arith.constant 0 : index
    tpu.barrier barrier_id(%barrier3A_90)
    %mul3A_91 = arith.constant 640 : i32
    %mul3A_92 = arith.muli %arg1, %mul3A_91 : i32
    "tpu.region"() ({
      %run_scoped3A = tpu.sem_alloc : memref<!tpu.dma_semaphore, #tpu.memory_space<semaphore_mem>>
      %dma_start3A_93 = arith.constant 0 : i32
      %dma_start3A_94 = tpu.memref_slice %arg5[%arg0, %mul3A_92, %dma_start3A_93] : memref<2x10240x128xf32, #tpu.memory_space<hbm>> -> memref<1x640x128xf32, #tpu.memory_space<hbm>>
      %dma_start3A_95 = tpu.memref_squeeze %dma_start3A_94 : memref<1x640x128xf32, #tpu.memory_space<hbm>> -> memref<640x128xf32, #tpu.memory_space<hbm>>
      %dma_start3A_96 = arith.constant 0 : i32
      %dma_start3A_97 = tpu.memref_slice %arg6[%mul3A_92, %dma_start3A_96] : memref<10240x128xf32, #tpu.memory_space<vmem_shared>> -> memref<640x128xf32, #tpu.memory_space<vmem_shared>>
      tpu.enqueue_dma source(%dma_start3A_97 : memref<640x128xf32, #tpu.memory_space<vmem_shared>>) target(%dma_start3A_95 : memref<640x128xf32, #tpu.memory_space<hbm>>) target_semaphore(%run_scoped3A : memref<!tpu.dma_semaphore, #tpu.memory_space<semaphore_mem>>)
      %dma_wait3A_98 = arith.constant 0 : i32
      %dma_wait3A_99 = tpu.memref_slice %arg5[%arg0, %mul3A_92, %dma_wait3A_98] : memref<2x10240x128xf32, #tpu.memory_space<hbm>> -> memref<1x640x128xf32, #tpu.memory_space<hbm>>
      %dma_wait3A_100 = tpu.memref_squeeze %dma_wait3A_99 : memref<1x640x128xf32, #tpu.memory_space<hbm>> -> memref<640x128xf32, #tpu.memory_space<hbm>>
      %dma_wait3A_101 = arith.constant 0 : i32
      %dma_wait3A_102 = tpu.memref_slice %arg6[%mul3A_92, %dma_wait3A_101] : memref<10240x128xf32, #tpu.memory_space<vmem_shared>> -> memref<640x128xf32, #tpu.memory_space<vmem_shared>>
      tpu.wait_dma2 semaphore(%run_scoped3A : memref<!tpu.dma_semaphore, #tpu.memory_space<semaphore_mem>>) src(%dma_wait3A_102 : memref<640x128xf32, #tpu.memory_space<vmem_shared>>) dst(%dma_wait3A_100 : memref<640x128xf32, #tpu.memory_space<hbm>>)
      tpu.yield
    }) : () -> ()
    return
  }
}

module attributes {stable_mosaic.version = 14 : i64} {
  func.func @body(%arg0: i32, %arg1: memref<2000x32xf32, #tpu.memory_space<vmem>>, %arg2: memref<2000x1xf32, #tpu.memory_space<vmem>>, %arg3: memref<2000x3xf32, #tpu.memory_space<vmem>>, %arg4: memref<4x128xf32, #tpu.memory_space<vmem>>, %arg5: memref<2000x1xf32, #tpu.memory_space<vmem>>, %arg6: memref<2000x128xf32, #tpu.memory_space<vmem>>) attributes {dimension_semantics = [#tpu.dimension_semantics<arbitrary>], iteration_bounds = array<i64: 5>, scalar_prefetch = 0 : i64, scratch_operands = 0 : i64, tpu.core_type = #tpu.core_type<tc>, window_params = [{transform_indices = @transform_0, window_bounds = array<i64: 2000, 32>}, {transform_indices = @transform_1, window_bounds = array<i64: 2000, 1>}, {transform_indices = @transform_2, window_bounds = array<i64: 2000, 3>}, {pipeline_mode = #tpu.pipeline_mode<synchronous>, transform_indices = @transform_3, window_bounds = array<i64: 4, 128>}, {transform_indices = @transform_4, window_bounds = array<i64: 2000, 1>}, {transform_indices = @transform_5, window_bounds = array<i64: 2000, 128>}]} {
    %get3A = arith.constant 0 : index
    %get3A_0 = arith.constant 0 : index
    %get3A_1 = vector.load %arg1[%get3A, %get3A_0] : memref<2000x32xf32, #tpu.memory_space<vmem>>, vector<2000x32xf32>
    %reduce_sum3A = arith.constant dense<0.000000e+00> : vector<2000xf32>
    %reduce_sum3A_2 = vector.multi_reduction <add>, %get3A_1, %reduce_sum3A [1] : vector<2000x32xf32> to vector<2000xf32>
    %broadcast_in_dim3A = vector.shape_cast %reduce_sum3A_2 : vector<2000xf32> to vector<2000x1xf32>
    %add3A = arith.constant 1.000000e+00 : f32
    %add3A_3 = vector.broadcast %add3A : f32 to vector<2000x1xf32>
    %add3A_4 = arith.addf %broadcast_in_dim3A, %add3A_3 : vector<2000x1xf32>
    %rsqrt3A = math.rsqrt %add3A_4 : vector<2000x1xf32>
    %swap3A = arith.constant 0 : index
    %swap3A_5 = arith.constant 0 : index
    %swap3A_6 = vector.load %arg5[%swap3A, %swap3A_5] : memref<2000x1xf32, #tpu.memory_space<vmem>>, vector<2000x1xf32>
    tpu.vector_store %arg5[%swap3A, %swap3A_5], %rsqrt3A {strides = array<i32>} : memref<2000x1xf32, #tpu.memory_space<vmem>>, vector<2000x1xf32>,
    %get3A_7 = arith.constant 0 : index
    %get3A_8 = arith.constant 0 : index
    %get3A_9 = vector.load %arg2[%get3A_7, %get3A_8] : memref<2000x1xf32, #tpu.memory_space<vmem>>, vector<2000x1xf32>
    %get3A_10 = arith.constant 0 : index
    %get3A_11 = arith.constant 0 : index
    %get3A_12 = vector.load %arg3[%get3A_10, %get3A_11] : memref<2000x3xf32, #tpu.memory_space<vmem>>, vector<2000x3xf32>
    %concatenate3A = tpu.concatenate %get3A_9, %get3A_12 in 1 : vector<2000x1xf32>, vector<2000x3xf32> -> vector<2000x4xf32>
    %mul3A = vector.broadcast %rsqrt3A : vector<2000x1xf32> to vector<2000x4xf32>
    %mul3A_13 = arith.mulf %concatenate3A, %mul3A : vector<2000x4xf32>
    %get3A_14 = arith.constant 0 : index
    %get3A_15 = arith.constant 0 : index
    %get3A_16 = vector.load %arg4[%get3A_14, %get3A_15] : memref<4x128xf32, #tpu.memory_space<vmem>>, vector<4x128xf32>
    %dot_general3A = arith.constant dense<0.000000e+00> : vector<2000x128xf32>
    %dot_general3A_17 = tpu.matmul %mul3A_13, %get3A_16, %dot_general3A {dimension_numbers = #tpu.dot_dimension_numbers<[1], [0], [0], [1], [0, 0, 1, 1], [], []>, transpose_lhs_hint = false} : vector<2000x4xf32>, vector<4x128xf32>, vector<2000x128xf32> -> vector<2000x128xf32>
    %swap3A_18 = arith.constant 0 : index
    %swap3A_19 = arith.constant 0 : index
    %swap3A_20 = vector.load %arg6[%swap3A_18, %swap3A_19] : memref<2000x128xf32, #tpu.memory_space<vmem>>, vector<2000x128xf32>
    tpu.vector_store %arg6[%swap3A_18, %swap3A_19], %dot_general3A_17 {strides = array<i32>} : memref<2000x128xf32, #tpu.memory_space<vmem>>, vector<2000x128xf32>,
    return
  }
  func.func @transform_0(%arg0: i32) -> (i32, i32) {
    %c0_i32 = arith.constant 0 : i32
    %c0_i32_0 = arith.constant 0 : i32
    return %arg0, %c0_i32 : i32, i32
  }
  func.func @transform_1(%arg0: i32) -> (i32, i32) {
    %c0_i32 = arith.constant 0 : i32
    %c0_i32_0 = arith.constant 0 : i32
    return %arg0, %c0_i32 : i32, i32
  }
  func.func @transform_2(%arg0: i32) -> (i32, i32) {
    %c0_i32 = arith.constant 0 : i32
    %c0_i32_0 = arith.constant 0 : i32
    return %arg0, %c0_i32 : i32, i32
  }
  func.func @transform_3(%arg0: i32) -> (i32, i32) {
    %c0_i32 = arith.constant 0 : i32
    %c0_i32_0 = arith.constant 0 : i32
    %c0_i32_1 = arith.constant 0 : i32
    return %c0_i32, %c0_i32_0 : i32, i32
  }
  func.func @transform_4(%arg0: i32) -> (i32, i32) {
    %c0_i32 = arith.constant 0 : i32
    %c0_i32_0 = arith.constant 0 : i32
    return %arg0, %c0_i32 : i32, i32
  }
  func.func @transform_5(%arg0: i32) -> (i32, i32) {
    %c0_i32 = arith.constant 0 : i32
    %c0_i32_0 = arith.constant 0 : i32
    return %arg0, %c0_i32 : i32, i32
  }
}

module attributes {stable_mosaic.version = 14 : i64} {
  func.func @body(%arg0: i32, %arg1: memref<2x2000x128xf32, #tpu.memory_space<vmem>>, %arg2: memref<2000x128xf32, #tpu.memory_space<vmem>>, %arg3: memref<2000x1xf32, #tpu.memory_space<vmem>>, %arg4: memref<1x128xf32, #tpu.memory_space<vmem>>, %arg5: memref<128x128xf32, #tpu.memory_space<vmem>>, %arg6: memref<2000x128xf32, #tpu.memory_space<vmem>>) attributes {dimension_semantics = [#tpu.dimension_semantics<arbitrary>], iteration_bounds = array<i64: 5>, scalar_prefetch = 0 : i64, scratch_operands = 0 : i64, tpu.core_type = #tpu.core_type<tc>, window_params = [{transform_indices = @transform_0, window_bounds = array<i64: 2, 2000, 128>}, {transform_indices = @transform_1, window_bounds = array<i64: 2000, 128>}, {transform_indices = @transform_2, window_bounds = array<i64: 2000, 1>}, {pipeline_mode = #tpu.pipeline_mode<synchronous>, transform_indices = @transform_3, window_bounds = array<i64: 1, 128>}, {pipeline_mode = #tpu.pipeline_mode<synchronous>, transform_indices = @transform_4, window_bounds = array<i64: 128, 128>}, {transform_indices = @transform_5, window_bounds = array<i64: 2000, 128>}]} {
    %get3A = arith.constant 0 : index
    %get3A_0 = arith.constant 0 : index
    %get3A_1 = arith.constant 0 : index
    %get3A_2 = vector.load %arg1[%get3A, %get3A_0, %get3A_1] : memref<2x2000x128xf32, #tpu.memory_space<vmem>>, vector<1x2000x128xf32>
    %get3A_3 = vector.shape_cast %get3A_2 : vector<1x2000x128xf32> to vector<2000x128xf32>
    %get3A_4 = arith.constant 1 : index
    %get3A_5 = arith.constant 0 : index
    %get3A_6 = arith.constant 0 : index
    %get3A_7 = vector.load %arg1[%get3A_4, %get3A_5, %get3A_6] : memref<2x2000x128xf32, #tpu.memory_space<vmem>>, vector<1x2000x128xf32>
    %get3A_8 = vector.shape_cast %get3A_7 : vector<1x2000x128xf32> to vector<2000x128xf32>
    %add3A = arith.addf %get3A_3, %get3A_8 : vector<2000x128xf32>
    %get3A_9 = arith.constant 0 : index
    %get3A_10 = arith.constant 0 : index
    %get3A_11 = vector.load %arg2[%get3A_9, %get3A_10] : memref<2000x128xf32, #tpu.memory_space<vmem>>, vector<2000x128xf32>
    %add3A_12 = arith.addf %add3A, %get3A_11 : vector<2000x128xf32>
    %get3A_13 = arith.constant 0 : index
    %get3A_14 = arith.constant 0 : index
    %get3A_15 = vector.load %arg3[%get3A_13, %get3A_14] : memref<2000x1xf32, #tpu.memory_space<vmem>>, vector<2000x1xf32>
    %mul3A = vector.broadcast %get3A_15 : vector<2000x1xf32> to vector<2000x128xf32>
    %mul3A_16 = arith.mulf %add3A_12, %mul3A : vector<2000x128xf32>
    %get3A_17 = arith.constant 0 : index
    %get3A_18 = arith.constant 0 : index
    %get3A_19 = vector.load %arg4[%get3A_17, %get3A_18] : memref<1x128xf32, #tpu.memory_space<vmem>>, vector<1x128xf32>
    %add3A_20 = vector.broadcast %get3A_19 : vector<1x128xf32> to vector<2000x128xf32>
    %add3A_21 = arith.addf %mul3A_16, %add3A_20 : vector<2000x128xf32>
    %max3A = arith.constant 0.000000e+00 : f32
    %max3A_22 = vector.broadcast %max3A : f32 to vector<2000x128xf32>
    %max3A_23 = arith.maximumf %add3A_21, %max3A_22 : vector<2000x128xf32>
    %get3A_24 = arith.constant 0 : index
    %get3A_25 = arith.constant 0 : index
    %get3A_26 = vector.load %arg5[%get3A_24, %get3A_25] : memref<128x128xf32, #tpu.memory_space<vmem>>, vector<128x128xf32>
    %dot_general3A = arith.constant dense<0.000000e+00> : vector<2000x128xf32>
    %dot_general3A_27 = tpu.matmul %max3A_23, %get3A_26, %dot_general3A {dimension_numbers = #tpu.dot_dimension_numbers<[1], [0], [0], [1], [0, 0, 1, 1], [], []>, transpose_lhs_hint = false} : vector<2000x128xf32>, vector<128x128xf32>, vector<2000x128xf32> -> vector<2000x128xf32>
    %get3A_28 = arith.constant 0 : index
    %get3A_29 = arith.constant 0 : index
    %get3A_30 = vector.load %arg3[%get3A_28, %get3A_29] : memref<2000x1xf32, #tpu.memory_space<vmem>>, vector<2000x1xf32>
    %mul3A_31 = vector.broadcast %get3A_30 : vector<2000x1xf32> to vector<2000x128xf32>
    %mul3A_32 = arith.mulf %dot_general3A_27, %mul3A_31 : vector<2000x128xf32>
    %swap3A = arith.constant 0 : index
    %swap3A_33 = arith.constant 0 : index
    %swap3A_34 = vector.load %arg6[%swap3A, %swap3A_33] : memref<2000x128xf32, #tpu.memory_space<vmem>>, vector<2000x128xf32>
    tpu.vector_store %arg6[%swap3A, %swap3A_33], %mul3A_32 {strides = array<i32>} : memref<2000x128xf32, #tpu.memory_space<vmem>>, vector<2000x128xf32>,
    return
  }
  func.func @transform_0(%arg0: i32) -> (i32, i32, i32) {
    %c0_i32 = arith.constant 0 : i32
    %c0_i32_0 = arith.constant 0 : i32
    %c0_i32_1 = arith.constant 0 : i32
    return %c0_i32, %arg0, %c0_i32_0 : i32, i32, i32
  }
  func.func @transform_1(%arg0: i32) -> (i32, i32) {
    %c0_i32 = arith.constant 0 : i32
    %c0_i32_0 = arith.constant 0 : i32
    return %arg0, %c0_i32 : i32, i32
  }
  func.func @transform_2(%arg0: i32) -> (i32, i32) {
    %c0_i32 = arith.constant 0 : i32
    %c0_i32_0 = arith.constant 0 : i32
    return %arg0, %c0_i32 : i32, i32
  }
  func.func @transform_3(%arg0: i32) -> (i32, i32) {
    %c0_i32 = arith.constant 0 : i32
    %c0_i32_0 = arith.constant 0 : i32
    %c0_i32_1 = arith.constant 0 : i32
    return %c0_i32, %c0_i32_0 : i32, i32
  }
  func.func @transform_4(%arg0: i32) -> (i32, i32) {
    %c0_i32 = arith.constant 0 : i32
    %c0_i32_0 = arith.constant 0 : i32
    %c0_i32_1 = arith.constant 0 : i32
    return %c0_i32, %c0_i32_0 : i32, i32
  }
  func.func @transform_5(%arg0: i32) -> (i32, i32) {
    %c0_i32 = arith.constant 0 : i32
    %c0_i32_0 = arith.constant 0 : i32
    return %arg0, %c0_i32 : i32, i32
  }
}

module attributes {stable_mosaic.version = 14 : i64} {
  func.func @body(%arg0: i32, %arg1: memref<2x2000x128xf32, #tpu.memory_space<vmem>>, %arg2: memref<2000x128xf32, #tpu.memory_space<vmem>>, %arg3: memref<2000x1xf32, #tpu.memory_space<vmem>>, %arg4: memref<1x128xf32, #tpu.memory_space<vmem>>, %arg5: memref<2000x1xi32, #tpu.memory_space<vmem>>, %arg6: memref<128x8xf32, #tpu.memory_space<vmem>>, %arg7: memref<1x8xf32, #tpu.memory_space<vmem>>, %arg8: memref<64x8xf32, #tpu.memory_space<vmem>>, %arg9: memref<64x128xf32, #tpu.memory_space<vmem>>, %arg10: memref<64x128xf32, #tpu.memory_space<vmem>>) attributes {dimension_semantics = [#tpu.dimension_semantics<arbitrary>], iteration_bounds = array<i64: 5>, scalar_prefetch = 0 : i64, scratch_operands = 2 : i64, tpu.core_type = #tpu.core_type<tc>, window_params = [{transform_indices = @transform_0, window_bounds = array<i64: 2, 2000, 128>}, {transform_indices = @transform_1, window_bounds = array<i64: 2000, 128>}, {transform_indices = @transform_2, window_bounds = array<i64: 2000, 1>}, {pipeline_mode = #tpu.pipeline_mode<synchronous>, transform_indices = @transform_3, window_bounds = array<i64: 1, 128>}, {transform_indices = @transform_4, window_bounds = array<i64: 2000, 1>}, {pipeline_mode = #tpu.pipeline_mode<synchronous>, transform_indices = @transform_5, window_bounds = array<i64: 128, 8>}, {pipeline_mode = #tpu.pipeline_mode<synchronous>, transform_indices = @transform_6, window_bounds = array<i64: 1, 8>}, {pipeline_mode = #tpu.pipeline_mode<synchronous>, transform_indices = @transform_7, window_bounds = array<i64: 64, 8>}]} {
    %eq3A = arith.constant 0 : i32
    %eq3A_0 = arith.cmpi eq, %arg0, %eq3A : i32
    %convert_element_type3A = arith.extui %eq3A_0 : i1 to i32
    %cond3A = arith.constant 0 : i32
    %cond3A_1 = arith.cmpi ne, %convert_element_type3A, %cond3A : i32
    scf.if %cond3A_1 {
      %broadcast_in_dim3A_55 = arith.constant 0.000000e+00 : f32
      %broadcast_in_dim3A_56 = vector.broadcast %broadcast_in_dim3A_55 : f32 to vector<64x128xf32>
      %swap3A_57 = arith.constant 0 : index
      %swap3A_58 = arith.constant 0 : index
      %swap3A_59 = vector.load %arg9[%swap3A_57, %swap3A_58] : memref<64x128xf32, #tpu.memory_space<vmem>>, vector<64x128xf32>
      tpu.vector_store %arg9[%swap3A_57, %swap3A_58], %broadcast_in_dim3A_56 {strides = array<i32>} : memref<64x128xf32, #tpu.memory_space<vmem>>, vector<64x128xf32>,
      %broadcast_in_dim3A_60 = arith.constant 0.000000e+00 : f32
      %broadcast_in_dim3A_61 = vector.broadcast %broadcast_in_dim3A_60 : f32 to vector<64x128xf32>
      %swap3A_62 = arith.constant 0 : index
      %swap3A_63 = arith.constant 0 : index
      %swap3A_64 = vector.load %arg10[%swap3A_62, %swap3A_63] : memref<64x128xf32, #tpu.memory_space<vmem>>, vector<64x128xf32>
      tpu.vector_store %arg10[%swap3A_62, %swap3A_63], %broadcast_in_dim3A_61 {strides = array<i32>} : memref<64x128xf32, #tpu.memory_space<vmem>>, vector<64x128xf32>,
    } else {
    }
    %get3A = arith.constant 0 : index
    %get3A_2 = arith.constant 0 : index
    %get3A_3 = arith.constant 0 : index
    %get3A_4 = vector.load %arg1[%get3A, %get3A_2, %get3A_3] : memref<2x2000x128xf32, #tpu.memory_space<vmem>>, vector<1x2000x128xf32>
    %get3A_5 = vector.shape_cast %get3A_4 : vector<1x2000x128xf32> to vector<2000x128xf32>
    %get3A_6 = arith.constant 1 : index
    %get3A_7 = arith.constant 0 : index
    %get3A_8 = arith.constant 0 : index
    %get3A_9 = vector.load %arg1[%get3A_6, %get3A_7, %get3A_8] : memref<2x2000x128xf32, #tpu.memory_space<vmem>>, vector<1x2000x128xf32>
    %get3A_10 = vector.shape_cast %get3A_9 : vector<1x2000x128xf32> to vector<2000x128xf32>
    %add3A = arith.addf %get3A_5, %get3A_10 : vector<2000x128xf32>
    %get3A_11 = arith.constant 0 : index
    %get3A_12 = arith.constant 0 : index
    %get3A_13 = vector.load %arg2[%get3A_11, %get3A_12] : memref<2000x128xf32, #tpu.memory_space<vmem>>, vector<2000x128xf32>
    %add3A_14 = arith.addf %add3A, %get3A_13 : vector<2000x128xf32>
    %get3A_15 = arith.constant 0 : index
    %get3A_16 = arith.constant 0 : index
    %get3A_17 = vector.load %arg3[%get3A_15, %get3A_16] : memref<2000x1xf32, #tpu.memory_space<vmem>>, vector<2000x1xf32>
    %mul3A = vector.broadcast %get3A_17 : vector<2000x1xf32> to vector<2000x128xf32>
    %mul3A_18 = arith.mulf %add3A_14, %mul3A : vector<2000x128xf32>
    %get3A_19 = arith.constant 0 : index
    %get3A_20 = arith.constant 0 : index
    %get3A_21 = vector.load %arg4[%get3A_19, %get3A_20] : memref<1x128xf32, #tpu.memory_space<vmem>>, vector<1x128xf32>
    %add3A_22 = vector.broadcast %get3A_21 : vector<1x128xf32> to vector<2000x128xf32>
    %add3A_23 = arith.addf %mul3A_18, %add3A_22 : vector<2000x128xf32>
    %max3A = arith.constant 0.000000e+00 : f32
    %max3A_24 = vector.broadcast %max3A : f32 to vector<2000x128xf32>
    %max3A_25 = arith.maximumf %add3A_23, %max3A_24 : vector<2000x128xf32>
    %iota3A = tpu.iota {dimensions = array<i32: 1>} : vector<2000x64xi32>
    %get3A_26 = arith.constant 0 : index
    %get3A_27 = arith.constant 0 : index
    %get3A_28 = vector.load %arg5[%get3A_26, %get3A_27] : memref<2000x1xi32, #tpu.memory_space<vmem>>, vector<2000x1xi32>
    %eq3A_29 = vector.broadcast %get3A_28 : vector<2000x1xi32> to vector<2000x64xi32>
    %eq3A_30 = arith.cmpi eq, %eq3A_29, %iota3A : vector<2000x64xi32>
    %convert_element_type3A_31 = arith.extui %eq3A_30 : vector<2000x64xi1> to vector<2000x64xi32>
    %convert_element_type3A_32 = arith.sitofp %convert_element_type3A_31 : vector<2000x64xi32> to vector<2000x64xf32>
    %get3A_33 = arith.constant 0 : index
    %get3A_34 = arith.constant 0 : index
    %get3A_35 = vector.load %arg9[%get3A_33, %get3A_34] : memref<64x128xf32, #tpu.memory_space<vmem>>, vector<64x128xf32>
    %dot_general3A = arith.constant dense<0.000000e+00> : vector<64x128xf32>
    %dot_general3A_36 = tpu.matmul %convert_element_type3A_32, %max3A_25, %dot_general3A {dimension_numbers = #tpu.dot_dimension_numbers<[0], [0], [1], [1], [0, 1, 1, 1], [], []>, transpose_lhs_hint = false} : vector<2000x64xf32>, vector<2000x128xf32>, vector<64x128xf32> -> vector<64x128xf32>
    %add3A_37 = arith.addf %get3A_35, %dot_general3A_36 : vector<64x128xf32>
    %swap3A = arith.constant 0 : index
    %swap3A_38 = arith.constant 0 : index
    %swap3A_39 = vector.load %arg9[%swap3A, %swap3A_38] : memref<64x128xf32, #tpu.memory_space<vmem>>, vector<64x128xf32>
    tpu.vector_store %arg9[%swap3A, %swap3A_38], %add3A_37 {strides = array<i32>} : memref<64x128xf32, #tpu.memory_space<vmem>>, vector<64x128xf32>,
    %broadcast_in_dim3A = arith.constant 1.000000e+00 : f32
    %broadcast_in_dim3A_40 = vector.broadcast %broadcast_in_dim3A : f32 to vector<2000x128xf32>
    %get3A_41 = arith.constant 0 : index
    %get3A_42 = arith.constant 0 : index
    %get3A_43 = vector.load %arg10[%get3A_41, %get3A_42] : memref<64x128xf32, #tpu.memory_space<vmem>>, vector<64x128xf32>
    %dot_general3A_44 = arith.constant dense<0.000000e+00> : vector<64x128xf32>
    %dot_general3A_45 = tpu.matmul %convert_element_type3A_32, %broadcast_in_dim3A_40, %dot_general3A_44 {dimension_numbers = #tpu.dot_dimension_numbers<[0], [0], [1], [1], [0, 1, 1, 1], [], []>, transpose_lhs_hint = false} : vector<2000x64xf32>, vector<2000x128xf32>, vector<64x128xf32> -> vector<64x128xf32>
    %add3A_46 = arith.addf %get3A_43, %dot_general3A_45 : vector<64x128xf32>
    %swap3A_47 = arith.constant 0 : index
    %swap3A_48 = arith.constant 0 : index
    %swap3A_49 = vector.load %arg10[%swap3A_47, %swap3A_48] : memref<64x128xf32, #tpu.memory_space<vmem>>, vector<64x128xf32>
    tpu.vector_store %arg10[%swap3A_47, %swap3A_48], %add3A_46 {strides = array<i32>} : memref<64x128xf32, #tpu.memory_space<vmem>>, vector<64x128xf32>,
    %eq3A_50 = arith.constant 4 : i32
    %eq3A_51 = arith.cmpi eq, %arg0, %eq3A_50 : i32
    %convert_element_type3A_52 = arith.extui %eq3A_51 : i1 to i32
    %cond3A_53 = arith.constant 0 : i32
    %cond3A_54 = arith.cmpi ne, %convert_element_type3A_52, %cond3A_53 : i32
    scf.if %cond3A_54 {
      %get3A_55 = arith.constant 0 : index
      %get3A_56 = arith.constant 0 : index
      %get3A_57 = vector.load %arg9[%get3A_55, %get3A_56] : memref<64x128xf32, #tpu.memory_space<vmem>>, vector<64x128xf32>
      %get3A_58 = arith.constant 0 : index
      %get3A_59 = arith.constant 0 : index
      %get3A_60 = vector.load %arg10[%get3A_58, %get3A_59] : memref<64x128xf32, #tpu.memory_space<vmem>>, vector<64x128xf32>
      %max3A_61 = arith.constant 1.000000e+00 : f32
      %max3A_62 = vector.broadcast %max3A_61 : f32 to vector<64x128xf32>
      %max3A_63 = arith.maximumf %get3A_60, %max3A_62 : vector<64x128xf32>
      %div3A = arith.divf %get3A_57, %max3A_63 : vector<64x128xf32>
      %get3A_64 = arith.constant 0 : index
      %get3A_65 = arith.constant 0 : index
      %get3A_66 = vector.load %arg6[%get3A_64, %get3A_65] : memref<128x8xf32, #tpu.memory_space<vmem>>, vector<128x8xf32>
      %dot_general3A_67 = arith.constant dense<0.000000e+00> : vector<64x8xf32>
      %dot_general3A_68 = tpu.matmul %div3A, %get3A_66, %dot_general3A_67 {dimension_numbers = #tpu.dot_dimension_numbers<[1], [0], [0], [1], [0, 0, 1, 1], [], []>, transpose_lhs_hint = false} : vector<64x128xf32>, vector<128x8xf32>, vector<64x8xf32> -> vector<64x8xf32>
      %get3A_69 = arith.constant 0 : index
      %get3A_70 = arith.constant 0 : index
      %get3A_71 = vector.load %arg7[%get3A_69, %get3A_70] : memref<1x8xf32, #tpu.memory_space<vmem>>, vector<1x8xf32>
      %add3A_72 = vector.broadcast %get3A_71 : vector<1x8xf32> to vector<64x8xf32>
      %add3A_73 = arith.addf %dot_general3A_68, %add3A_72 : vector<64x8xf32>
      %reduce_max3A = arith.constant dense<0xFF800000> : vector<64xf32>
      %reduce_max3A_74 = vector.multi_reduction <maximumf>, %add3A_73, %reduce_max3A [1] : vector<64x8xf32> to vector<64xf32>
      %broadcast_in_dim3A_75 = vector.shape_cast %reduce_max3A_74 : vector<64xf32> to vector<64x1xf32>
      %sub3A = vector.broadcast %broadcast_in_dim3A_75 : vector<64x1xf32> to vector<64x8xf32>
      %sub3A_76 = arith.subf %add3A_73, %sub3A : vector<64x8xf32>
      %exp3A = math.exp %sub3A_76 : vector<64x8xf32>
      %reduce_sum3A = arith.constant dense<0.000000e+00> : vector<64xf32>
      %reduce_sum3A_77 = vector.multi_reduction <add>, %exp3A, %reduce_sum3A [1] : vector<64x8xf32> to vector<64xf32>
      %broadcast_in_dim3A_78 = vector.shape_cast %reduce_sum3A_77 : vector<64xf32> to vector<64x1xf32>
      %div3A_79 = vector.broadcast %broadcast_in_dim3A_78 : vector<64x1xf32> to vector<64x8xf32>
      %div3A_80 = arith.divf %exp3A, %div3A_79 : vector<64x8xf32>
      %swap3A_81 = arith.constant 0 : index
      %swap3A_82 = arith.constant 0 : index
      %swap3A_83 = vector.load %arg8[%swap3A_81, %swap3A_82] : memref<64x8xf32, #tpu.memory_space<vmem>>, vector<64x8xf32>
      tpu.vector_store %arg8[%swap3A_81, %swap3A_82], %div3A_80 {strides = array<i32>} : memref<64x8xf32, #tpu.memory_space<vmem>>, vector<64x8xf32>,
    } else {
    }
    return
  }
  func.func @transform_0(%arg0: i32) -> (i32, i32, i32) {
    %c0_i32 = arith.constant 0 : i32
    %c0_i32_0 = arith.constant 0 : i32
    %c0_i32_1 = arith.constant 0 : i32
    return %c0_i32, %arg0, %c0_i32_0 : i32, i32, i32
  }
  func.func @transform_1(%arg0: i32) -> (i32, i32) {
    %c0_i32 = arith.constant 0 : i32
    %c0_i32_0 = arith.constant 0 : i32
    return %arg0, %c0_i32 : i32, i32
  }
  func.func @transform_2(%arg0: i32) -> (i32, i32) {
    %c0_i32 = arith.constant 0 : i32
    %c0_i32_0 = arith.constant 0 : i32
    return %arg0, %c0_i32 : i32, i32
  }
  func.func @transform_3(%arg0: i32) -> (i32, i32) {
    %c0_i32 = arith.constant 0 : i32
    %c0_i32_0 = arith.constant 0 : i32
    %c0_i32_1 = arith.constant 0 : i32
    return %c0_i32, %c0_i32_0 : i32, i32
  }
  func.func @transform_4(%arg0: i32) -> (i32, i32) {
    %c0_i32 = arith.constant 0 : i32
    %c0_i32_0 = arith.constant 0 : i32
    return %arg0, %c0_i32 : i32, i32
  }
  func.func @transform_5(%arg0: i32) -> (i32, i32) {
    %c0_i32 = arith.constant 0 : i32
    %c0_i32_0 = arith.constant 0 : i32
    %c0_i32_1 = arith.constant 0 : i32
    return %c0_i32, %c0_i32_0 : i32, i32
  }
  func.func @transform_6(%arg0: i32) -> (i32, i32) {
    %c0_i32 = arith.constant 0 : i32
    %c0_i32_0 = arith.constant 0 : i32
    %c0_i32_1 = arith.constant 0 : i32
    return %c0_i32, %c0_i32_0 : i32, i32
  }
  func.func @transform_7(%arg0: i32) -> (i32, i32) {
    %c0_i32 = arith.constant 0 : i32
    %c0_i32_0 = arith.constant 0 : i32
    %c0_i32_1 = arith.constant 0 : i32
    return %c0_i32, %c0_i32_0 : i32, i32
  }
}

</mosaic_0001>

<sc_bundles>
// kernel: kernel.10.cloned.1.call-start
scs
__scs_entry_jumppad:
0x0: {  	(pc) =	sbr.rel $0x88, $3  }
0x1: {  	(tag) =	ssettag $0x0;
	lr =	simm.s32 $0x1  }
0x2: {  	[smem:$0x3F95] =	sst lr;
	_ =	strace $0xD0000000  }
0x3: {  	_ = 	snop  }
0x4: {  	_ = 	snop  }
0x5: {  	_ = 	snop  }
0x6: {  	_ = 	snop  }
0x7: {  	_ = 	snop  }
__scs_overlays_trampoline_lowered:
0x8: {  	[smem:$0x3FA4] =	sst s0  }
0x9: {  	[smem:$0x3FA5] =	sst s1  }
0xa: {  	[smem:$0x3FA6] =	sst s2  }
0xb: {  	[smem:$0x3FA7] =	sst s3  }
0xc: {  	[smem:$0x3FA8] =	sst s4  }
0xd: {  	[smem:$0x3FA9] =	sst s5  }
0xe: {  	[smem:$0x3FAA] =	sst s6  }
0xf: {  	[smem:$0x3FAB] =	sst s7  }
0x10: {  	[smem:$0x3FAC] =	sst s8  }
0x11: {  	[smem:$0x3FAD] =	sst s9;
	s0 =	simm.s32 @!p0 $0x0  }
0x12: {  	s1 =	sld [smem:$0x3F93];
	s0 =	simm.s32 @p0 $0x1  }
0x13: {  	[smem:$0x3FAE] =	sst s0;
	s0 =	simm.s32 @!p1 $0x0  }
0x14: {  	s2 =	sld [smem:$0x3F92];
	s0 =	simm.s32 @p1 $0x1  }
0x15: {  	[smem:$0x3FAF] =	sst s0;
	s0 =	simm.s32 @!p2 $0x0  }
0x16: {  	s3 =	sld [smem:$0x3FDB];
	s0 =	simm.s32 @p2 $0x1  }
0x17: {  	s4 =	simm.s32 $0x1BF5;
	[smem:$0x3FB1] =	sst s0  }
0x18: {  	s0 =	sld [smem:$0x3F94];
	_ =	swait.ge [sflag:s4], $0x0  }
0x19: {  	s7 =	sld [smem:$0x3F95]  }
0x1a: {  	s8 =	sadd.s32 $0xFFFFE003, lr  }
0x1b: {  	s9 =	sadd.s32 $0xFFFFFEF7, lr;
	s5 =	simm.s32 $0xFFFFFFFF;
	p2 =	slt.u32 s8, $0xFFFFF086  }
0x1c: {  	p1 =	slt.u32 s9, $0xF7A;
	s5 =	simm.s32 @!p2 $0x0  }
0x1d: {  	s5 =	simm.s32 @p1 $0x1;
	p0 =	seq.s32 s7, s2  }
0x1e: {  	s7 =	smul.u32 @!p0 $0xF7A, s2;
	p2 =	seq.s32 @!p0 s5, $0x0  }
0x1f: {  	s9 =	smul.u32 $0xF7A, s1;
	s8 =	simm.s32 @!p0 $0x1BF5;
	p2 =	por !p2, p0  }
0x20: {  	[sflag:s8] =	ssyncset.s32 @!p0 $0xFFFFF086;
	s6 =	sadd.s32 @!p0 s3, s7;
	s7 =	simm.s32 @!p0 $0x108  }
0x21: {  	s3 =	sadd.s32 s3, s9;
	s6 =	sadd.s32 @!p0 $0x88, s6;
	s7 =	simm.s32 @p2 $0x1082  }
0x22: {  	[simem:s7], [sflag:s8] =	dma.local @!p0 [hbm:s6], $0xF7A  }
0x23: {  	s9 =	sor.u32 $0xD0000000, s2;
	s6 =	simm.s32 $0x108;
	_ =	swait.ge @!p0 [sflag:s8], $0x0  }
0x24: {  	s3 =	sadd.s32 $0x88, s3;
	s6 =	simm.s32 @!p1 $0x1082;
	[sflag:s4] =	ssyncset.s32 $0xFFFFF086  }
0x25: {  	[simem:s6], [sflag:s4] =	dma.local [hbm:s3], $0xF7A  }
0x26: {  	[smem:$0x3F95] =	sst s1;
	(tag) =	ssettag s2;
	_ =	strace s9  }
0x27: {  	s1 =	sld [smem:$0x3FA5]  }
0x28: {  	s2 =	sld [smem:$0x3FA6]  }
0x29: {  	s4 =	sld [smem:$0x3FA8]  }
0x2a: {  	p0 =	seq.s32 s5, $0x0;
	s5 =	sld [smem:$0x3FA9]  }
0x2b: {  	s6 =	sld [smem:$0x3FAA]  }
0x2c: {  	s7 =	sld [smem:$0x3FAB]  }
0x2d: {  	s3 =	simm.s32 $0x108;
	s8 =	sld [smem:$0x3FAC]  }
0x2e: {  	s3 =	simm.s32 @!p0 $0x1082;
	s9 =	sld [smem:$0x3FAD]  }
0x2f: {  	lr =	sadd.s32 s0, s3;
	s0 =	sld [smem:$0x3FA4]  }
0x30: {  	s3 =	sld [smem:$0x3FA7]  }
0x31: {  	[smem:$0x3FB0] =	sst s10  }
0x32: {  	s10 =	sld [smem:$0x3FAE];
	_ =	sdelay $0x3  }
0x33: {  	p0 =	seq.s32 s10, $0x1;
	s10 =	sld [smem:$0x3FB0];
	_ =	sdelay $0x3  }
0x34: {  	[smem:$0x3FB0] =	sst s10  }
0x35: {  	s10 =	sld [smem:$0x3FAF];
	_ =	sdelay $0x3  }
0x36: {  	p1 =	seq.s32 s10, $0x1;
	s10 =	sld [smem:$0x3FB0];
	_ =	sdelay $0x3  }
0x37: {  	[smem:$0x3FB0] =	sst s10  }
0x38: {  	s10 =	sld [smem:$0x3FB1]  }
0x39: {  	_ = 	snop;
	(pc) =	sbr.ind lr, $3  }
0x3a: {  	_ = 	snop  }
0x3b: {  	_ = 	snop  }
0x3c: {  	p2 =	seq.s32 s10, $0x1;
	s10 =	sld [smem:$0x3FB0]  }
0x3d: {  	_ =	shalt  }
0x3e: {  	_ =	shalt  }
0x3f: {  	_ =	shalt  }
0x40: {  	_ =	shalt  }
0x41: {  	_ =	shalt  }
0x42: {  	_ =	shalt  }
0x43: {  	_ =	shalt  }
0x44: {  	_ =	shalt  }
0x45: {  	_ =	shalt  }
0x46: {  	_ =	shalt  }
0x47: {  	_ =	shalt  }
0x48: {  	_ =	shalt  }
0x49: {  	_ =	shalt  }
0x4a: {  	_ =	shalt  }
0x4b: {  	_ =	shalt  }
0x4c: {  	_ =	shalt  }
0x4d: {  	_ =	shalt  }
0x4e: {  	_ =	shalt  }
0x4f: {  	_ =	shalt  }
0x50: {  	_ =	shalt  }
0x51: {  	_ =	shalt  }
0x52: {  	_ =	shalt  }
0x53: {  	_ =	shalt  }
0x54: {  	_ =	shalt  }
0x55: {  	_ =	shalt  }
0x56: {  	_ =	shalt  }
0x57: {  	_ =	shalt  }
0x58: {  	_ =	shalt  }
0x59: {  	_ =	shalt  }
0x5a: {  	_ =	shalt  }
0x5b: {  	_ =	shalt  }
0x5c: {  	_ =	shalt  }
0x5d: {  	_ =	shalt  }
0x5e: {  	_ =	shalt  }
0x5f: {  	_ =	shalt  }
0x60: {  	_ =	shalt  }
0x61: {  	_ =	shalt  }
0x62: {  	_ =	shalt  }
0x63: {  	_ =	shalt  }
0x64: {  	_ =	shalt  }
0x65: {  	_ =	shalt  }
0x66: {  	_ =	shalt  }
0x67: {  	_ =	shalt  }
0x68: {  	_ =	shalt  }
0x69: {  	_ =	shalt  }
0x6a: {  	_ =	shalt  }
0x6b: {  	_ =	shalt  }
0x6c: {  	_ =	shalt  }
0x6d: {  	_ =	shalt  }
0x6e: {  	_ =	shalt  }
0x6f: {  	_ =	shalt  }
0x70: {  	_ =	shalt  }
0x71: {  	_ =	shalt  }
0x72: {  	_ =	shalt  }
0x73: {  	_ =	shalt  }
0x74: {  	_ =	shalt  }
0x75: {  	_ =	shalt  }
0x76: {  	_ =	shalt  }
0x77: {  	_ =	shalt  }
0x78: {  	_ =	shalt  }
0x79: {  	_ =	shalt  }
0x7a: {  	_ =	shalt  }
0x7b: {  	_ =	shalt  }
0x7c: {  	_ =	shalt  }
0x7d: {  	_ =	shalt  }
0x7e: {  	_ =	shalt  }
0x7f: {  	_ =	shalt  }
0x80: {  	_ =	shalt  }
0x81: {  	_ =	shalt  }
0x82: {  	_ =	shalt  }
0x83: {  	_ =	shalt  }
0x84: {  	_ =	shalt  }
0x85: {  	_ =	shalt  }
0x86: {  	_ =	shalt  }
0x87: {  	_ =	shalt  }
.Lfunc_end0:
.L_simem_size_0:
called_computation_lowered:
.L_overlay_start_0:
0x88: {  	s2 =	sld [smem:$0x3FD9]  }
0x89: {  	s3 =	sld [smem:$0x3FFE];
	_ =	sdelay $0x1  }
0x8a: {  	s1 =	srdreg.scid  }
0x8b: {  	s0 =	sand.u32 $0x1, s1  }
0x8c: {  	s16 =	sshll.u32 s0, $0xA;
	s2 =	sadd.s32 s3, s2  }
0x8d: {  	s2 =	sadd.s32 s2, s16  }
0x8e: {  	[smem:$0x3FBC] =	sst s2  }
0x8f: {  	_ = 	snop  }
0x90: {  	(tm) =	ssettm $0x1  }
0x91: {  	s17 =	sld [smem:$0x3FFB];
	_ =	sdelay $0x3  }
0x92: {  	_ =	strace s17  }
0x93: {  	s2 =	sld [smem:$0x3FFC];
	_ =	sdelay $0x3  }
0x94: {  	_ =	strace s2  }
0x95: {  	s2 =	sld [smem:$0x3FFD];
	_ =	sdelay $0x3  }
0x96: {  	_ =	strace s2  }
0x97: {  	_ =	strace $0x8FFFFFFF  }
0x98: {  	s18 =	sld [smem:$0x3FDB];
	_ =	sdelay $0x1  }
0x99: {  	s19 =	simm.s32 $_scs_section_size  }
0x9a: {  	s4 =	simm.s32 $_size__tile_overlayer_lowered;
	s5 =	simm.s32 $_tile_overlayer_lowered  }
0x9b: {  	s22 =	simm.s32 $0x1BFF;
	s21 =	sshll.u32 s5, $0x1;
	s2 =	sadd.s32 s19, s18  }
0x9c: {  	s6 =	simm.s32 $0x0;
	s20 =	sshll.u32 s4, $0x1;
	s4 =	sadd.s32 s21, s2  }
0x9d: {  	[timem:s6], [sflag:s22] =	dma.local [hbm:s4], s20  }
0x9e: {  	_ =	swait.ge [sflag:s22], s20  }
0x9f: {  	s3 =	ssub.s32 $0x0, s20;
	[sflag:s22] =	ssyncset.done $0x0  }
0xa0: {  	[sflag:s22] =	ssyncadd.s32 s3;
	_ =	sdelay $0x1  }
0xa1: {  	s23 =	simm.s32 $0x1B8B  }
0xa2: {  	_ =	swait.ge [sflag:s23], $0x1  }
0xa3: {  	[sflag:s23] =	ssyncset.done $0x0  }
0xa4: {  	s25 =	simm.s32 $0x1B8E;
	s24 =	sld [smem:$0x3FFE];
	[sflag:s23] =	ssyncadd.s32 $0xFFFFFFFF  }
0xa5: {  	s26 =	simm.s32 $execute0_lowered;
	[smem:$0x3FD2] =	sst s25  }
0xa6: {  	s4 =	sshll.u32 s26, $0x1;
	_ =	strace $0x80000046;
	[dreg:$0x1] =	wrdreg $0xFFFFFFFF  }
0xa7: {  	s28 =	simm.s32 $_size_execute0_lowered;
	s2 =	sadd.s32 s2, s4;
	[dreg:$0x0] =	wrdreg $0x0  }
0xa8: {  	s4 =	sshll.u32 s28, $0x1;
	[dreg:$0x2] =	wrdreg s2  }
0xa9: {  	[dreg:$0x3] =	wrdreg s4  }
0xaa: {  	[dreg:$0x4] =	wrdreg $0xC0  }
0xab: {  	_ =	task [dreg:s6], $0x5FFFF  }
0xac: {  	[dreg:$0x1] =	wrdreg $0xFFFFFFFF  }
0xad: {  	[dreg:$0x0] =	wrdreg $0x60  }
0xae: {  	[dreg:$0x2] =	wrdreg s24  }
0xaf: {  	[dreg:$0x3] =	wrdreg $0x9  }
0xb0: {  	_ =	task.clear_ibuf [dreg:s6], $0x4FFFF;
	_ =	strace $0x90000046  }
0xb1: {  	s29 =	simm.s32 $0x9;
	_ =	strace $0x80000048  }
0xb2: {  	_ =	swait.ge [sflag:s29], $0x1  }
0xb3: {  	[sflag:s29] =	ssyncadd.s32 $0xFFFFFFFF  }
0xb4: {  	_ =	strace $0x90000048  }
0xb5: {  	_ =	sfence  }
0xb6: {  	s30 =	sld [smem:$0x0];
	_ =	sdelay $0x2  }
0xb7: {  	s31 =	sshll.u32 s1, $0xD;
	s1 =	sshrl.u32 s1, $0x2  }
0xb8: {  	s3 =	sand.u32 $0x4000, s31;
	s1 =	sadd.s32 s1, s30  }
0xb9: {  	s0 =	sor.u32 s3, s0;
	s1 =	sshll.u32 s1, $0x11  }
0xba: {  	s0 =	sor.u32 s1, s0  }
0xbb: {  	s0 =	sadd.s32 $0x8F2B, s0  }
0xbc: {  	[sflag:s0] =	ssyncadd.remote.s32 $0x1  }
0xbd: {  	_ =	sfence.sel $0xFFFF  }
0xbe: {  	[dreg:$0x0] =	wrdreg $0xFFFFFFFF;
	(pc) =	sbr.abs _section_cstart, $3  }
0xbf: {  	[dreg:$0x1] =	wrdreg $0xFFFFFFFF  }
0xc0: {  	_ =	task.clear_ibuf [dreg:s6], $0x2FFFF;
	_ =	strace $0x9FFFFFFF  }
0xc1: {  	(tm) =	ssettm $0x7FFFFFFF  }
tec
execute0_lowered:
.L_overlay_start_1:
0x0: {  	(tag) =	ssettag $0x1  }
0x1: {  	s0 =	srdreg.scid  }
0x2: {  	s3 =	sand.u32 $0x1, s0  }
0x3: {  	s4 =	rddreg [dreg:$0x0];
	s0 =	stileid.u32;
	s1 =	sshll.u32 s3, $0x4  }
0x4: {  	s2 =	simm.s32 $0x0;
	s8 =	simm.s32 $0x0;
	s5 =	sor.u32 s0, s1  }
0x5: {  	[smem:$0x7FF] =	sst s2;
	s3 =	ssub.s32 $0x2, s3;
	s6 =	smul.u32 $0x4E2, s5  }
0x6: {  	s1 =	rddreg [dreg:$0x1];
	s7 =	sshrl.u32 s3, $0x1;
	s5 =	smul.u32 $0x500, s5  }
0x7: {  	_ =	strace $0x80000047;
	s31 =	ssub.s32 s3, s7;
	s7 =	simm.s32 $0x1  }
0x8: {  	s6 =	sadd.s32 s6, s4;
	s4 =	sadd.s32 s5, s4;
	s5 =	smax.u32 s31, $0x1  }
0x9: {  	v0 =	vimm.f32 $0.0e+00;
	v1 =	vimm.f32 $1.000000000e+00;
	s3 =	sadd.s32 $0xCA00, s6;
	s4 =	sadd.s32 $0x16800, s4;
	s6 =	simm.s32 $0x2800  }
.LBB2_1:
0xa: {  	[tilespmem:s6], [sflag:$0x1] =	stream.linear.gather [hbm4b:s3+s2], $0x2710, $0x38;
	[tilespmem:$0x4F80] =	vst v63  }
0xb: {  	_ =	swait.ge [sflag:s7], $0x2710  }
0xc: {  	[sflag:s7] =	ssyncset.done $0x0  }
0xd: {  	s9 =	simm.s32 $0x0;
	[sflag:s7] =	ssyncadd.s32 $0xFFFFD8F0  }
.LBB2_2:
0xe: {  	p0 =	sne.s32 s9, $0x9FC0  }
.Ltmp0:
0xf: {  	_ = 	snop;
	(pc) =	sbr.rel @p0 .LBB2_2-.Ltmp0, $3  }
0x10: {  	_ =	sdelay $0x1  }
0x11: {  	s10 =	sshra.s32 s9, $0x2  }
0x12: {  	s9 =	sadd.s32 $0x40, s9;
	[tilespmem:s10+$0x0] =	vst v0  }
0x13: {  	s10 =	simm.s32 $0x0;
	s9 =	simm.s32 $0x40  }
.LBB2_4:
0x14: {  	p0 =	sne.s32 s9, $0x9C00;
	v2 =	vld [tilespmem:s10+$0x2800];
	_ =	sdelay $0x3  }
.Ltmp1:
0x15: {  	(pc) =	sbr.rel @p0 .LBB2_4-.Ltmp1, $2  }
0x16: {  	_ =	sdelay $0x2  }
0x17: {  	s10 =	sshra.s32 s9, $0x2;
	s9 =	sadd.s32 $0x40, s9;
	[tilespmem:v2+s2+$0x0] =	vst.idx.add.f32.msk $0xffff, v1  }
0x18: {  	v2 =	vld [tilespmem:s10+$0x2800];
	_ =	sdelay $0x5  }
0x19: {  	s8 =	sadd.s32 $0x1, s8  }
0x1a: {  	p0 =	sne.s32 s8, s5  }
.Ltmp2:
0x1b: {  	[tilespmem:v2+s2+$0x0] =	vst.idx.add.f32.msk $0xffff, v1;
	(pc) =	sbr.rel @p0 .LBB2_1-.Ltmp2, $4  }
0x1c: {  	[hbm4b:s4+s2] =	stream.linear.scatter [tilespmem:s2], [sflag:$0x1], $0x2800, $0x38;
	[tilespmem:$0x4F80] =	vst v63  }
0x1d: {  	_ =	swait.ge [sflag:s7], $0x2800  }
0x1e: {  	[sflag:s7] =	ssyncset.done $0x0  }
0x1f: {  	[sflag:s7] =	ssyncadd.s32 $0xFFFFD800  }
0x20: {  	_ =	sfence.sel $0x180000  }
0x21: {  	[bflag:$0x0] =	sbarrier.arrive $0xFFFF  }
0x22: {  	p0 =	sne.s32 s0, $0x0;
	_ =	strace $0x90000047  }
0x23: {  	s0 =	sadd.s32 @!p0 $0x100000, s1;
	[bflag:$0x2] =	sbarrier.arrive $0xFFFF  }
0x24: {  	[sflag:s0] =	ssyncadd.tile.s32 @!p0 $0x1;
	_ =	shalt  }
.Lfunc_end2:
_tile_overlayer_lowered:
.L_overlay_start_2:
0x25: {  	(tag) =	ssettag $0x2  }
0x26: {  	s0 =	rddreg [dreg:$0x0];
	s2 =	stileid.u32  }
0x27: {  	s1 =	rddreg [dreg:$0x1];
	p0 =	sne.s32 s2, $0x0  }
0x28: {  	s3 =	rddreg [dreg:$0x2];
	[bflag:$0x3] =	sbarrier.arrive $0xFFFF;
	s2 =	simm.s32 @!p0 $0x1C01  }
0x29: {  	[timem:s3], [sflag:s2] =	dma.local @!p0 [hbm:s0], s1  }
0x2a: {  	s0 =	simm.s32 @!p0 $0x1  }
0x2b: {  	_ =	swait.ge @!p0 [sflag:s0], s1  }
0x2c: {  	s1 =	ssub.s32 @!p0 $0x0, s1;
	[sflag:s0] =	ssyncset.done @!p0 $0x0  }
0x2d: {  	[sflag:s0] =	ssyncadd.s32 @!p0 s1  }
0x2e: {  	[bflag:$0x3] =	sbarrier.arrive $0xFFFF  }
0x2f: {  	_ =	shalt  }

// kernel: kernel.13.cloned.1.call-start
scs
__scs_entry_jumppad:
0x0: {  	(pc) =	sbr.rel $0x88, $3  }
0x1: {  	(tag) =	ssettag $0x0;
	lr =	simm.s32 $0x1  }
0x2: {  	[smem:$0x3F95] =	sst lr;
	_ =	strace $0xD0000000  }
0x3: {  	_ = 	snop  }
0x4: {  	_ = 	snop  }
0x5: {  	_ = 	snop  }
0x6: {  	_ = 	snop  }
0x7: {  	_ = 	snop  }
__scs_overlays_trampoline_lowered:
0x8: {  	[smem:$0x3FA4] =	sst s0  }
0x9: {  	[smem:$0x3FA5] =	sst s1  }
0xa: {  	[smem:$0x3FA6] =	sst s2  }
0xb: {  	[smem:$0x3FA7] =	sst s3  }
0xc: {  	[smem:$0x3FA8] =	sst s4  }
0xd: {  	[smem:$0x3FA9] =	sst s5  }
0xe: {  	[smem:$0x3FAA] =	sst s6  }
0xf: {  	[smem:$0x3FAB] =	sst s7  }
0x10: {  	[smem:$0x3FAC] =	sst s8  }
0x11: {  	[smem:$0x3FAD] =	sst s9;
	s0 =	simm.s32 @!p0 $0x0  }
0x12: {  	s1 =	sld [smem:$0x3F93];
	s0 =	simm.s32 @p0 $0x1  }
0x13: {  	[smem:$0x3FAE] =	sst s0;
	s0 =	simm.s32 @!p1 $0x0  }
0x14: {  	s2 =	sld [smem:$0x3F92];
	s0 =	simm.s32 @p1 $0x1  }
0x15: {  	[smem:$0x3FAF] =	sst s0;
	s0 =	simm.s32 @!p2 $0x0  }
0x16: {  	s3 =	sld [smem:$0x3FDB];
	s0 =	simm.s32 @p2 $0x1  }
0x17: {  	s4 =	simm.s32 $0x1BF5;
	[smem:$0x3FB1] =	sst s0  }
0x18: {  	s0 =	sld [smem:$0x3F94];
	_ =	swait.ge [sflag:s4], $0x0  }
0x19: {  	s7 =	sld [smem:$0x3F95]  }
0x1a: {  	s8 =	sadd.s32 $0xFFFFE003, lr  }
0x1b: {  	s9 =	sadd.s32 $0xFFFFFEF7, lr;
	s5 =	simm.s32 $0xFFFFFFFF;
	p2 =	slt.u32 s8, $0xFFFFF086  }
0x1c: {  	p1 =	slt.u32 s9, $0xF7A;
	s5 =	simm.s32 @!p2 $0x0  }
0x1d: {  	s5 =	simm.s32 @p1 $0x1;
	p0 =	seq.s32 s7, s2  }
0x1e: {  	s7 =	smul.u32 @!p0 $0xF7A, s2;
	p2 =	seq.s32 @!p0 s5, $0x0  }
0x1f: {  	s9 =	smul.u32 $0xF7A, s1;
	s8 =	simm.s32 @!p0 $0x1BF5;
	p2 =	por !p2, p0  }
0x20: {  	[sflag:s8] =	ssyncset.s32 @!p0 $0xFFFFF086;
	s6 =	sadd.s32 @!p0 s3, s7;
	s7 =	simm.s32 @!p0 $0x108  }
0x21: {  	s3 =	sadd.s32 s3, s9;
	s6 =	sadd.s32 @!p0 $0x88, s6;
	s7 =	simm.s32 @p2 $0x1082  }
0x22: {  	[simem:s7], [sflag:s8] =	dma.local @!p0 [hbm:s6], $0xF7A  }
0x23: {  	s9 =	sor.u32 $0xD0000000, s2;
	s6 =	simm.s32 $0x108;
	_ =	swait.ge @!p0 [sflag:s8], $0x0  }
0x24: {  	s3 =	sadd.s32 $0x88, s3;
	s6 =	simm.s32 @!p1 $0x1082;
	[sflag:s4] =	ssyncset.s32 $0xFFFFF086  }
0x25: {  	[simem:s6], [sflag:s4] =	dma.local [hbm:s3], $0xF7A  }
0x26: {  	[smem:$0x3F95] =	sst s1;
	(tag) =	ssettag s2;
	_ =	strace s9  }
0x27: {  	s1 =	sld [smem:$0x3FA5]  }
0x28: {  	s2 =	sld [smem:$0x3FA6]  }
0x29: {  	s4 =	sld [smem:$0x3FA8]  }
0x2a: {  	p0 =	seq.s32 s5, $0x0;
	s5 =	sld [smem:$0x3FA9]  }
0x2b: {  	s6 =	sld [smem:$0x3FAA]  }
0x2c: {  	s7 =	sld [smem:$0x3FAB]  }
0x2d: {  	s3 =	simm.s32 $0x108;
	s8 =	sld [smem:$0x3FAC]  }
0x2e: {  	s3 =	simm.s32 @!p0 $0x1082;
	s9 =	sld [smem:$0x3FAD]  }
0x2f: {  	lr =	sadd.s32 s0, s3;
	s0 =	sld [smem:$0x3FA4]  }
0x30: {  	s3 =	sld [smem:$0x3FA7]  }
0x31: {  	[smem:$0x3FB0] =	sst s10  }
0x32: {  	s10 =	sld [smem:$0x3FAE];
	_ =	sdelay $0x3  }
0x33: {  	p0 =	seq.s32 s10, $0x1;
	s10 =	sld [smem:$0x3FB0];
	_ =	sdelay $0x3  }
0x34: {  	[smem:$0x3FB0] =	sst s10  }
0x35: {  	s10 =	sld [smem:$0x3FAF];
	_ =	sdelay $0x3  }
0x36: {  	p1 =	seq.s32 s10, $0x1;
	s10 =	sld [smem:$0x3FB0];
	_ =	sdelay $0x3  }
0x37: {  	[smem:$0x3FB0] =	sst s10  }
0x38: {  	s10 =	sld [smem:$0x3FB1]  }
0x39: {  	_ = 	snop;
	(pc) =	sbr.ind lr, $3  }
0x3a: {  	_ = 	snop  }
0x3b: {  	_ = 	snop  }
0x3c: {  	p2 =	seq.s32 s10, $0x1;
	s10 =	sld [smem:$0x3FB0]  }
0x3d: {  	_ =	shalt  }
0x3e: {  	_ =	shalt  }
0x3f: {  	_ =	shalt  }
0x40: {  	_ =	shalt  }
0x41: {  	_ =	shalt  }
0x42: {  	_ =	shalt  }
0x43: {  	_ =	shalt  }
0x44: {  	_ =	shalt  }
0x45: {  	_ =	shalt  }
0x46: {  	_ =	shalt  }
0x47: {  	_ =	shalt  }
0x48: {  	_ =	shalt  }
0x49: {  	_ =	shalt  }
0x4a: {  	_ =	shalt  }
0x4b: {  	_ =	shalt  }
0x4c: {  	_ =	shalt  }
0x4d: {  	_ =	shalt  }
0x4e: {  	_ =	shalt  }
0x4f: {  	_ =	shalt  }
0x50: {  	_ =	shalt  }
0x51: {  	_ =	shalt  }
0x52: {  	_ =	shalt  }
0x53: {  	_ =	shalt  }
0x54: {  	_ =	shalt  }
0x55: {  	_ =	shalt  }
0x56: {  	_ =	shalt  }
0x57: {  	_ =	shalt  }
0x58: {  	_ =	shalt  }
0x59: {  	_ =	shalt  }
0x5a: {  	_ =	shalt  }
0x5b: {  	_ =	shalt  }
0x5c: {  	_ =	shalt  }
0x5d: {  	_ =	shalt  }
0x5e: {  	_ =	shalt  }
0x5f: {  	_ =	shalt  }
0x60: {  	_ =	shalt  }
0x61: {  	_ =	shalt  }
0x62: {  	_ =	shalt  }
0x63: {  	_ =	shalt  }
0x64: {  	_ =	shalt  }
0x65: {  	_ =	shalt  }
0x66: {  	_ =	shalt  }
0x67: {  	_ =	shalt  }
0x68: {  	_ =	shalt  }
0x69: {  	_ =	shalt  }
0x6a: {  	_ =	shalt  }
0x6b: {  	_ =	shalt  }
0x6c: {  	_ =	shalt  }
0x6d: {  	_ =	shalt  }
0x6e: {  	_ =	shalt  }
0x6f: {  	_ =	shalt  }
0x70: {  	_ =	shalt  }
0x71: {  	_ =	shalt  }
0x72: {  	_ =	shalt  }
0x73: {  	_ =	shalt  }
0x74: {  	_ =	shalt  }
0x75: {  	_ =	shalt  }
0x76: {  	_ =	shalt  }
0x77: {  	_ =	shalt  }
0x78: {  	_ =	shalt  }
0x79: {  	_ =	shalt  }
0x7a: {  	_ =	shalt  }
0x7b: {  	_ =	shalt  }
0x7c: {  	_ =	shalt  }
0x7d: {  	_ =	shalt  }
0x7e: {  	_ =	shalt  }
0x7f: {  	_ =	shalt  }
0x80: {  	_ =	shalt  }
0x81: {  	_ =	shalt  }
0x82: {  	_ =	shalt  }
0x83: {  	_ =	shalt  }
0x84: {  	_ =	shalt  }
0x85: {  	_ =	shalt  }
0x86: {  	_ =	shalt  }
0x87: {  	_ =	shalt  }
.Lfunc_end0:
.L_simem_size_0:
called_computation.1_lowered:
.L_overlay_start_0:
0x88: {  	s2 =	sld [smem:$0x3FD9]  }
0x89: {  	s3 =	sld [smem:$0x3FFE];
	_ =	sdelay $0x1  }
0x8a: {  	s1 =	srdreg.scid  }
0x8b: {  	s0 =	sand.u32 $0x1, s1  }
0x8c: {  	s16 =	sshll.u32 s0, $0xA;
	s2 =	sadd.s32 s3, s2  }
0x8d: {  	s2 =	sadd.s32 s2, s16  }
0x8e: {  	[smem:$0x3FBC] =	sst s2  }
0x8f: {  	_ = 	snop  }
0x90: {  	(tm) =	ssettm $0x1  }
0x91: {  	s17 =	sld [smem:$0x3FFB];
	_ =	sdelay $0x3  }
0x92: {  	_ =	strace s17  }
0x93: {  	s2 =	sld [smem:$0x3FFC];
	_ =	sdelay $0x3  }
0x94: {  	_ =	strace s2  }
0x95: {  	s2 =	sld [smem:$0x3FFD];
	_ =	sdelay $0x3  }
0x96: {  	_ =	strace s2  }
0x97: {  	_ =	strace $0x8FFFFFFF  }
0x98: {  	s18 =	sld [smem:$0x3FDB];
	_ =	sdelay $0x1  }
0x99: {  	s19 =	simm.s32 $_scs_section_size  }
0x9a: {  	s4 =	simm.s32 $_size__tile_overlayer_lowered;
	s5 =	simm.s32 $_tile_overlayer_lowered  }
0x9b: {  	s22 =	simm.s32 $0x1BFF;
	s21 =	sshll.u32 s5, $0x1;
	s2 =	sadd.s32 s19, s18  }
0x9c: {  	s6 =	simm.s32 $0x0;
	s20 =	sshll.u32 s4, $0x1;
	s4 =	sadd.s32 s21, s2  }
0x9d: {  	[timem:s6], [sflag:s22] =	dma.local [hbm:s4], s20  }
0x9e: {  	_ =	swait.ge [sflag:s22], s20  }
0x9f: {  	s3 =	ssub.s32 $0x0, s20;
	[sflag:s22] =	ssyncset.done $0x0  }
0xa0: {  	[sflag:s22] =	ssyncadd.s32 s3;
	_ =	sdelay $0x1  }
0xa1: {  	s23 =	simm.s32 $0x1B8B  }
0xa2: {  	_ =	swait.ge [sflag:s23], $0x1  }
0xa3: {  	[sflag:s23] =	ssyncset.done $0x0  }
0xa4: {  	s25 =	simm.s32 $0x1B8E;
	s24 =	sld [smem:$0x3FFE];
	[sflag:s23] =	ssyncadd.s32 $0xFFFFFFFF  }
0xa5: {  	s26 =	simm.s32 $execute0_lowered;
	[smem:$0x3FD2] =	sst s25  }
0xa6: {  	s4 =	sshll.u32 s26, $0x1;
	_ =	strace $0x80000049;
	[dreg:$0x1] =	wrdreg $0xFFFFFFFF  }
0xa7: {  	s28 =	simm.s32 $_size_execute0_lowered;
	s2 =	sadd.s32 s2, s4;
	[dreg:$0x0] =	wrdreg $0x0  }
0xa8: {  	s4 =	sshll.u32 s28, $0x1;
	[dreg:$0x2] =	wrdreg s2  }
0xa9: {  	[dreg:$0x3] =	wrdreg s4  }
0xaa: {  	[dreg:$0x4] =	wrdreg $0xC0  }
0xab: {  	_ =	task [dreg:s6], $0x5FFFF  }
0xac: {  	[dreg:$0x1] =	wrdreg $0xFFFFFFFF  }
0xad: {  	[dreg:$0x0] =	wrdreg $0x60  }
0xae: {  	[dreg:$0x2] =	wrdreg s24  }
0xaf: {  	[dreg:$0x3] =	wrdreg $0x0  }
0xb0: {  	[dreg:$0x4] =	wrdreg $0x9  }
0xb1: {  	_ =	task.clear_ibuf [dreg:s6], $0x5FFFF;
	_ =	strace $0x90000049  }
0xb2: {  	s29 =	simm.s32 $0x9;
	_ =	strace $0x8000004B  }
0xb3: {  	_ =	swait.ge [sflag:s29], $0x1  }
0xb4: {  	[sflag:s29] =	ssyncadd.s32 $0xFFFFFFFF  }
0xb5: {  	_ =	strace $0x9000004B  }
0xb6: {  	_ =	sfence  }
0xb7: {  	s30 =	sld [smem:$0x0];
	_ =	sdelay $0x2  }
0xb8: {  	s31 =	sshll.u32 s1, $0xD;
	s1 =	sshrl.u32 s1, $0x2  }
0xb9: {  	s3 =	sand.u32 $0x4000, s31;
	s1 =	sadd.s32 s1, s30  }
0xba: {  	s0 =	sor.u32 s3, s0;
	s1 =	sshll.u32 s1, $0x11  }
0xbb: {  	s0 =	sor.u32 s1, s0  }
0xbc: {  	s0 =	sadd.s32 $0x8F2B, s0  }
0xbd: {  	[sflag:s0] =	ssyncadd.remote.s32 $0x1  }
0xbe: {  	_ =	sfence.sel $0xFFFF  }
0xbf: {  	[dreg:$0x0] =	wrdreg $0xFFFFFFFF;
	(pc) =	sbr.abs _section_cstart, $3  }
0xc0: {  	[dreg:$0x1] =	wrdreg $0xFFFFFFFF  }
0xc1: {  	_ =	task.clear_ibuf [dreg:s6], $0x2FFFF;
	_ =	strace $0x9FFFFFFF  }
0xc2: {  	(tm) =	ssettm $0x7FFFFFFF  }
0xc3: {  	_ =	shalt  }
tec
execute0_lowered:
.L_overlay_start_1:
0x0: {  	(tag) =	ssettag $0x1  }
0x1: {  	s0 =	srdreg.scid  }
0x2: {  	s12 =	stileid.u32;
	s5 =	rddreg [dreg:$0x0]  }
0x3: {  	s2 =	rddreg [dreg:$0x1];
	s3 =	simm.s32 $0x0;
	s28 =	simm.s32 $0x50  }
0x4: {  	s29 =	simm.s32 $0x16900;
	s30 =	simm.s32 $0x16800;
	s7 =	smul.u32 $0x14000, s12  }
0x5: {  	s31 =	simm.s32 $0x1;
	s0 =	sand.u32 $0x1, s0;
	s11 =	smul.u32 $0x50000, s12  }
0x6: {  	[smem:$0x7FF] =	sst s3;
	s4 =	sadd.s32 $0x16800, s5;
	s21 =	smul.u32 $0x2710, s12  }
0x7: {  	s10 =	sadd.s32 $0xCA00, s5;
	s1 =	sshll.u32 s0, $0x4;
	s6 =	smul.u32 $0x140000, s0  }
0x8: {  	_ =	strace $0x8000004A;
	s26 =	ssub.s32 $0x2, s0;
	s0 =	smul.u32 $0x27100, s0  }
0x9: {  	s1 =	sor.u32 s12, s1;
	s9 =	sshrl.u32 s26, $0x1;
	s15 =	sshrl.u32 s11, $0x2  }
0xa: {  	s11 =	simm.s32 $0x5;
	s6 =	sadd.s32 s7, s6;
	s7 =	ssub.s32 s26, s9  }
0xb: {  	s12 =	simm.s32 $0x6;
	s9 =	sadd.s32 s15, s2;
	s16 =	smax.u32 s7, $0x1  }
0xc: {  	s1 =	smul.u32 $0x2710, s1;
	s17 =	sadd.s32 $0x2800, s9;
	[dreg:$0x6] =	wrdreg s16  }
0xd: {  	s0 =	sadd.s32 s21, s0;
	s18 =	sadd.s32 $0x5000, s9;
	[dreg:$0x7] =	wrdreg s17  }
0xe: {  	s6 =	sshrl.u32 s6, $0x3;
	s19 =	sadd.s32 $0x7800, s9;
	[dreg:$0x8] =	wrdreg s18  }
0xf: {  	s20 =	sadd.s32 $0xA000, s9;
	s22 =	sadd.s32 $0xC800, s9;
	[dreg:$0x9] =	wrdreg s19  }
0x10: {  	s23 =	sadd.s32 $0xF000, s9;
	s24 =	sadd.s32 $0x11800, s9;
	[dreg:$0xa] =	wrdreg s20  }
0x11: {  	s26 =	sadd.s32 $0x1E0, s0;
	s7 =	simm.s32 $0x2;
	[dreg:$0xb] =	wrdreg s22  }
0x12: {  	s1 =	sshrl.u32 s1, $0x3;
	s6 =	sadd.s32 s6, s5;
	[dreg:$0xc] =	wrdreg s23  }
0x13: {  	[dreg:$0xd] =	wrdreg s24;
	s24 =	simm.s32 $0x14000;
	s8 =	sadd.s32 s1, s5  }
0x14: {  	s5 =	sadd.s32 s10, s1;
	s6 =	sadd.s32 $0x3DA00, s6;
	s1 =	sadd.s32 $0x230, s0  }
0x15: {  	s0 =	sadd.s32 $0x190, s0;
	s13 =	sadd.s32 $0x2C00, s8;
	s14 =	sadd.s32 $0xA, s5  }
0x16: {  	[dreg:$0x5] =	wrdreg s6;
	s25 =	sadd.s32 $0x14, s5;
	s19 =	sadd.s32 $0x1E, s5  }
0x17: {  	s20 =	sadd.s32 $0x28, s5;
	s1 =	sshrl.u32 s1, $0x3;
	[dreg:$0x3] =	wrdreg s13  }
0x18: {  	s6 =	sshrl.u32 s26, $0x3;
	s0 =	sshrl.u32 s0, $0x3;
	[dreg:$0x4] =	wrdreg s14  }
0x19: {  	s26 =	simm.s32 $0x16780;
	s8 =	simm.s32 $0x4;
	[dreg:$0xe] =	wrdreg s25  }
0x1a: {  	s21 =	sadd.s32 s1, s10;
	s22 =	sadd.s32 s6, s10;
	s23 =	sadd.s32 s0, s10  }
0x1b: {  	s25 =	simm.s32 $0x7;
	s1 =	simm.s32 $0x19100;
	s0 =	simm.s32 $0x1B900  }
0x1c: {  	v0 =	vimm.f32 $0.0e+00;
	s6 =	simm.s32 $0x16880;
	s10 =	simm.s32 $0x3;
	s13 =	simm.s32 $0x0  }
.LBB2_1:
0x1d: {  	s14 =	simm.s32 $0x0;
	s15 =	simm.s32 $0x200  }
.LBB2_2:
0x1e: {  	p0 =	sne.s32 s15, $0x9E00;
	[tilespmem:s14+$0x1B970] =	vst v0  }
0x1f: {  	[tilespmem:s14+$0x1B900] =	vst v0  }
0x20: {  	[tilespmem:s14+$0x1B910] =	vst v0  }
.Ltmp0:
0x21: {  	[tilespmem:s14+$0x1B920] =	vst v0;
	(pc) =	sbr.rel @p0 .LBB2_2-.Ltmp0, $4  }
0x22: {  	[tilespmem:s14+$0x1B930] =	vst v0  }
0x23: {  	[tilespmem:s14+$0x1B940] =	vst v0  }
0x24: {  	[tilespmem:s14+$0x1B950] =	vst v0  }
0x25: {  	[tilespmem:s14+$0x1B960] =	vst v0;
	s14 =	sshra.s32 s15, $0x2;
	s15 =	sadd.s32 $0x200, s15  }
0x26: {  	[tilespmem:s14+$0x1B970] =	vst v0  }
0x27: {  	[tilespmem:s14+$0x1B900] =	vst v0  }
0x28: {  	[tilespmem:s14+$0x1B910] =	vst v0  }
0x29: {  	[tilespmem:s14+$0x1B920] =	vst v0  }
0x2a: {  	[tilespmem:s14+$0x1B930] =	vst v0  }
0x2b: {  	[tilespmem:s14+$0x1B940] =	vst v0  }
0x2c: {  	[tilespmem:s14+$0x1B950] =	vst v0  }
0x2d: {  	[tilespmem:s14+$0x1B960] =	vst v0;
	s14 =	simm.s32 $0x0;
	s15 =	rddreg [dreg:$0x3]  }
0x2e: {  	[tilespmem:s24], [sflag:$0x7] =	stream.linear.gather [hbm4b:s15+s14], $0x2710, $0x38;
	[tilespmem:$0x1E100] =	vst v63  }
0x2f: {  	_ =	swait.ge [sflag:s25], $0x2710  }
0x30: {  	[sflag:s25] =	ssyncset.done $0x0  }
0x31: {  	[sflag:s25] =	ssyncadd.s32 $0xFFFFD8F0  }
0x32: {  	[tilespmem:s26], [sflag:$0x1] =	stream.linear.gather [hbm4b:s5+s14], $0x50, $0x38;
	[tilespmem:$0x1E100] =	vst v63  }
0x33: {  	_ = 	snop  }
0x34: {  	[tilespmem:s29], [sflag:$0x1] =	stream.indirect.gather [hbm4b:s4+s28], $0x80, s24, s28, $0xb8;
	[tilespmem:$0x1E100] =	vst v63  }
0x35: {  	s17 =	rddreg [dreg:$0x4]  }
0x36: {  	[tilespmem:s30], [sflag:$0x2] =	stream.linear.gather [hbm4b:s17+s14], $0x50, $0x38;
	[tilespmem:$0x1E100] =	vst v63  }
0x37: {  	s18 =	simm.s32 $0x14050  }
0x38: {  	[tilespmem:s1], [sflag:$0x2] =	stream.indirect.gather [hbm4b:s4+s28], $0x80, s18, s28, $0xb8;
	[tilespmem:$0x1E100] =	vst v63  }
0x39: {  	_ = 	snop  }
0x3a: {  	[spmem:s9] =	stream.linear.scatter [tilespmem:s0], [sflag:$0x7], $0x2800, $0x38;
	[tilespmem:$0x1E100] =	vst v63  }
0x3b: {  	_ =	swait.ge [sflag:s25], $0x2800  }
0x3c: {  	[sflag:s25] =	ssyncset.done $0x0  }
0x3d: {  	s16 =	rddreg [dreg:$0x7];
	[sflag:s25] =	ssyncadd.s32 $0xFFFFD800  }
0x3e: {  	[spmem:s16] =	stream.linear.scatter [tilespmem:s0], [sflag:$0x7], $0x2800, $0x38;
	[tilespmem:$0x1E100] =	vst v63  }
0x3f: {  	_ =	swait.ge [sflag:s25], $0x2800  }
0x40: {  	[sflag:s25] =	ssyncset.done $0x0  }
0x41: {  	s17 =	rddreg [dreg:$0x8];
	[sflag:s25] =	ssyncadd.s32 $0xFFFFD800  }
0x42: {  	[spmem:s17] =	stream.linear.scatter [tilespmem:s0], [sflag:$0x7], $0x2800, $0x38;
	[tilespmem:$0x1E100] =	vst v63  }
0x43: {  	_ =	swait.ge [sflag:s25], $0x2800  }
0x44: {  	[sflag:s25] =	ssyncset.done $0x0  }
0x45: {  	s18 =	rddreg [dreg:$0x9];
	[sflag:s25] =	ssyncadd.s32 $0xFFFFD800  }
0x46: {  	[spmem:s18] =	stream.linear.scatter [tilespmem:s0], [sflag:$0x7], $0x2800, $0x38;
	[tilespmem:$0x1E100] =	vst v63  }
0x47: {  	_ =	swait.ge [sflag:s25], $0x2800  }
0x48: {  	[sflag:s25] =	ssyncset.done $0x0  }
0x49: {  	s16 =	rddreg [dreg:$0xa];
	[sflag:s25] =	ssyncadd.s32 $0xFFFFD800  }
0x4a: {  	[spmem:s16] =	stream.linear.scatter [tilespmem:s0], [sflag:$0x7], $0x2800, $0x38;
	[tilespmem:$0x1E100] =	vst v63  }
0x4b: {  	_ =	swait.ge [sflag:s25], $0x2800  }
0x4c: {  	[sflag:s25] =	ssyncset.done $0x0  }
0x4d: {  	s17 =	rddreg [dreg:$0xb];
	[sflag:s25] =	ssyncadd.s32 $0xFFFFD800  }
0x4e: {  	[spmem:s17] =	stream.linear.scatter [tilespmem:s0], [sflag:$0x7], $0x2800, $0x38;
	[tilespmem:$0x1E100] =	vst v63  }
0x4f: {  	_ =	swait.ge [sflag:s25], $0x2800  }
0x50: {  	[sflag:s25] =	ssyncset.done $0x0  }
0x51: {  	s18 =	rddreg [dreg:$0xc];
	[sflag:s25] =	ssyncadd.s32 $0xFFFFD800  }
0x52: {  	[spmem:s18] =	stream.linear.scatter [tilespmem:s0], [sflag:$0x7], $0x2800, $0x38;
	[tilespmem:$0x1E100] =	vst v63  }
0x53: {  	_ =	swait.ge [sflag:s25], $0x2800  }
0x54: {  	[sflag:s25] =	ssyncset.done $0x0  }
0x55: {  	s16 =	rddreg [dreg:$0xd];
	[sflag:s25] =	ssyncadd.s32 $0xFFFFD800  }
0x56: {  	[spmem:s16] =	stream.linear.scatter [tilespmem:s0], [sflag:$0x7], $0x2800, $0x38;
	[tilespmem:$0x1E100] =	vst v63  }
0x57: {  	_ =	swait.ge [sflag:s25], $0x2800  }
0x58: {  	[sflag:s25] =	ssyncset.done $0x0  }
0x59: {  	[sflag:s25] =	ssyncadd.s32 $0xFFFFD800  }
0x5a: {  	[bflag:$0x0] =	sbarrier.arrive $0xFFFF  }
0x5b: {  	_ =	swait.ge [sflag:s31], $0x50  }
0x5c: {  	[sflag:s31] =	ssyncset.done $0x0  }
0x5d: {  	[sflag:s31] =	ssyncadd.s32 $0xFFFFFFB0  }
0x5e: {  	_ =	swait.ge [sflag:s31], $0x2800  }
0x5f: {  	[sflag:s31] =	ssyncset.done $0x0  }
0x60: {  	[sflag:s31] =	ssyncadd.s32 $0xFFFFD800  }
0x61: {  	[spmem:s2] =	stream.indirect.scatter.add.f32 [tilespmem:s29], [sflag:$0x4], $0x80, s26, s28, $0xb8;
	[tilespmem:$0x1E100] =	vst v63  }
0x62: {  	s17 =	rddreg [dreg:$0xe]  }
0x63: {  	[tilespmem:s6], [sflag:$0x3] =	stream.linear.gather [hbm4b:s17+s14], $0x50, $0x38;
	[tilespmem:$0x1E100] =	vst v63  }
0x64: {  	s18 =	simm.s32 $0x140A0  }
0x65: {  	[tilespmem:s0], [sflag:$0x3] =	stream.indirect.gather [hbm4b:s4+s28], $0x80, s18, s28, $0xb8;
	[tilespmem:$0x1E100] =	vst v63  }
0x66: {  	_ =	swait.ge [sflag:s7], $0x50  }
0x67: {  	[sflag:s7] =	ssyncset.done $0x0  }
0x68: {  	[sflag:s7] =	ssyncadd.s32 $0xFFFFFFB0  }
0x69: {  	_ =	swait.ge [sflag:s7], $0x2800  }
0x6a: {  	[sflag:s7] =	ssyncset.done $0x0  }
0x6b: {  	[sflag:s7] =	ssyncadd.s32 $0xFFFFD800  }
0x6c: {  	[spmem:s2] =	stream.indirect.scatter.add.f32 [tilespmem:s1], [sflag:$0x5], $0x80, s30, s28, $0xb8;
	[tilespmem:$0x1E100] =	vst v63  }
0x6d: {  	_ =	swait.ge [sflag:s8], $0x2800  }
0x6e: {  	[sflag:s8] =	ssyncset.done $0x0  }
0x6f: {  	[sflag:s8] =	ssyncadd.s32 $0xFFFFD800  }
0x70: {  	[tilespmem:s26], [sflag:$0x1] =	stream.linear.gather [hbm4b:s19+s14], $0x50, $0x38;
	[tilespmem:$0x1E100] =	vst v63  }
0x71: {  	s16 =	simm.s32 $0x140F0  }
0x72: {  	[tilespmem:s29], [sflag:$0x1] =	stream.indirect.gather [hbm4b:s4+s28], $0x80, s16, s28, $0xb8;
	[tilespmem:$0x1E100] =	vst v63  }
0x73: {  	_ =	swait.ge [sflag:s10], $0x50  }
0x74: {  	[sflag:s10] =	ssyncset.done $0x0  }
0x75: {  	[sflag:s10] =	ssyncadd.s32 $0xFFFFFFB0  }
0x76: {  	_ =	swait.ge [sflag:s10], $0x2800  }
0x77: {  	[sflag:s10] =	ssyncset.done $0x0  }
0x78: {  	[sflag:s10] =	ssyncadd.s32 $0xFFFFD800  }
0x79: {  	[spmem:s2] =	stream.indirect.scatter.add.f32 [tilespmem:s0], [sflag:$0x6], $0x80, s6, s28, $0xb8;
	[tilespmem:$0x1E100] =	vst v63  }
0x7a: {  	_ =	swait.ge [sflag:s11], $0x2800  }
0x7b: {  	[sflag:s11] =	ssyncset.done $0x0  }
0x7c: {  	[sflag:s11] =	ssyncadd.s32 $0xFFFFD800  }
0x7d: {  	[tilespmem:s30], [sflag:$0x2] =	stream.linear.gather [hbm4b:s20+s14], $0x50, $0x38;
	[tilespmem:$0x1E100] =	vst v63  }
0x7e: {  	s17 =	simm.s32 $0x14140  }
0x7f: {  	[tilespmem:s1], [sflag:$0x2] =	stream.indirect.gather [hbm4b:s4+s28], $0x80, s17, s28, $0xb8;
	[tilespmem:$0x1E100] =	vst v63  }
0x80: {  	_ =	swait.ge [sflag:s31], $0x50  }
0x81: {  	[sflag:s31] =	ssyncset.done $0x0  }
0x82: {  	[sflag:s31] =	ssyncadd.s32 $0xFFFFFFB0  }
0x83: {  	_ =	swait.ge [sflag:s31], $0x2800  }
0x84: {  	[sflag:s31] =	ssyncset.done $0x0  }
0x85: {  	[sflag:s31] =	ssyncadd.s32 $0xFFFFD800  }
0x86: {  	[spmem:s2] =	stream.indirect.scatter.add.f32 [tilespmem:s29], [sflag:$0x4], $0x80, s26, s28, $0xb8;
	[tilespmem:$0x1E100] =	vst v63  }
0x87: {  	_ =	swait.ge [sflag:s12], $0x2800  }
0x88: {  	[sflag:s12] =	ssyncset.done $0x0  }
0x89: {  	s18 =	sadd.s32 $0x0, s23;
	[sflag:s12] =	ssyncadd.s32 $0xFFFFD800  }
0x8a: {  	[tilespmem:s6], [sflag:$0x3] =	stream.linear.gather [hbm4b:s18+s3], $0x50, $0x38;
	[tilespmem:$0x1E100] =	vst v63  }
0x8b: {  	s15 =	simm.s32 $0x14190  }
0x8c: {  	[tilespmem:s0], [sflag:$0x3] =	stream.indirect.gather [hbm4b:s4+s28], $0x80, s15, s28, $0xb8;
	[tilespmem:$0x1E100] =	vst v63  }
0x8d: {  	_ =	swait.ge [sflag:s7], $0x50  }
0x8e: {  	[sflag:s7] =	ssyncset.done $0x0  }
0x8f: {  	[sflag:s7] =	ssyncadd.s32 $0xFFFFFFB0  }
0x90: {  	_ =	swait.ge [sflag:s7], $0x2800  }
0x91: {  	[sflag:s7] =	ssyncset.done $0x0  }
0x92: {  	[sflag:s7] =	ssyncadd.s32 $0xFFFFD800  }
0x93: {  	[spmem:s2] =	stream.indirect.scatter.add.f32 [tilespmem:s1], [sflag:$0x5], $0x80, s30, s28, $0xb8;
	[tilespmem:$0x1E100] =	vst v63  }
0x94: {  	_ =	swait.ge [sflag:s8], $0x2800  }
0x95: {  	[sflag:s8] =	ssyncset.done $0x0  }
0x96: {  	s16 =	sadd.s32 $0x0, s22;
	[sflag:s8] =	ssyncadd.s32 $0xFFFFD800  }
0x97: {  	[tilespmem:s26], [sflag:$0x1] =	stream.linear.gather [hbm4b:s16+s3], $0x50, $0x38;
	[tilespmem:$0x1E100] =	vst v63  }
0x98: {  	s17 =	simm.s32 $0x141E0  }
0x99: {  	[tilespmem:s29], [sflag:$0x1] =	stream.indirect.gather [hbm4b:s4+s28], $0x80, s17, s28, $0xb8;
	[tilespmem:$0x1E100] =	vst v63  }
0x9a: {  	_ =	swait.ge [sflag:s10], $0x50  }
0x9b: {  	[sflag:s10] =	ssyncset.done $0x0  }
0x9c: {  	[sflag:s10] =	ssyncadd.s32 $0xFFFFFFB0  }
0x9d: {  	_ =	swait.ge [sflag:s10], $0x2800  }
0x9e: {  	[sflag:s10] =	ssyncset.done $0x0  }
0x9f: {  	[sflag:s10] =	ssyncadd.s32 $0xFFFFD800  }
0xa0: {  	[spmem:s2] =	stream.indirect.scatter.add.f32 [tilespmem:s0], [sflag:$0x6], $0x80, s6, s28, $0xb8;
	[tilespmem:$0x1E100] =	vst v63  }
0xa1: {  	_ =	swait.ge [sflag:s11], $0x2800  }
0xa2: {  	s14 =	simm.s32 $0x14230;
	s18 =	sadd.s32 $0x0, s21;
	[sflag:s11] =	ssyncset.done $0x0  }
0xa3: {  	s15 =	simm.s32 $0x1E;
	s16 =	simm.s32 $0x14320;
	[sflag:s11] =	ssyncadd.s32 $0xFFFFD800  }
0xa4: {  	[tilespmem:s30], [sflag:$0x2] =	stream.linear.gather [hbm4b:s18+s3], $0x50, $0x38;
	[tilespmem:$0x1E100] =	vst v63  }
.LBB2_4:
0xa5: {  	[tilespmem:s1], [sflag:$0x2] =	stream.indirect.gather [hbm4b:s4+s28], $0x80, s14, s28, $0xb8;
	[tilespmem:$0x1E100] =	vst v63  }
0xa6: {  	s17 =	smov.u32 s15;
	s14 =	smov.u32 s16  }
0xa7: {  	p0 =	sne.s32 s15, $0x492;
	s15 =	sadd.s32 $0x1E, s15;
	_ =	swait.ge [sflag:s31], $0x50  }
0xa8: {  	[sflag:s31] =	ssyncset.done $0x0  }
0xa9: {  	[sflag:s31] =	ssyncadd.s32 $0xFFFFFFB0  }
0xaa: {  	_ =	swait.ge [sflag:s31], $0x2800  }
0xab: {  	[sflag:s31] =	ssyncset.done $0x0  }
0xac: {  	[sflag:s31] =	ssyncadd.s32 $0xFFFFD800  }
0xad: {  	[spmem:s2] =	stream.indirect.scatter.add.f32 [tilespmem:s29], [sflag:$0x4], $0x80, s26, s28, $0xb8;
	[tilespmem:$0x1E100] =	vst v63  }
0xae: {  	_ =	swait.ge [sflag:s12], $0x2800  }
0xaf: {  	[sflag:s12] =	ssyncset.done $0x0  }
0xb0: {  	s18 =	sadd.s32 s17, s23;
	[sflag:s12] =	ssyncadd.s32 $0xFFFFD800  }
0xb1: {  	[tilespmem:s6], [sflag:$0x3] =	stream.linear.gather [hbm4b:s18+s3], $0x50, $0x38;
	[tilespmem:$0x1E100] =	vst v63  }
0xb2: {  	s18 =	sadd.s32 $0xFFFFFF60, s16  }
0xb3: {  	[tilespmem:s0], [sflag:$0x3] =	stream.indirect.gather [hbm4b:s4+s28], $0x80, s18, s28, $0xb8;
	[tilespmem:$0x1E100] =	vst v63  }
0xb4: {  	_ =	swait.ge [sflag:s7], $0x50  }
0xb5: {  	[sflag:s7] =	ssyncset.done $0x0  }
0xb6: {  	[sflag:s7] =	ssyncadd.s32 $0xFFFFFFB0  }
0xb7: {  	_ =	swait.ge [sflag:s7], $0x2800  }
0xb8: {  	[sflag:s7] =	ssyncset.done $0x0  }
0xb9: {  	[sflag:s7] =	ssyncadd.s32 $0xFFFFD800  }
0xba: {  	[spmem:s2] =	stream.indirect.scatter.add.f32 [tilespmem:s1], [sflag:$0x5], $0x80, s30, s28, $0xb8;
	[tilespmem:$0x1E100] =	vst v63  }
0xbb: {  	_ =	swait.ge [sflag:s8], $0x2800  }
0xbc: {  	[sflag:s8] =	ssyncset.done $0x0  }
0xbd: {  	s18 =	sadd.s32 s17, s22;
	[sflag:s8] =	ssyncadd.s32 $0xFFFFD800  }
0xbe: {  	[tilespmem:s26], [sflag:$0x1] =	stream.linear.gather [hbm4b:s18+s3], $0x50, $0x38;
	[tilespmem:$0x1E100] =	vst v63  }
0xbf: {  	s18 =	sadd.s32 $0xFFFFFFB0, s16  }
0xc0: {  	[tilespmem:s29], [sflag:$0x1] =	stream.indirect.gather [hbm4b:s4+s28], $0x80, s18, s28, $0xb8;
	[tilespmem:$0x1E100] =	vst v63  }
0xc1: {  	_ =	swait.ge [sflag:s10], $0x50  }
0xc2: {  	[sflag:s10] =	ssyncset.done $0x0  }
0xc3: {  	[sflag:s10] =	ssyncadd.s32 $0xFFFFFFB0  }
0xc4: {  	_ =	swait.ge [sflag:s10], $0x2800  }
0xc5: {  	[sflag:s10] =	ssyncset.done $0x0  }
0xc6: {  	[sflag:s10] =	ssyncadd.s32 $0xFFFFD800  }
0xc7: {  	[spmem:s2] =	stream.indirect.scatter.add.f32 [tilespmem:s0], [sflag:$0x6], $0x80, s6, s28, $0xb8;
	[tilespmem:$0x1E100] =	vst v63  }
.Ltmp1:
0xc8: {  	_ =	swait.ge [sflag:s11], $0x2800;
	(pc) =	sbr.rel @p0 .LBB2_4-.Ltmp1, $4  }
0xc9: {  	[sflag:s11] =	ssyncset.done $0x0  }
0xca: {  	s17 =	sadd.s32 s17, s21;
	[sflag:s11] =	ssyncadd.s32 $0xFFFFD800  }
0xcb: {  	[tilespmem:s30], [sflag:$0x2] =	stream.linear.gather [hbm4b:s17+s3], $0x50, $0x38;
	[tilespmem:$0x1E100] =	vst v63  }
0xcc: {  	s16 =	sadd.s32 $0xF0, s16  }
0xcd: {  	[tilespmem:s1], [sflag:$0x2] =	stream.indirect.gather [hbm4b:s4+s28], $0x80, s14, s28, $0xb8;
	[tilespmem:$0x1E100] =	vst v63  }
0xce: {  	_ =	swait.ge [sflag:s31], $0x50  }
0xcf: {  	[sflag:s31] =	ssyncset.done $0x0  }
0xd0: {  	[sflag:s31] =	ssyncadd.s32 $0xFFFFFFB0  }
0xd1: {  	_ =	swait.ge [sflag:s31], $0x2800  }
0xd2: {  	[sflag:s31] =	ssyncset.done $0x0  }
0xd3: {  	[sflag:s31] =	ssyncadd.s32 $0xFFFFD800  }
0xd4: {  	[spmem:s2] =	stream.indirect.scatter.add.f32 [tilespmem:s29], [sflag:$0x4], $0x80, s26, s28, $0xb8;
	[tilespmem:$0x1E100] =	vst v63  }
0xd5: {  	_ =	swait.ge [sflag:s12], $0x2800  }
0xd6: {  	[sflag:s12] =	ssyncset.done $0x0  }
0xd7: {  	[sflag:s12] =	ssyncadd.s32 $0xFFFFD800  }
0xd8: {  	_ =	swait.ge [sflag:s7], $0x50  }
0xd9: {  	[sflag:s7] =	ssyncset.done $0x0  }
0xda: {  	[sflag:s7] =	ssyncadd.s32 $0xFFFFFFB0  }
0xdb: {  	_ =	swait.ge [sflag:s7], $0x2800  }
0xdc: {  	[sflag:s7] =	ssyncset.done $0x0  }
0xdd: {  	[sflag:s7] =	ssyncadd.s32 $0xFFFFD800  }
0xde: {  	[spmem:s2] =	stream.indirect.scatter.add.f32 [tilespmem:s1], [sflag:$0x5], $0x80, s30, s28, $0xb8;
	[tilespmem:$0x1E100] =	vst v63  }
0xdf: {  	_ =	swait.ge [sflag:s8], $0x2800  }
0xe0: {  	[sflag:s8] =	ssyncset.done $0x0  }
0xe1: {  	[sflag:s8] =	ssyncadd.s32 $0xFFFFD800  }
0xe2: {  	_ =	swait.ge [sflag:s11], $0x2800  }
0xe3: {  	[sflag:s11] =	ssyncset.done $0x0  }
0xe4: {  	s17 =	stileid.u32;
	[sflag:s11] =	ssyncadd.s32 $0xFFFFD800  }
0xe5: {  	s14 =	sshll.u32 s17, $0x6;
	[bflag:$0x0] =	sbarrier.arrive $0xFFFF  }
0xe6: {  	s15 =	sshrl.u32 s9, $0x3;
	s14 =	sor.u32 $0x1C07, s14;
	s16 =	rddreg [dreg:$0x5]  }
0xe7: {  	[hbm:s16], [sflag:s14] =	dma.local [spmem:s15], $0x2800  }
0xe8: {  	_ =	swait.ge [sflag:s25], $0x2800  }
0xe9: {  	s13 =	sadd.s32 $0x1, s13;
	s18 =	rddreg [dreg:$0x6]  }
0xea: {  	p0 =	sne.s32 s13, s18  }
.Ltmp2:
0xeb: {  	_ = 	snop;
	(pc) =	sbr.rel @p0 .LBB2_1-.Ltmp2, $3  }
0xec: {  	_ =	sdelay $0x1  }
0xed: {  	[sflag:s25] =	ssyncset.done $0x0  }
0xee: {  	[sflag:s25] =	ssyncadd.s32 $0xFFFFD800  }
0xef: {  	_ =	sfence.sel $0x180000  }
0xf0: {  	[bflag:$0x0] =	sbarrier.arrive $0xFFFF  }
0xf1: {  	_ =	strace $0x9000004A  }
0xf2: {  	s0 =	stileid.u32;
	[bflag:$0x2] =	sbarrier.arrive $0xFFFF  }
0xf3: {  	p0 =	sne.s32 s0, $0x0;
	s0 =	rddreg [dreg:$0x2]  }
0xf4: {  	s0 =	sadd.s32 @!p0 $0x100000, s0  }
0xf5: {  	[sflag:s0] =	ssyncadd.tile.s32 @!p0 $0x1;
	_ =	shalt  }
.Lfunc_end2:
_tile_overlayer_lowered:
.L_overlay_start_2:
0xf6: {  	(tag) =	ssettag $0x2  }
0xf7: {  	s0 =	rddreg [dreg:$0x0];
	s2 =	stileid.u32  }
0xf8: {  	s1 =	rddreg [dreg:$0x1];
	p0 =	sne.s32 s2, $0x0  }
0xf9: {  	s3 =	rddreg [dreg:$0x2];
	[bflag:$0x3] =	sbarrier.arrive $0xFFFF;
	s2 =	simm.s32 @!p0 $0x1C07  }
0xfa: {  	[timem:s3], [sflag:s2] =	dma.local @!p0 [hbm:s0], s1  }
0xfb: {  	s0 =	simm.s32 @!p0 $0x7  }
0xfc: {  	_ =	swait.ge @!p0 [sflag:s0], s1  }
0xfd: {  	s1 =	ssub.s32 @!p0 $0x0, s1;
	[sflag:s0] =	ssyncset.done @!p0 $0x0  }
0xfe: {  	[sflag:s0] =	ssyncadd.s32 @!p0 s1  }
0xff: {  	[bflag:$0x3] =	sbarrier.arrive $0xFFFF  }
0x100: {  	_ =	shalt  }

// kernel: kernel.16.cloned.1.call-start
scs
__scs_entry_jumppad:
0x0: {  	(pc) =	sbr.rel $0x88, $3  }
0x1: {  	(tag) =	ssettag $0x0;
	lr =	simm.s32 $0x1  }
0x2: {  	[smem:$0x3F95] =	sst lr;
	_ =	strace $0xD0000000  }
0x3: {  	_ = 	snop  }
0x4: {  	_ = 	snop  }
0x5: {  	_ = 	snop  }
0x6: {  	_ = 	snop  }
0x7: {  	_ = 	snop  }
__scs_overlays_trampoline_lowered:
0x8: {  	[smem:$0x3FA4] =	sst s0  }
0x9: {  	[smem:$0x3FA5] =	sst s1  }
0xa: {  	[smem:$0x3FA6] =	sst s2  }
0xb: {  	[smem:$0x3FA7] =	sst s3  }
0xc: {  	[smem:$0x3FA8] =	sst s4  }
0xd: {  	[smem:$0x3FA9] =	sst s5  }
0xe: {  	[smem:$0x3FAA] =	sst s6  }
0xf: {  	[smem:$0x3FAB] =	sst s7  }
0x10: {  	[smem:$0x3FAC] =	sst s8  }
0x11: {  	[smem:$0x3FAD] =	sst s9;
	s0 =	simm.s32 @!p0 $0x0  }
0x12: {  	s1 =	sld [smem:$0x3F93];
	s0 =	simm.s32 @p0 $0x1  }
0x13: {  	[smem:$0x3FAE] =	sst s0;
	s0 =	simm.s32 @!p1 $0x0  }
0x14: {  	s2 =	sld [smem:$0x3F92];
	s0 =	simm.s32 @p1 $0x1  }
0x15: {  	[smem:$0x3FAF] =	sst s0;
	s0 =	simm.s32 @!p2 $0x0  }
0x16: {  	s3 =	sld [smem:$0x3FDB];
	s0 =	simm.s32 @p2 $0x1  }
0x17: {  	s4 =	simm.s32 $0x1BF5;
	[smem:$0x3FB1] =	sst s0  }
0x18: {  	s0 =	sld [smem:$0x3F94];
	_ =	swait.ge [sflag:s4], $0x0  }
0x19: {  	s7 =	sld [smem:$0x3F95]  }
0x1a: {  	s8 =	sadd.s32 $0xFFFFE003, lr  }
0x1b: {  	s9 =	sadd.s32 $0xFFFFFEF7, lr;
	s5 =	simm.s32 $0xFFFFFFFF;
	p2 =	slt.u32 s8, $0xFFFFF086  }
0x1c: {  	p1 =	slt.u32 s9, $0xF7A;
	s5 =	simm.s32 @!p2 $0x0  }
0x1d: {  	s5 =	simm.s32 @p1 $0x1;
	p0 =	seq.s32 s7, s2  }
0x1e: {  	s7 =	smul.u32 @!p0 $0xF7A, s2;
	p2 =	seq.s32 @!p0 s5, $0x0  }
0x1f: {  	s9 =	smul.u32 $0xF7A, s1;
	s8 =	simm.s32 @!p0 $0x1BF5;
	p2 =	por !p2, p0  }
0x20: {  	[sflag:s8] =	ssyncset.s32 @!p0 $0xFFFFF086;
	s6 =	sadd.s32 @!p0 s3, s7;
	s7 =	simm.s32 @!p0 $0x108  }
0x21: {  	s3 =	sadd.s32 s3, s9;
	s6 =	sadd.s32 @!p0 $0x88, s6;
	s7 =	simm.s32 @p2 $0x1082  }
0x22: {  	[simem:s7], [sflag:s8] =	dma.local @!p0 [hbm:s6], $0xF7A  }
0x23: {  	s9 =	sor.u32 $0xD0000000, s2;
	s6 =	simm.s32 $0x108;
	_ =	swait.ge @!p0 [sflag:s8], $0x0  }
0x24: {  	s3 =	sadd.s32 $0x88, s3;
	s6 =	simm.s32 @!p1 $0x1082;
	[sflag:s4] =	ssyncset.s32 $0xFFFFF086  }
0x25: {  	[simem:s6], [sflag:s4] =	dma.local [hbm:s3], $0xF7A  }
0x26: {  	[smem:$0x3F95] =	sst s1;
	(tag) =	ssettag s2;
	_ =	strace s9  }
0x27: {  	s1 =	sld [smem:$0x3FA5]  }
0x28: {  	s2 =	sld [smem:$0x3FA6]  }
0x29: {  	s4 =	sld [smem:$0x3FA8]  }
0x2a: {  	p0 =	seq.s32 s5, $0x0;
	s5 =	sld [smem:$0x3FA9]  }
0x2b: {  	s6 =	sld [smem:$0x3FAA]  }
0x2c: {  	s7 =	sld [smem:$0x3FAB]  }
0x2d: {  	s3 =	simm.s32 $0x108;
	s8 =	sld [smem:$0x3FAC]  }
0x2e: {  	s3 =	simm.s32 @!p0 $0x1082;
	s9 =	sld [smem:$0x3FAD]  }
0x2f: {  	lr =	sadd.s32 s0, s3;
	s0 =	sld [smem:$0x3FA4]  }
0x30: {  	s3 =	sld [smem:$0x3FA7]  }
0x31: {  	[smem:$0x3FB0] =	sst s10  }
0x32: {  	s10 =	sld [smem:$0x3FAE];
	_ =	sdelay $0x3  }
0x33: {  	p0 =	seq.s32 s10, $0x1;
	s10 =	sld [smem:$0x3FB0];
	_ =	sdelay $0x3  }
0x34: {  	[smem:$0x3FB0] =	sst s10  }
0x35: {  	s10 =	sld [smem:$0x3FAF];
	_ =	sdelay $0x3  }
0x36: {  	p1 =	seq.s32 s10, $0x1;
	s10 =	sld [smem:$0x3FB0];
	_ =	sdelay $0x3  }
0x37: {  	[smem:$0x3FB0] =	sst s10  }
0x38: {  	s10 =	sld [smem:$0x3FB1]  }
0x39: {  	_ = 	snop;
	(pc) =	sbr.ind lr, $3  }
0x3a: {  	_ = 	snop  }
0x3b: {  	_ = 	snop  }
0x3c: {  	p2 =	seq.s32 s10, $0x1;
	s10 =	sld [smem:$0x3FB0]  }
0x3d: {  	_ =	shalt  }
0x3e: {  	_ =	shalt  }
0x3f: {  	_ =	shalt  }
0x40: {  	_ =	shalt  }
0x41: {  	_ =	shalt  }
0x42: {  	_ =	shalt  }
0x43: {  	_ =	shalt  }
0x44: {  	_ =	shalt  }
0x45: {  	_ =	shalt  }
0x46: {  	_ =	shalt  }
0x47: {  	_ =	shalt  }
0x48: {  	_ =	shalt  }
0x49: {  	_ =	shalt  }
0x4a: {  	_ =	shalt  }
0x4b: {  	_ =	shalt  }
0x4c: {  	_ =	shalt  }
0x4d: {  	_ =	shalt  }
0x4e: {  	_ =	shalt  }
0x4f: {  	_ =	shalt  }
0x50: {  	_ =	shalt  }
0x51: {  	_ =	shalt  }
0x52: {  	_ =	shalt  }
0x53: {  	_ =	shalt  }
0x54: {  	_ =	shalt  }
0x55: {  	_ =	shalt  }
0x56: {  	_ =	shalt  }
0x57: {  	_ =	shalt  }
0x58: {  	_ =	shalt  }
0x59: {  	_ =	shalt  }
0x5a: {  	_ =	shalt  }
0x5b: {  	_ =	shalt  }
0x5c: {  	_ =	shalt  }
0x5d: {  	_ =	shalt  }
0x5e: {  	_ =	shalt  }
0x5f: {  	_ =	shalt  }
0x60: {  	_ =	shalt  }
0x61: {  	_ =	shalt  }
0x62: {  	_ =	shalt  }
0x63: {  	_ =	shalt  }
0x64: {  	_ =	shalt  }
0x65: {  	_ =	shalt  }
0x66: {  	_ =	shalt  }
0x67: {  	_ =	shalt  }
0x68: {  	_ =	shalt  }
0x69: {  	_ =	shalt  }
0x6a: {  	_ =	shalt  }
0x6b: {  	_ =	shalt  }
0x6c: {  	_ =	shalt  }
0x6d: {  	_ =	shalt  }
0x6e: {  	_ =	shalt  }
0x6f: {  	_ =	shalt  }
0x70: {  	_ =	shalt  }
0x71: {  	_ =	shalt  }
0x72: {  	_ =	shalt  }
0x73: {  	_ =	shalt  }
0x74: {  	_ =	shalt  }
0x75: {  	_ =	shalt  }
0x76: {  	_ =	shalt  }
0x77: {  	_ =	shalt  }
0x78: {  	_ =	shalt  }
0x79: {  	_ =	shalt  }
0x7a: {  	_ =	shalt  }
0x7b: {  	_ =	shalt  }
0x7c: {  	_ =	shalt  }
0x7d: {  	_ =	shalt  }
0x7e: {  	_ =	shalt  }
0x7f: {  	_ =	shalt  }
0x80: {  	_ =	shalt  }
0x81: {  	_ =	shalt  }
0x82: {  	_ =	shalt  }
0x83: {  	_ =	shalt  }
0x84: {  	_ =	shalt  }
0x85: {  	_ =	shalt  }
0x86: {  	_ =	shalt  }
0x87: {  	_ =	shalt  }
.Lfunc_end0:
.L_simem_size_0:
called_computation.2_lowered:
.L_overlay_start_0:
0x88: {  	s2 =	sld [smem:$0x3FD9]  }
0x89: {  	s3 =	sld [smem:$0x3FFE];
	_ =	sdelay $0x1  }
0x8a: {  	s1 =	srdreg.scid  }
0x8b: {  	s0 =	sand.u32 $0x1, s1  }
0x8c: {  	s16 =	sshll.u32 s0, $0xA;
	s2 =	sadd.s32 s3, s2  }
0x8d: {  	s2 =	sadd.s32 s2, s16  }
0x8e: {  	[smem:$0x3FBC] =	sst s2  }
0x8f: {  	_ = 	snop  }
0x90: {  	(tm) =	ssettm $0x1  }
0x91: {  	s17 =	sld [smem:$0x3FFB];
	_ =	sdelay $0x3  }
0x92: {  	_ =	strace s17  }
0x93: {  	s2 =	sld [smem:$0x3FFC];
	_ =	sdelay $0x3  }
0x94: {  	_ =	strace s2  }
0x95: {  	s2 =	sld [smem:$0x3FFD];
	_ =	sdelay $0x3  }
0x96: {  	_ =	strace s2  }
0x97: {  	_ =	strace $0x8FFFFFFF  }
0x98: {  	s18 =	sld [smem:$0x3FDB];
	_ =	sdelay $0x1  }
0x99: {  	s19 =	simm.s32 $_scs_section_size  }
0x9a: {  	s4 =	simm.s32 $_size__tile_overlayer_lowered;
	s5 =	simm.s32 $_tile_overlayer_lowered  }
0x9b: {  	s22 =	simm.s32 $0x1BFF;
	s21 =	sshll.u32 s5, $0x1;
	s2 =	sadd.s32 s19, s18  }
0x9c: {  	s6 =	simm.s32 $0x0;
	s20 =	sshll.u32 s4, $0x1;
	s4 =	sadd.s32 s21, s2  }
0x9d: {  	[timem:s6], [sflag:s22] =	dma.local [hbm:s4], s20  }
0x9e: {  	_ =	swait.ge [sflag:s22], s20  }
0x9f: {  	s3 =	ssub.s32 $0x0, s20;
	[sflag:s22] =	ssyncset.done $0x0  }
0xa0: {  	[sflag:s22] =	ssyncadd.s32 s3;
	_ =	sdelay $0x1  }
0xa1: {  	s23 =	simm.s32 $0x1B8B  }
0xa2: {  	_ =	swait.ge [sflag:s23], $0x1  }
0xa3: {  	[sflag:s23] =	ssyncset.done $0x0  }
0xa4: {  	s25 =	simm.s32 $0x1B8E;
	s24 =	sld [smem:$0x3FFE];
	[sflag:s23] =	ssyncadd.s32 $0xFFFFFFFF  }
0xa5: {  	s26 =	simm.s32 $execute0_lowered;
	[smem:$0x3FD2] =	sst s25  }
0xa6: {  	s4 =	sshll.u32 s26, $0x1;
	_ =	strace $0x8000004C;
	[dreg:$0x1] =	wrdreg $0xFFFFFFFF  }
0xa7: {  	s28 =	simm.s32 $_size_execute0_lowered;
	s2 =	sadd.s32 s2, s4;
	[dreg:$0x0] =	wrdreg $0x0  }
0xa8: {  	s4 =	sshll.u32 s28, $0x1;
	[dreg:$0x2] =	wrdreg s2  }
0xa9: {  	[dreg:$0x3] =	wrdreg s4  }
0xaa: {  	[dreg:$0x4] =	wrdreg $0xC0  }
0xab: {  	_ =	task [dreg:s6], $0x5FFFF  }
0xac: {  	[dreg:$0x1] =	wrdreg $0xFFFFFFFF  }
0xad: {  	[dreg:$0x0] =	wrdreg $0x60  }
0xae: {  	[dreg:$0x2] =	wrdreg s24  }
0xaf: {  	[dreg:$0x3] =	wrdreg $0x0  }
0xb0: {  	[dreg:$0x4] =	wrdreg $0x9  }
0xb1: {  	_ =	task.clear_ibuf [dreg:s6], $0x5FFFF;
	_ =	strace $0x9000004C  }
0xb2: {  	s29 =	simm.s32 $0x9;
	_ =	strace $0x8000004E  }
0xb3: {  	_ =	swait.ge [sflag:s29], $0x1  }
0xb4: {  	[sflag:s29] =	ssyncadd.s32 $0xFFFFFFFF  }
0xb5: {  	_ =	strace $0x9000004E  }
0xb6: {  	_ =	sfence  }
0xb7: {  	s30 =	sld [smem:$0x0];
	_ =	sdelay $0x2  }
0xb8: {  	s31 =	sshll.u32 s1, $0xD;
	s1 =	sshrl.u32 s1, $0x2  }
0xb9: {  	s3 =	sand.u32 $0x4000, s31;
	s1 =	sadd.s32 s1, s30  }
0xba: {  	s0 =	sor.u32 s3, s0;
	s1 =	sshll.u32 s1, $0x11  }
0xbb: {  	s0 =	sor.u32 s1, s0  }
0xbc: {  	s0 =	sadd.s32 $0x8F2B, s0  }
0xbd: {  	[sflag:s0] =	ssyncadd.remote.s32 $0x1  }
0xbe: {  	_ =	sfence.sel $0xFFFF  }
0xbf: {  	[dreg:$0x0] =	wrdreg $0xFFFFFFFF;
	(pc) =	sbr.abs _section_cstart, $3  }
0xc0: {  	[dreg:$0x1] =	wrdreg $0xFFFFFFFF  }
0xc1: {  	_ =	task.clear_ibuf [dreg:s6], $0x2FFFF;
	_ =	strace $0x9FFFFFFF  }
0xc2: {  	(tm) =	ssettm $0x7FFFFFFF  }
0xc3: {  	_ =	shalt  }
tec
execute0_lowered:
.L_overlay_start_1:
0x0: {  	(tag) =	ssettag $0x1  }
0x1: {  	s0 =	srdreg.scid  }
0x2: {  	s12 =	stileid.u32;
	s5 =	rddreg [dreg:$0x0]  }
0x3: {  	s2 =	rddreg [dreg:$0x1];
	s3 =	simm.s32 $0x0;
	s28 =	simm.s32 $0x50  }
0x4: {  	s29 =	simm.s32 $0x16900;
	s30 =	simm.s32 $0x16800;
	s7 =	smul.u32 $0x14000, s12  }
0x5: {  	s31 =	simm.s32 $0x1;
	s0 =	sand.u32 $0x1, s0;
	s11 =	smul.u32 $0x50000, s12  }
0x6: {  	[smem:$0x7FF] =	sst s3;
	s4 =	sadd.s32 $0x16800, s5;
	s21 =	smul.u32 $0x2710, s12  }
0x7: {  	s10 =	sadd.s32 $0xCA00, s5;
	s1 =	sshll.u32 s0, $0x4;
	s6 =	smul.u32 $0x140000, s0  }
0x8: {  	_ =	strace $0x8000004D;
	s26 =	ssub.s32 $0x2, s0;
	s0 =	smul.u32 $0x27100, s0  }
0x9: {  	s1 =	sor.u32 s12, s1;
	s9 =	sshrl.u32 s26, $0x1;
	s15 =	sshrl.u32 s11, $0x2  }
0xa: {  	s11 =	simm.s32 $0x5;
	s6 =	sadd.s32 s7, s6;
	s7 =	ssub.s32 s26, s9  }
0xb: {  	s12 =	simm.s32 $0x6;
	s9 =	sadd.s32 s15, s2;
	s16 =	smax.u32 s7, $0x1  }
0xc: {  	s1 =	smul.u32 $0x2710, s1;
	s17 =	sadd.s32 $0x2800, s9;
	[dreg:$0x6] =	wrdreg s16  }
0xd: {  	s0 =	sadd.s32 s21, s0;
	s18 =	sadd.s32 $0x5000, s9;
	[dreg:$0x7] =	wrdreg s17  }
0xe: {  	s6 =	sshrl.u32 s6, $0x3;
	s19 =	sadd.s32 $0x7800, s9;
	[dreg:$0x8] =	wrdreg s18  }
0xf: {  	s20 =	sadd.s32 $0xA000, s9;
	s22 =	sadd.s32 $0xC800, s9;
	[dreg:$0x9] =	wrdreg s19  }
0x10: {  	s23 =	sadd.s32 $0xF000, s9;
	s24 =	sadd.s32 $0x11800, s9;
	[dreg:$0xa] =	wrdreg s20  }
0x11: {  	s26 =	sadd.s32 $0x1E0, s0;
	s7 =	simm.s32 $0x2;
	[dreg:$0xb] =	wrdreg s22  }
0x12: {  	s1 =	sshrl.u32 s1, $0x3;
	s6 =	sadd.s32 s6, s5;
	[dreg:$0xc] =	wrdreg s23  }
0x13: {  	[dreg:$0xd] =	wrdreg s24;
	s24 =	simm.s32 $0x14000;
	s8 =	sadd.s32 s1, s5  }
0x14: {  	s5 =	sadd.s32 s10, s1;
	s6 =	sadd.s32 $0x3DA00, s6;
	s1 =	sadd.s32 $0x230, s0  }
0x15: {  	s0 =	sadd.s32 $0x190, s0;
	s13 =	sadd.s32 $0x2C00, s8;
	s14 =	sadd.s32 $0xA, s5  }
0x16: {  	[dreg:$0x5] =	wrdreg s6;
	s25 =	sadd.s32 $0x14, s5;
	s19 =	sadd.s32 $0x1E, s5  }
0x17: {  	s20 =	sadd.s32 $0x28, s5;
	s1 =	sshrl.u32 s1, $0x3;
	[dreg:$0x3] =	wrdreg s13  }
0x18: {  	s6 =	sshrl.u32 s26, $0x3;
	s0 =	sshrl.u32 s0, $0x3;
	[dreg:$0x4] =	wrdreg s14  }
0x19: {  	s26 =	simm.s32 $0x16780;
	s8 =	simm.s32 $0x4;
	[dreg:$0xe] =	wrdreg s25  }
0x1a: {  	s21 =	sadd.s32 s1, s10;
	s22 =	sadd.s32 s6, s10;
	s23 =	sadd.s32 s0, s10  }
0x1b: {  	s25 =	simm.s32 $0x7;
	s1 =	simm.s32 $0x19100;
	s0 =	simm.s32 $0x1B900  }
0x1c: {  	v0 =	vimm.f32 $0.0e+00;
	s6 =	simm.s32 $0x16880;
	s10 =	simm.s32 $0x3;
	s13 =	simm.s32 $0x0  }
.LBB2_1:
0x1d: {  	s14 =	simm.s32 $0x0;
	s15 =	simm.s32 $0x200  }
.LBB2_2:
0x1e: {  	p0 =	sne.s32 s15, $0x9E00;
	[tilespmem:s14+$0x1B970] =	vst v0  }
0x1f: {  	[tilespmem:s14+$0x1B900] =	vst v0  }
0x20: {  	[tilespmem:s14+$0x1B910] =	vst v0  }
.Ltmp0:
0x21: {  	[tilespmem:s14+$0x1B920] =	vst v0;
	(pc) =	sbr.rel @p0 .LBB2_2-.Ltmp0, $4  }
0x22: {  	[tilespmem:s14+$0x1B930] =	vst v0  }
0x23: {  	[tilespmem:s14+$0x1B940] =	vst v0  }
0x24: {  	[tilespmem:s14+$0x1B950] =	vst v0  }
0x25: {  	[tilespmem:s14+$0x1B960] =	vst v0;
	s14 =	sshra.s32 s15, $0x2;
	s15 =	sadd.s32 $0x200, s15  }
0x26: {  	[tilespmem:s14+$0x1B970] =	vst v0  }
0x27: {  	[tilespmem:s14+$0x1B900] =	vst v0  }
0x28: {  	[tilespmem:s14+$0x1B910] =	vst v0  }
0x29: {  	[tilespmem:s14+$0x1B920] =	vst v0  }
0x2a: {  	[tilespmem:s14+$0x1B930] =	vst v0  }
0x2b: {  	[tilespmem:s14+$0x1B940] =	vst v0  }
0x2c: {  	[tilespmem:s14+$0x1B950] =	vst v0  }
0x2d: {  	[tilespmem:s14+$0x1B960] =	vst v0;
	s14 =	simm.s32 $0x0;
	s15 =	rddreg [dreg:$0x3]  }
0x2e: {  	[tilespmem:s24], [sflag:$0x7] =	stream.linear.gather [hbm4b:s15+s14], $0x2710, $0x38;
	[tilespmem:$0x1E100] =	vst v63  }
0x2f: {  	_ =	swait.ge [sflag:s25], $0x2710  }
0x30: {  	[sflag:s25] =	ssyncset.done $0x0  }
0x31: {  	[sflag:s25] =	ssyncadd.s32 $0xFFFFD8F0  }
0x32: {  	[tilespmem:s26], [sflag:$0x1] =	stream.linear.gather [hbm4b:s5+s14], $0x50, $0x38;
	[tilespmem:$0x1E100] =	vst v63  }
0x33: {  	_ = 	snop  }
0x34: {  	[tilespmem:s29], [sflag:$0x1] =	stream.indirect.gather [hbm4b:s4+s28], $0x80, s24, s28, $0xb8;
	[tilespmem:$0x1E100] =	vst v63  }
0x35: {  	s17 =	rddreg [dreg:$0x4]  }
0x36: {  	[tilespmem:s30], [sflag:$0x2] =	stream.linear.gather [hbm4b:s17+s14], $0x50, $0x38;
	[tilespmem:$0x1E100] =	vst v63  }
0x37: {  	s18 =	simm.s32 $0x14050  }
0x38: {  	[tilespmem:s1], [sflag:$0x2] =	stream.indirect.gather [hbm4b:s4+s28], $0x80, s18, s28, $0xb8;
	[tilespmem:$0x1E100] =	vst v63  }
0x39: {  	_ = 	snop  }
0x3a: {  	[spmem:s9] =	stream.linear.scatter [tilespmem:s0], [sflag:$0x7], $0x2800, $0x38;
	[tilespmem:$0x1E100] =	vst v63  }
0x3b: {  	_ =	swait.ge [sflag:s25], $0x2800  }
0x3c: {  	[sflag:s25] =	ssyncset.done $0x0  }
0x3d: {  	s16 =	rddreg [dreg:$0x7];
	[sflag:s25] =	ssyncadd.s32 $0xFFFFD800  }
0x3e: {  	[spmem:s16] =	stream.linear.scatter [tilespmem:s0], [sflag:$0x7], $0x2800, $0x38;
	[tilespmem:$0x1E100] =	vst v63  }
0x3f: {  	_ =	swait.ge [sflag:s25], $0x2800  }
0x40: {  	[sflag:s25] =	ssyncset.done $0x0  }
0x41: {  	s17 =	rddreg [dreg:$0x8];
	[sflag:s25] =	ssyncadd.s32 $0xFFFFD800  }
0x42: {  	[spmem:s17] =	stream.linear.scatter [tilespmem:s0], [sflag:$0x7], $0x2800, $0x38;
	[tilespmem:$0x1E100] =	vst v63  }
0x43: {  	_ =	swait.ge [sflag:s25], $0x2800  }
0x44: {  	[sflag:s25] =	ssyncset.done $0x0  }
0x45: {  	s18 =	rddreg [dreg:$0x9];
	[sflag:s25] =	ssyncadd.s32 $0xFFFFD800  }
0x46: {  	[spmem:s18] =	stream.linear.scatter [tilespmem:s0], [sflag:$0x7], $0x2800, $0x38;
	[tilespmem:$0x1E100] =	vst v63  }
0x47: {  	_ =	swait.ge [sflag:s25], $0x2800  }
0x48: {  	[sflag:s25] =	ssyncset.done $0x0  }
0x49: {  	s16 =	rddreg [dreg:$0xa];
	[sflag:s25] =	ssyncadd.s32 $0xFFFFD800  }
0x4a: {  	[spmem:s16] =	stream.linear.scatter [tilespmem:s0], [sflag:$0x7], $0x2800, $0x38;
	[tilespmem:$0x1E100] =	vst v63  }
0x4b: {  	_ =	swait.ge [sflag:s25], $0x2800  }
0x4c: {  	[sflag:s25] =	ssyncset.done $0x0  }
0x4d: {  	s17 =	rddreg [dreg:$0xb];
	[sflag:s25] =	ssyncadd.s32 $0xFFFFD800  }
0x4e: {  	[spmem:s17] =	stream.linear.scatter [tilespmem:s0], [sflag:$0x7], $0x2800, $0x38;
	[tilespmem:$0x1E100] =	vst v63  }
0x4f: {  	_ =	swait.ge [sflag:s25], $0x2800  }
0x50: {  	[sflag:s25] =	ssyncset.done $0x0  }
0x51: {  	s18 =	rddreg [dreg:$0xc];
	[sflag:s25] =	ssyncadd.s32 $0xFFFFD800  }
0x52: {  	[spmem:s18] =	stream.linear.scatter [tilespmem:s0], [sflag:$0x7], $0x2800, $0x38;
	[tilespmem:$0x1E100] =	vst v63  }
0x53: {  	_ =	swait.ge [sflag:s25], $0x2800  }
0x54: {  	[sflag:s25] =	ssyncset.done $0x0  }
0x55: {  	s16 =	rddreg [dreg:$0xd];
	[sflag:s25] =	ssyncadd.s32 $0xFFFFD800  }
0x56: {  	[spmem:s16] =	stream.linear.scatter [tilespmem:s0], [sflag:$0x7], $0x2800, $0x38;
	[tilespmem:$0x1E100] =	vst v63  }
0x57: {  	_ =	swait.ge [sflag:s25], $0x2800  }
0x58: {  	[sflag:s25] =	ssyncset.done $0x0  }
0x59: {  	[sflag:s25] =	ssyncadd.s32 $0xFFFFD800  }
0x5a: {  	[bflag:$0x0] =	sbarrier.arrive $0xFFFF  }
0x5b: {  	_ =	swait.ge [sflag:s31], $0x50  }
0x5c: {  	[sflag:s31] =	ssyncset.done $0x0  }
0x5d: {  	[sflag:s31] =	ssyncadd.s32 $0xFFFFFFB0  }
0x5e: {  	_ =	swait.ge [sflag:s31], $0x2800  }
0x5f: {  	[sflag:s31] =	ssyncset.done $0x0  }
0x60: {  	[sflag:s31] =	ssyncadd.s32 $0xFFFFD800  }
0x61: {  	[spmem:s2] =	stream.indirect.scatter.add.f32 [tilespmem:s29], [sflag:$0x4], $0x80, s26, s28, $0xb8;
	[tilespmem:$0x1E100] =	vst v63  }
0x62: {  	s17 =	rddreg [dreg:$0xe]  }
0x63: {  	[tilespmem:s6], [sflag:$0x3] =	stream.linear.gather [hbm4b:s17+s14], $0x50, $0x38;
	[tilespmem:$0x1E100] =	vst v63  }
0x64: {  	s18 =	simm.s32 $0x140A0  }
0x65: {  	[tilespmem:s0], [sflag:$0x3] =	stream.indirect.gather [hbm4b:s4+s28], $0x80, s18, s28, $0xb8;
	[tilespmem:$0x1E100] =	vst v63  }
0x66: {  	_ =	swait.ge [sflag:s7], $0x50  }
0x67: {  	[sflag:s7] =	ssyncset.done $0x0  }
0x68: {  	[sflag:s7] =	ssyncadd.s32 $0xFFFFFFB0  }
0x69: {  	_ =	swait.ge [sflag:s7], $0x2800  }
0x6a: {  	[sflag:s7] =	ssyncset.done $0x0  }
0x6b: {  	[sflag:s7] =	ssyncadd.s32 $0xFFFFD800  }
0x6c: {  	[spmem:s2] =	stream.indirect.scatter.add.f32 [tilespmem:s1], [sflag:$0x5], $0x80, s30, s28, $0xb8;
	[tilespmem:$0x1E100] =	vst v63  }
0x6d: {  	_ =	swait.ge [sflag:s8], $0x2800  }
0x6e: {  	[sflag:s8] =	ssyncset.done $0x0  }
0x6f: {  	[sflag:s8] =	ssyncadd.s32 $0xFFFFD800  }
0x70: {  	[tilespmem:s26], [sflag:$0x1] =	stream.linear.gather [hbm4b:s19+s14], $0x50, $0x38;
	[tilespmem:$0x1E100] =	vst v63  }
0x71: {  	s16 =	simm.s32 $0x140F0  }
0x72: {  	[tilespmem:s29], [sflag:$0x1] =	stream.indirect.gather [hbm4b:s4+s28], $0x80, s16, s28, $0xb8;
	[tilespmem:$0x1E100] =	vst v63  }
0x73: {  	_ =	swait.ge [sflag:s10], $0x50  }
0x74: {  	[sflag:s10] =	ssyncset.done $0x0  }
0x75: {  	[sflag:s10] =	ssyncadd.s32 $0xFFFFFFB0  }
0x76: {  	_ =	swait.ge [sflag:s10], $0x2800  }
0x77: {  	[sflag:s10] =	ssyncset.done $0x0  }
0x78: {  	[sflag:s10] =	ssyncadd.s32 $0xFFFFD800  }
0x79: {  	[spmem:s2] =	stream.indirect.scatter.add.f32 [tilespmem:s0], [sflag:$0x6], $0x80, s6, s28, $0xb8;
	[tilespmem:$0x1E100] =	vst v63  }
0x7a: {  	_ =	swait.ge [sflag:s11], $0x2800  }
0x7b: {  	[sflag:s11] =	ssyncset.done $0x0  }
0x7c: {  	[sflag:s11] =	ssyncadd.s32 $0xFFFFD800  }
0x7d: {  	[tilespmem:s30], [sflag:$0x2] =	stream.linear.gather [hbm4b:s20+s14], $0x50, $0x38;
	[tilespmem:$0x1E100] =	vst v63  }
0x7e: {  	s17 =	simm.s32 $0x14140  }
0x7f: {  	[tilespmem:s1], [sflag:$0x2] =	stream.indirect.gather [hbm4b:s4+s28], $0x80, s17, s28, $0xb8;
	[tilespmem:$0x1E100] =	vst v63  }
0x80: {  	_ =	swait.ge [sflag:s31], $0x50  }
0x81: {  	[sflag:s31] =	ssyncset.done $0x0  }
0x82: {  	[sflag:s31] =	ssyncadd.s32 $0xFFFFFFB0  }
0x83: {  	_ =	swait.ge [sflag:s31], $0x2800  }
0x84: {  	[sflag:s31] =	ssyncset.done $0x0  }
0x85: {  	[sflag:s31] =	ssyncadd.s32 $0xFFFFD800  }
0x86: {  	[spmem:s2] =	stream.indirect.scatter.add.f32 [tilespmem:s29], [sflag:$0x4], $0x80, s26, s28, $0xb8;
	[tilespmem:$0x1E100] =	vst v63  }
0x87: {  	_ =	swait.ge [sflag:s12], $0x2800  }
0x88: {  	[sflag:s12] =	ssyncset.done $0x0  }
0x89: {  	s18 =	sadd.s32 $0x0, s23;
	[sflag:s12] =	ssyncadd.s32 $0xFFFFD800  }
0x8a: {  	[tilespmem:s6], [sflag:$0x3] =	stream.linear.gather [hbm4b:s18+s3], $0x50, $0x38;
	[tilespmem:$0x1E100] =	vst v63  }
0x8b: {  	s15 =	simm.s32 $0x14190  }
0x8c: {  	[tilespmem:s0], [sflag:$0x3] =	stream.indirect.gather [hbm4b:s4+s28], $0x80, s15, s28, $0xb8;
	[tilespmem:$0x1E100] =	vst v63  }
0x8d: {  	_ =	swait.ge [sflag:s7], $0x50  }
0x8e: {  	[sflag:s7] =	ssyncset.done $0x0  }
0x8f: {  	[sflag:s7] =	ssyncadd.s32 $0xFFFFFFB0  }
0x90: {  	_ =	swait.ge [sflag:s7], $0x2800  }
0x91: {  	[sflag:s7] =	ssyncset.done $0x0  }
0x92: {  	[sflag:s7] =	ssyncadd.s32 $0xFFFFD800  }
0x93: {  	[spmem:s2] =	stream.indirect.scatter.add.f32 [tilespmem:s1], [sflag:$0x5], $0x80, s30, s28, $0xb8;
	[tilespmem:$0x1E100] =	vst v63  }
0x94: {  	_ =	swait.ge [sflag:s8], $0x2800  }
0x95: {  	[sflag:s8] =	ssyncset.done $0x0  }
0x96: {  	s16 =	sadd.s32 $0x0, s22;
	[sflag:s8] =	ssyncadd.s32 $0xFFFFD800  }
0x97: {  	[tilespmem:s26], [sflag:$0x1] =	stream.linear.gather [hbm4b:s16+s3], $0x50, $0x38;
	[tilespmem:$0x1E100] =	vst v63  }
0x98: {  	s17 =	simm.s32 $0x141E0  }
0x99: {  	[tilespmem:s29], [sflag:$0x1] =	stream.indirect.gather [hbm4b:s4+s28], $0x80, s17, s28, $0xb8;
	[tilespmem:$0x1E100] =	vst v63  }
0x9a: {  	_ =	swait.ge [sflag:s10], $0x50  }
0x9b: {  	[sflag:s10] =	ssyncset.done $0x0  }
0x9c: {  	[sflag:s10] =	ssyncadd.s32 $0xFFFFFFB0  }
0x9d: {  	_ =	swait.ge [sflag:s10], $0x2800  }
0x9e: {  	[sflag:s10] =	ssyncset.done $0x0  }
0x9f: {  	[sflag:s10] =	ssyncadd.s32 $0xFFFFD800  }
0xa0: {  	[spmem:s2] =	stream.indirect.scatter.add.f32 [tilespmem:s0], [sflag:$0x6], $0x80, s6, s28, $0xb8;
	[tilespmem:$0x1E100] =	vst v63  }
0xa1: {  	_ =	swait.ge [sflag:s11], $0x2800  }
0xa2: {  	s14 =	simm.s32 $0x14230;
	s18 =	sadd.s32 $0x0, s21;
	[sflag:s11] =	ssyncset.done $0x0  }
0xa3: {  	s15 =	simm.s32 $0x1E;
	s16 =	simm.s32 $0x14320;
	[sflag:s11] =	ssyncadd.s32 $0xFFFFD800  }
0xa4: {  	[tilespmem:s30], [sflag:$0x2] =	stream.linear.gather [hbm4b:s18+s3], $0x50, $0x38;
	[tilespmem:$0x1E100] =	vst v63  }
.LBB2_4:
0xa5: {  	[tilespmem:s1], [sflag:$0x2] =	stream.indirect.gather [hbm4b:s4+s28], $0x80, s14, s28, $0xb8;
	[tilespmem:$0x1E100] =	vst v63  }
0xa6: {  	s17 =	smov.u32 s15;
	s14 =	smov.u32 s16  }
0xa7: {  	p0 =	sne.s32 s15, $0x492;
	s15 =	sadd.s32 $0x1E, s15;
	_ =	swait.ge [sflag:s31], $0x50  }
0xa8: {  	[sflag:s31] =	ssyncset.done $0x0  }
0xa9: {  	[sflag:s31] =	ssyncadd.s32 $0xFFFFFFB0  }
0xaa: {  	_ =	swait.ge [sflag:s31], $0x2800  }
0xab: {  	[sflag:s31] =	ssyncset.done $0x0  }
0xac: {  	[sflag:s31] =	ssyncadd.s32 $0xFFFFD800  }
0xad: {  	[spmem:s2] =	stream.indirect.scatter.add.f32 [tilespmem:s29], [sflag:$0x4], $0x80, s26, s28, $0xb8;
	[tilespmem:$0x1E100] =	vst v63  }
0xae: {  	_ =	swait.ge [sflag:s12], $0x2800  }
0xaf: {  	[sflag:s12] =	ssyncset.done $0x0  }
0xb0: {  	s18 =	sadd.s32 s17, s23;
	[sflag:s12] =	ssyncadd.s32 $0xFFFFD800  }
0xb1: {  	[tilespmem:s6], [sflag:$0x3] =	stream.linear.gather [hbm4b:s18+s3], $0x50, $0x38;
	[tilespmem:$0x1E100] =	vst v63  }
0xb2: {  	s18 =	sadd.s32 $0xFFFFFF60, s16  }
0xb3: {  	[tilespmem:s0], [sflag:$0x3] =	stream.indirect.gather [hbm4b:s4+s28], $0x80, s18, s28, $0xb8;
	[tilespmem:$0x1E100] =	vst v63  }
0xb4: {  	_ =	swait.ge [sflag:s7], $0x50  }
0xb5: {  	[sflag:s7] =	ssyncset.done $0x0  }
0xb6: {  	[sflag:s7] =	ssyncadd.s32 $0xFFFFFFB0  }
0xb7: {  	_ =	swait.ge [sflag:s7], $0x2800  }
0xb8: {  	[sflag:s7] =	ssyncset.done $0x0  }
0xb9: {  	[sflag:s7] =	ssyncadd.s32 $0xFFFFD800  }
0xba: {  	[spmem:s2] =	stream.indirect.scatter.add.f32 [tilespmem:s1], [sflag:$0x5], $0x80, s30, s28, $0xb8;
	[tilespmem:$0x1E100] =	vst v63  }
0xbb: {  	_ =	swait.ge [sflag:s8], $0x2800  }
0xbc: {  	[sflag:s8] =	ssyncset.done $0x0  }
0xbd: {  	s18 =	sadd.s32 s17, s22;
	[sflag:s8] =	ssyncadd.s32 $0xFFFFD800  }
0xbe: {  	[tilespmem:s26], [sflag:$0x1] =	stream.linear.gather [hbm4b:s18+s3], $0x50, $0x38;
	[tilespmem:$0x1E100] =	vst v63  }
0xbf: {  	s18 =	sadd.s32 $0xFFFFFFB0, s16  }
0xc0: {  	[tilespmem:s29], [sflag:$0x1] =	stream.indirect.gather [hbm4b:s4+s28], $0x80, s18, s28, $0xb8;
	[tilespmem:$0x1E100] =	vst v63  }
0xc1: {  	_ =	swait.ge [sflag:s10], $0x50  }
0xc2: {  	[sflag:s10] =	ssyncset.done $0x0  }
0xc3: {  	[sflag:s10] =	ssyncadd.s32 $0xFFFFFFB0  }
0xc4: {  	_ =	swait.ge [sflag:s10], $0x2800  }
0xc5: {  	[sflag:s10] =	ssyncset.done $0x0  }
0xc6: {  	[sflag:s10] =	ssyncadd.s32 $0xFFFFD800  }
0xc7: {  	[spmem:s2] =	stream.indirect.scatter.add.f32 [tilespmem:s0], [sflag:$0x6], $0x80, s6, s28, $0xb8;
	[tilespmem:$0x1E100] =	vst v63  }
.Ltmp1:
0xc8: {  	_ =	swait.ge [sflag:s11], $0x2800;
	(pc) =	sbr.rel @p0 .LBB2_4-.Ltmp1, $4  }
0xc9: {  	[sflag:s11] =	ssyncset.done $0x0  }
0xca: {  	s17 =	sadd.s32 s17, s21;
	[sflag:s11] =	ssyncadd.s32 $0xFFFFD800  }
0xcb: {  	[tilespmem:s30], [sflag:$0x2] =	stream.linear.gather [hbm4b:s17+s3], $0x50, $0x38;
	[tilespmem:$0x1E100] =	vst v63  }
0xcc: {  	s16 =	sadd.s32 $0xF0, s16  }
0xcd: {  	[tilespmem:s1], [sflag:$0x2] =	stream.indirect.gather [hbm4b:s4+s28], $0x80, s14, s28, $0xb8;
	[tilespmem:$0x1E100] =	vst v63  }
0xce: {  	_ =	swait.ge [sflag:s31], $0x50  }
0xcf: {  	[sflag:s31] =	ssyncset.done $0x0  }
0xd0: {  	[sflag:s31] =	ssyncadd.s32 $0xFFFFFFB0  }
0xd1: {  	_ =	swait.ge [sflag:s31], $0x2800  }
0xd2: {  	[sflag:s31] =	ssyncset.done $0x0  }
0xd3: {  	[sflag:s31] =	ssyncadd.s32 $0xFFFFD800  }
0xd4: {  	[spmem:s2] =	stream.indirect.scatter.add.f32 [tilespmem:s29], [sflag:$0x4], $0x80, s26, s28, $0xb8;
	[tilespmem:$0x1E100] =	vst v63  }
0xd5: {  	_ =	swait.ge [sflag:s12], $0x2800  }
0xd6: {  	[sflag:s12] =	ssyncset.done $0x0  }
0xd7: {  	[sflag:s12] =	ssyncadd.s32 $0xFFFFD800  }
0xd8: {  	_ =	swait.ge [sflag:s7], $0x50  }
0xd9: {  	[sflag:s7] =	ssyncset.done $0x0  }
0xda: {  	[sflag:s7] =	ssyncadd.s32 $0xFFFFFFB0  }
0xdb: {  	_ =	swait.ge [sflag:s7], $0x2800  }
0xdc: {  	[sflag:s7] =	ssyncset.done $0x0  }
0xdd: {  	[sflag:s7] =	ssyncadd.s32 $0xFFFFD800  }
0xde: {  	[spmem:s2] =	stream.indirect.scatter.add.f32 [tilespmem:s1], [sflag:$0x5], $0x80, s30, s28, $0xb8;
	[tilespmem:$0x1E100] =	vst v63  }
0xdf: {  	_ =	swait.ge [sflag:s8], $0x2800  }
0xe0: {  	[sflag:s8] =	ssyncset.done $0x0  }
0xe1: {  	[sflag:s8] =	ssyncadd.s32 $0xFFFFD800  }
0xe2: {  	_ =	swait.ge [sflag:s11], $0x2800  }
0xe3: {  	[sflag:s11] =	ssyncset.done $0x0  }
0xe4: {  	s17 =	stileid.u32;
	[sflag:s11] =	ssyncadd.s32 $0xFFFFD800  }
0xe5: {  	s14 =	sshll.u32 s17, $0x6;
	[bflag:$0x0] =	sbarrier.arrive $0xFFFF  }
0xe6: {  	s15 =	sshrl.u32 s9, $0x3;
	s14 =	sor.u32 $0x1C07, s14;
	s16 =	rddreg [dreg:$0x5]  }
0xe7: {  	[hbm:s16], [sflag:s14] =	dma.local [spmem:s15], $0x2800  }
0xe8: {  	_ =	swait.ge [sflag:s25], $0x2800  }
0xe9: {  	s13 =	sadd.s32 $0x1, s13;
	s18 =	rddreg [dreg:$0x6]  }
0xea: {  	p0 =	sne.s32 s13, s18  }
.Ltmp2:
0xeb: {  	_ = 	snop;
	(pc) =	sbr.rel @p0 .LBB2_1-.Ltmp2, $3  }
0xec: {  	_ =	sdelay $0x1  }
0xed: {  	[sflag:s25] =	ssyncset.done $0x0  }
0xee: {  	[sflag:s25] =	ssyncadd.s32 $0xFFFFD800  }
0xef: {  	_ =	sfence.sel $0x180000  }
0xf0: {  	[bflag:$0x0] =	sbarrier.arrive $0xFFFF  }
0xf1: {  	_ =	strace $0x9000004D  }
0xf2: {  	s0 =	stileid.u32;
	[bflag:$0x2] =	sbarrier.arrive $0xFFFF  }
0xf3: {  	p0 =	sne.s32 s0, $0x0;
	s0 =	rddreg [dreg:$0x2]  }
0xf4: {  	s0 =	sadd.s32 @!p0 $0x100000, s0  }
0xf5: {  	[sflag:s0] =	ssyncadd.tile.s32 @!p0 $0x1;
	_ =	shalt  }
.Lfunc_end2:
_tile_overlayer_lowered:
.L_overlay_start_2:
0xf6: {  	(tag) =	ssettag $0x2  }
0xf7: {  	s0 =	rddreg [dreg:$0x0];
	s2 =	stileid.u32  }
0xf8: {  	s1 =	rddreg [dreg:$0x1];
	p0 =	sne.s32 s2, $0x0  }
0xf9: {  	s3 =	rddreg [dreg:$0x2];
	[bflag:$0x3] =	sbarrier.arrive $0xFFFF;
	s2 =	simm.s32 @!p0 $0x1C07  }
0xfa: {  	[timem:s3], [sflag:s2] =	dma.local @!p0 [hbm:s0], s1  }
0xfb: {  	s0 =	simm.s32 @!p0 $0x7  }
0xfc: {  	_ =	swait.ge @!p0 [sflag:s0], s1  }
0xfd: {  	s1 =	ssub.s32 @!p0 $0x0, s1;
	[sflag:s0] =	ssyncset.done @!p0 $0x0  }
0xfe: {  	[sflag:s0] =	ssyncadd.s32 @!p0 s1  }
0xff: {  	[bflag:$0x3] =	sbarrier.arrive $0xFFFF  }
0x100: {  	_ =	shalt  }

// kernel: kernel.19.cloned.1.call-start
scs
__scs_entry_jumppad:
0x0: {  	(pc) =	sbr.rel $0x88, $3  }
0x1: {  	(tag) =	ssettag $0x0;
	lr =	simm.s32 $0x1  }
0x2: {  	[smem:$0x3F95] =	sst lr;
	_ =	strace $0xD0000000  }
0x3: {  	_ = 	snop  }
0x4: {  	_ = 	snop  }
0x5: {  	_ = 	snop  }
0x6: {  	_ = 	snop  }
0x7: {  	_ = 	snop  }
__scs_overlays_trampoline_lowered:
0x8: {  	[smem:$0x3FA4] =	sst s0  }
0x9: {  	[smem:$0x3FA5] =	sst s1  }
0xa: {  	[smem:$0x3FA6] =	sst s2  }
0xb: {  	[smem:$0x3FA7] =	sst s3  }
0xc: {  	[smem:$0x3FA8] =	sst s4  }
0xd: {  	[smem:$0x3FA9] =	sst s5  }
0xe: {  	[smem:$0x3FAA] =	sst s6  }
0xf: {  	[smem:$0x3FAB] =	sst s7  }
0x10: {  	[smem:$0x3FAC] =	sst s8  }
0x11: {  	[smem:$0x3FAD] =	sst s9;
	s0 =	simm.s32 @!p0 $0x0  }
0x12: {  	s1 =	sld [smem:$0x3F93];
	s0 =	simm.s32 @p0 $0x1  }
0x13: {  	[smem:$0x3FAE] =	sst s0;
	s0 =	simm.s32 @!p1 $0x0  }
0x14: {  	s2 =	sld [smem:$0x3F92];
	s0 =	simm.s32 @p1 $0x1  }
0x15: {  	[smem:$0x3FAF] =	sst s0;
	s0 =	simm.s32 @!p2 $0x0  }
0x16: {  	s3 =	sld [smem:$0x3FDB];
	s0 =	simm.s32 @p2 $0x1  }
0x17: {  	s4 =	simm.s32 $0x1BF5;
	[smem:$0x3FB1] =	sst s0  }
0x18: {  	s0 =	sld [smem:$0x3F94];
	_ =	swait.ge [sflag:s4], $0x0  }
0x19: {  	s7 =	sld [smem:$0x3F95]  }
0x1a: {  	s8 =	sadd.s32 $0xFFFFE003, lr  }
0x1b: {  	s9 =	sadd.s32 $0xFFFFFEF7, lr;
	s5 =	simm.s32 $0xFFFFFFFF;
	p2 =	slt.u32 s8, $0xFFFFF086  }
0x1c: {  	p1 =	slt.u32 s9, $0xF7A;
	s5 =	simm.s32 @!p2 $0x0  }
0x1d: {  	s5 =	simm.s32 @p1 $0x1;
	p0 =	seq.s32 s7, s2  }
0x1e: {  	s7 =	smul.u32 @!p0 $0xF7A, s2;
	p2 =	seq.s32 @!p0 s5, $0x0  }
0x1f: {  	s9 =	smul.u32 $0xF7A, s1;
	s8 =	simm.s32 @!p0 $0x1BF5;
	p2 =	por !p2, p0  }
0x20: {  	[sflag:s8] =	ssyncset.s32 @!p0 $0xFFFFF086;
	s6 =	sadd.s32 @!p0 s3, s7;
	s7 =	simm.s32 @!p0 $0x108  }
0x21: {  	s3 =	sadd.s32 s3, s9;
	s6 =	sadd.s32 @!p0 $0x88, s6;
	s7 =	simm.s32 @p2 $0x1082  }
0x22: {  	[simem:s7], [sflag:s8] =	dma.local @!p0 [hbm:s6], $0xF7A  }
0x23: {  	s9 =	sor.u32 $0xD0000000, s2;
	s6 =	simm.s32 $0x108;
	_ =	swait.ge @!p0 [sflag:s8], $0x0  }
0x24: {  	s3 =	sadd.s32 $0x88, s3;
	s6 =	simm.s32 @!p1 $0x1082;
	[sflag:s4] =	ssyncset.s32 $0xFFFFF086  }
0x25: {  	[simem:s6], [sflag:s4] =	dma.local [hbm:s3], $0xF7A  }
0x26: {  	[smem:$0x3F95] =	sst s1;
	(tag) =	ssettag s2;
	_ =	strace s9  }
0x27: {  	s1 =	sld [smem:$0x3FA5]  }
0x28: {  	s2 =	sld [smem:$0x3FA6]  }
0x29: {  	s4 =	sld [smem:$0x3FA8]  }
0x2a: {  	p0 =	seq.s32 s5, $0x0;
	s5 =	sld [smem:$0x3FA9]  }
0x2b: {  	s6 =	sld [smem:$0x3FAA]  }
0x2c: {  	s7 =	sld [smem:$0x3FAB]  }
0x2d: {  	s3 =	simm.s32 $0x108;
	s8 =	sld [smem:$0x3FAC]  }
0x2e: {  	s3 =	simm.s32 @!p0 $0x1082;
	s9 =	sld [smem:$0x3FAD]  }
0x2f: {  	lr =	sadd.s32 s0, s3;
	s0 =	sld [smem:$0x3FA4]  }
0x30: {  	s3 =	sld [smem:$0x3FA7]  }
0x31: {  	[smem:$0x3FB0] =	sst s10  }
0x32: {  	s10 =	sld [smem:$0x3FAE];
	_ =	sdelay $0x3  }
0x33: {  	p0 =	seq.s32 s10, $0x1;
	s10 =	sld [smem:$0x3FB0];
	_ =	sdelay $0x3  }
0x34: {  	[smem:$0x3FB0] =	sst s10  }
0x35: {  	s10 =	sld [smem:$0x3FAF];
	_ =	sdelay $0x3  }
0x36: {  	p1 =	seq.s32 s10, $0x1;
	s10 =	sld [smem:$0x3FB0];
	_ =	sdelay $0x3  }
0x37: {  	[smem:$0x3FB0] =	sst s10  }
0x38: {  	s10 =	sld [smem:$0x3FB1]  }
0x39: {  	_ = 	snop;
	(pc) =	sbr.ind lr, $3  }
0x3a: {  	_ = 	snop  }
0x3b: {  	_ = 	snop  }
0x3c: {  	p2 =	seq.s32 s10, $0x1;
	s10 =	sld [smem:$0x3FB0]  }
0x3d: {  	_ =	shalt  }
0x3e: {  	_ =	shalt  }
0x3f: {  	_ =	shalt  }
0x40: {  	_ =	shalt  }
0x41: {  	_ =	shalt  }
0x42: {  	_ =	shalt  }
0x43: {  	_ =	shalt  }
0x44: {  	_ =	shalt  }
0x45: {  	_ =	shalt  }
0x46: {  	_ =	shalt  }
0x47: {  	_ =	shalt  }
0x48: {  	_ =	shalt  }
0x49: {  	_ =	shalt  }
0x4a: {  	_ =	shalt  }
0x4b: {  	_ =	shalt  }
0x4c: {  	_ =	shalt  }
0x4d: {  	_ =	shalt  }
0x4e: {  	_ =	shalt  }
0x4f: {  	_ =	shalt  }
0x50: {  	_ =	shalt  }
0x51: {  	_ =	shalt  }
0x52: {  	_ =	shalt  }
0x53: {  	_ =	shalt  }
0x54: {  	_ =	shalt  }
0x55: {  	_ =	shalt  }
0x56: {  	_ =	shalt  }
0x57: {  	_ =	shalt  }
0x58: {  	_ =	shalt  }
0x59: {  	_ =	shalt  }
0x5a: {  	_ =	shalt  }
0x5b: {  	_ =	shalt  }
0x5c: {  	_ =	shalt  }
0x5d: {  	_ =	shalt  }
0x5e: {  	_ =	shalt  }
0x5f: {  	_ =	shalt  }
0x60: {  	_ =	shalt  }
0x61: {  	_ =	shalt  }
0x62: {  	_ =	shalt  }
0x63: {  	_ =	shalt  }
0x64: {  	_ =	shalt  }
0x65: {  	_ =	shalt  }
0x66: {  	_ =	shalt  }
0x67: {  	_ =	shalt  }
0x68: {  	_ =	shalt  }
0x69: {  	_ =	shalt  }
0x6a: {  	_ =	shalt  }
0x6b: {  	_ =	shalt  }
0x6c: {  	_ =	shalt  }
0x6d: {  	_ =	shalt  }
0x6e: {  	_ =	shalt  }
0x6f: {  	_ =	shalt  }
0x70: {  	_ =	shalt  }
0x71: {  	_ =	shalt  }
0x72: {  	_ =	shalt  }
0x73: {  	_ =	shalt  }
0x74: {  	_ =	shalt  }
0x75: {  	_ =	shalt  }
0x76: {  	_ =	shalt  }
0x77: {  	_ =	shalt  }
0x78: {  	_ =	shalt  }
0x79: {  	_ =	shalt  }
0x7a: {  	_ =	shalt  }
0x7b: {  	_ =	shalt  }
0x7c: {  	_ =	shalt  }
0x7d: {  	_ =	shalt  }
0x7e: {  	_ =	shalt  }
0x7f: {  	_ =	shalt  }
0x80: {  	_ =	shalt  }
0x81: {  	_ =	shalt  }
0x82: {  	_ =	shalt  }
0x83: {  	_ =	shalt  }
0x84: {  	_ =	shalt  }
0x85: {  	_ =	shalt  }
0x86: {  	_ =	shalt  }
0x87: {  	_ =	shalt  }
.Lfunc_end0:
.L_simem_size_0:
called_computation.3_lowered:
.L_overlay_start_0:
0x88: {  	s2 =	sld [smem:$0x3FD9]  }
0x89: {  	s3 =	sld [smem:$0x3FFE];
	_ =	sdelay $0x1  }
0x8a: {  	s1 =	srdreg.scid  }
0x8b: {  	s0 =	sand.u32 $0x1, s1  }
0x8c: {  	s16 =	sshll.u32 s0, $0xA;
	s2 =	sadd.s32 s3, s2  }
0x8d: {  	s2 =	sadd.s32 s2, s16  }
0x8e: {  	[smem:$0x3FBC] =	sst s2  }
0x8f: {  	_ = 	snop  }
0x90: {  	(tm) =	ssettm $0x1  }
0x91: {  	s17 =	sld [smem:$0x3FFB];
	_ =	sdelay $0x3  }
0x92: {  	_ =	strace s17  }
0x93: {  	s2 =	sld [smem:$0x3FFC];
	_ =	sdelay $0x3  }
0x94: {  	_ =	strace s2  }
0x95: {  	s2 =	sld [smem:$0x3FFD];
	_ =	sdelay $0x3  }
0x96: {  	_ =	strace s2  }
0x97: {  	_ =	strace $0x8FFFFFFF  }
0x98: {  	s18 =	sld [smem:$0x3FDB];
	_ =	sdelay $0x1  }
0x99: {  	s19 =	simm.s32 $_scs_section_size  }
0x9a: {  	s4 =	simm.s32 $_size__tile_overlayer_lowered;
	s5 =	simm.s32 $_tile_overlayer_lowered  }
0x9b: {  	s22 =	simm.s32 $0x1BFF;
	s21 =	sshll.u32 s5, $0x1;
	s2 =	sadd.s32 s19, s18  }
0x9c: {  	s6 =	simm.s32 $0x0;
	s20 =	sshll.u32 s4, $0x1;
	s4 =	sadd.s32 s21, s2  }
0x9d: {  	[timem:s6], [sflag:s22] =	dma.local [hbm:s4], s20  }
0x9e: {  	_ =	swait.ge [sflag:s22], s20  }
0x9f: {  	s3 =	ssub.s32 $0x0, s20;
	[sflag:s22] =	ssyncset.done $0x0  }
0xa0: {  	[sflag:s22] =	ssyncadd.s32 s3;
	_ =	sdelay $0x1  }
0xa1: {  	s23 =	simm.s32 $0x1B8B  }
0xa2: {  	_ =	swait.ge [sflag:s23], $0x1  }
0xa3: {  	[sflag:s23] =	ssyncset.done $0x0  }
0xa4: {  	s25 =	simm.s32 $0x1B8E;
	s24 =	sld [smem:$0x3FFE];
	[sflag:s23] =	ssyncadd.s32 $0xFFFFFFFF  }
0xa5: {  	s26 =	simm.s32 $execute0_lowered;
	[smem:$0x3FD2] =	sst s25  }
0xa6: {  	s4 =	sshll.u32 s26, $0x1;
	_ =	strace $0x8000004F;
	[dreg:$0x1] =	wrdreg $0xFFFFFFFF  }
0xa7: {  	s28 =	simm.s32 $_size_execute0_lowered;
	s2 =	sadd.s32 s2, s4;
	[dreg:$0x0] =	wrdreg $0x0  }
0xa8: {  	s4 =	sshll.u32 s28, $0x1;
	[dreg:$0x2] =	wrdreg s2  }
0xa9: {  	[dreg:$0x3] =	wrdreg s4  }
0xaa: {  	[dreg:$0x4] =	wrdreg $0xC0  }
0xab: {  	_ =	task [dreg:s6], $0x5FFFF  }
0xac: {  	[dreg:$0x1] =	wrdreg $0xFFFFFFFF  }
0xad: {  	[dreg:$0x0] =	wrdreg $0x60  }
0xae: {  	[dreg:$0x2] =	wrdreg s24  }
0xaf: {  	[dreg:$0x3] =	wrdreg $0x0  }
0xb0: {  	[dreg:$0x4] =	wrdreg $0x9  }
0xb1: {  	_ =	task.clear_ibuf [dreg:s6], $0x5FFFF;
	_ =	strace $0x9000004F  }
0xb2: {  	s29 =	simm.s32 $0x9;
	_ =	strace $0x80000051  }
0xb3: {  	_ =	swait.ge [sflag:s29], $0x1  }
0xb4: {  	[sflag:s29] =	ssyncadd.s32 $0xFFFFFFFF  }
0xb5: {  	_ =	strace $0x90000051  }
0xb6: {  	_ =	sfence  }
0xb7: {  	s30 =	sld [smem:$0x0];
	_ =	sdelay $0x2  }
0xb8: {  	s31 =	sshll.u32 s1, $0xD;
	s1 =	sshrl.u32 s1, $0x2  }
0xb9: {  	s3 =	sand.u32 $0x4000, s31;
	s1 =	sadd.s32 s1, s30  }
0xba: {  	s0 =	sor.u32 s3, s0;
	s1 =	sshll.u32 s1, $0x11  }
0xbb: {  	s0 =	sor.u32 s1, s0  }
0xbc: {  	s0 =	sadd.s32 $0x8F2B, s0  }
0xbd: {  	[sflag:s0] =	ssyncadd.remote.s32 $0x1  }
0xbe: {  	_ =	sfence.sel $0xFFFF  }
0xbf: {  	[dreg:$0x0] =	wrdreg $0xFFFFFFFF;
	(pc) =	sbr.abs _section_cstart, $3  }
0xc0: {  	[dreg:$0x1] =	wrdreg $0xFFFFFFFF  }
0xc1: {  	_ =	task.clear_ibuf [dreg:s6], $0x2FFFF;
	_ =	strace $0x9FFFFFFF  }
0xc2: {  	(tm) =	ssettm $0x7FFFFFFF  }
0xc3: {  	_ =	shalt  }
tec
execute0_lowered:
.L_overlay_start_1:
0x0: {  	(tag) =	ssettag $0x1  }
0x1: {  	s0 =	srdreg.scid  }
0x2: {  	s12 =	stileid.u32;
	s5 =	rddreg [dreg:$0x0]  }
0x3: {  	s2 =	rddreg [dreg:$0x1];
	s3 =	simm.s32 $0x0;
	s28 =	simm.s32 $0x50  }
0x4: {  	s29 =	simm.s32 $0x16900;
	s30 =	simm.s32 $0x16800;
	s7 =	smul.u32 $0x14000, s12  }
0x5: {  	s31 =	simm.s32 $0x1;
	s0 =	sand.u32 $0x1, s0;
	s11 =	smul.u32 $0x50000, s12  }
0x6: {  	[smem:$0x7FF] =	sst s3;
	s4 =	sadd.s32 $0x16800, s5;
	s21 =	smul.u32 $0x2710, s12  }
0x7: {  	s10 =	sadd.s32 $0xCA00, s5;
	s1 =	sshll.u32 s0, $0x4;
	s6 =	smul.u32 $0x140000, s0  }
0x8: {  	_ =	strace $0x80000050;
	s26 =	ssub.s32 $0x2, s0;
	s0 =	smul.u32 $0x27100, s0  }
0x9: {  	s1 =	sor.u32 s12, s1;
	s9 =	sshrl.u32 s26, $0x1;
	s15 =	sshrl.u32 s11, $0x2  }
0xa: {  	s11 =	simm.s32 $0x5;
	s6 =	sadd.s32 s7, s6;
	s7 =	ssub.s32 s26, s9  }
0xb: {  	s12 =	simm.s32 $0x6;
	s9 =	sadd.s32 s15, s2;
	s16 =	smax.u32 s7, $0x1  }
0xc: {  	s1 =	smul.u32 $0x2710, s1;
	s17 =	sadd.s32 $0x2800, s9;
	[dreg:$0x6] =	wrdreg s16  }
0xd: {  	s0 =	sadd.s32 s21, s0;
	s18 =	sadd.s32 $0x5000, s9;
	[dreg:$0x7] =	wrdreg s17  }
0xe: {  	s6 =	sshrl.u32 s6, $0x3;
	s19 =	sadd.s32 $0x7800, s9;
	[dreg:$0x8] =	wrdreg s18  }
0xf: {  	s20 =	sadd.s32 $0xA000, s9;
	s22 =	sadd.s32 $0xC800, s9;
	[dreg:$0x9] =	wrdreg s19  }
0x10: {  	s23 =	sadd.s32 $0xF000, s9;
	s24 =	sadd.s32 $0x11800, s9;
	[dreg:$0xa] =	wrdreg s20  }
0x11: {  	s26 =	sadd.s32 $0x1E0, s0;
	s7 =	simm.s32 $0x2;
	[dreg:$0xb] =	wrdreg s22  }
0x12: {  	s1 =	sshrl.u32 s1, $0x3;
	s6 =	sadd.s32 s6, s5;
	[dreg:$0xc] =	wrdreg s23  }
0x13: {  	[dreg:$0xd] =	wrdreg s24;
	s24 =	simm.s32 $0x14000;
	s8 =	sadd.s32 s1, s5  }
0x14: {  	s5 =	sadd.s32 s10, s1;
	s6 =	sadd.s32 $0x3DA00, s6;
	s1 =	sadd.s32 $0x230, s0  }
0x15: {  	s0 =	sadd.s32 $0x190, s0;
	s13 =	sadd.s32 $0x2C00, s8;
	s14 =	sadd.s32 $0xA, s5  }
0x16: {  	[dreg:$0x5] =	wrdreg s6;
	s25 =	sadd.s32 $0x14, s5;
	s19 =	sadd.s32 $0x1E, s5  }
0x17: {  	s20 =	sadd.s32 $0x28, s5;
	s1 =	sshrl.u32 s1, $0x3;
	[dreg:$0x3] =	wrdreg s13  }
0x18: {  	s6 =	sshrl.u32 s26, $0x3;
	s0 =	sshrl.u32 s0, $0x3;
	[dreg:$0x4] =	wrdreg s14  }
0x19: {  	s26 =	simm.s32 $0x16780;
	s8 =	simm.s32 $0x4;
	[dreg:$0xe] =	wrdreg s25  }
0x1a: {  	s21 =	sadd.s32 s1, s10;
	s22 =	sadd.s32 s6, s10;
	s23 =	sadd.s32 s0, s10  }
0x1b: {  	s25 =	simm.s32 $0x7;
	s1 =	simm.s32 $0x19100;
	s0 =	simm.s32 $0x1B900  }
0x1c: {  	v0 =	vimm.f32 $0.0e+00;
	s6 =	simm.s32 $0x16880;
	s10 =	simm.s32 $0x3;
	s13 =	simm.s32 $0x0  }
.LBB2_1:
0x1d: {  	s14 =	simm.s32 $0x0;
	s15 =	simm.s32 $0x200  }
.LBB2_2:
0x1e: {  	p0 =	sne.s32 s15, $0x9E00;
	[tilespmem:s14+$0x1B970] =	vst v0  }
0x1f: {  	[tilespmem:s14+$0x1B900] =	vst v0  }
0x20: {  	[tilespmem:s14+$0x1B910] =	vst v0  }
.Ltmp0:
0x21: {  	[tilespmem:s14+$0x1B920] =	vst v0;
	(pc) =	sbr.rel @p0 .LBB2_2-.Ltmp0, $4  }
0x22: {  	[tilespmem:s14+$0x1B930] =	vst v0  }
0x23: {  	[tilespmem:s14+$0x1B940] =	vst v0  }
0x24: {  	[tilespmem:s14+$0x1B950] =	vst v0  }
0x25: {  	[tilespmem:s14+$0x1B960] =	vst v0;
	s14 =	sshra.s32 s15, $0x2;
	s15 =	sadd.s32 $0x200, s15  }
0x26: {  	[tilespmem:s14+$0x1B970] =	vst v0  }
0x27: {  	[tilespmem:s14+$0x1B900] =	vst v0  }
0x28: {  	[tilespmem:s14+$0x1B910] =	vst v0  }
0x29: {  	[tilespmem:s14+$0x1B920] =	vst v0  }
0x2a: {  	[tilespmem:s14+$0x1B930] =	vst v0  }
0x2b: {  	[tilespmem:s14+$0x1B940] =	vst v0  }
0x2c: {  	[tilespmem:s14+$0x1B950] =	vst v0  }
0x2d: {  	[tilespmem:s14+$0x1B960] =	vst v0;
	s14 =	simm.s32 $0x0;
	s15 =	rddreg [dreg:$0x3]  }
0x2e: {  	[tilespmem:s24], [sflag:$0x7] =	stream.linear.gather [hbm4b:s15+s14], $0x2710, $0x38;
	[tilespmem:$0x1E100] =	vst v63  }
0x2f: {  	_ =	swait.ge [sflag:s25], $0x2710  }
0x30: {  	[sflag:s25] =	ssyncset.done $0x0  }
0x31: {  	[sflag:s25] =	ssyncadd.s32 $0xFFFFD8F0  }
0x32: {  	[tilespmem:s26], [sflag:$0x1] =	stream.linear.gather [hbm4b:s5+s14], $0x50, $0x38;
	[tilespmem:$0x1E100] =	vst v63  }
0x33: {  	_ = 	snop  }
0x34: {  	[tilespmem:s29], [sflag:$0x1] =	stream.indirect.gather [hbm4b:s4+s28], $0x80, s24, s28, $0xb8;
	[tilespmem:$0x1E100] =	vst v63  }
0x35: {  	s17 =	rddreg [dreg:$0x4]  }
0x36: {  	[tilespmem:s30], [sflag:$0x2] =	stream.linear.gather [hbm4b:s17+s14], $0x50, $0x38;
	[tilespmem:$0x1E100] =	vst v63  }
0x37: {  	s18 =	simm.s32 $0x14050  }
0x38: {  	[tilespmem:s1], [sflag:$0x2] =	stream.indirect.gather [hbm4b:s4+s28], $0x80, s18, s28, $0xb8;
	[tilespmem:$0x1E100] =	vst v63  }
0x39: {  	_ = 	snop  }
0x3a: {  	[spmem:s9] =	stream.linear.scatter [tilespmem:s0], [sflag:$0x7], $0x2800, $0x38;
	[tilespmem:$0x1E100] =	vst v63  }
0x3b: {  	_ =	swait.ge [sflag:s25], $0x2800  }
0x3c: {  	[sflag:s25] =	ssyncset.done $0x0  }
0x3d: {  	s16 =	rddreg [dreg:$0x7];
	[sflag:s25] =	ssyncadd.s32 $0xFFFFD800  }
0x3e: {  	[spmem:s16] =	stream.linear.scatter [tilespmem:s0], [sflag:$0x7], $0x2800, $0x38;
	[tilespmem:$0x1E100] =	vst v63  }
0x3f: {  	_ =	swait.ge [sflag:s25], $0x2800  }
0x40: {  	[sflag:s25] =	ssyncset.done $0x0  }
0x41: {  	s17 =	rddreg [dreg:$0x8];
	[sflag:s25] =	ssyncadd.s32 $0xFFFFD800  }
0x42: {  	[spmem:s17] =	stream.linear.scatter [tilespmem:s0], [sflag:$0x7], $0x2800, $0x38;
	[tilespmem:$0x1E100] =	vst v63  }
0x43: {  	_ =	swait.ge [sflag:s25], $0x2800  }
0x44: {  	[sflag:s25] =	ssyncset.done $0x0  }
0x45: {  	s18 =	rddreg [dreg:$0x9];
	[sflag:s25] =	ssyncadd.s32 $0xFFFFD800  }
0x46: {  	[spmem:s18] =	stream.linear.scatter [tilespmem:s0], [sflag:$0x7], $0x2800, $0x38;
	[tilespmem:$0x1E100] =	vst v63  }
0x47: {  	_ =	swait.ge [sflag:s25], $0x2800  }
0x48: {  	[sflag:s25] =	ssyncset.done $0x0  }
0x49: {  	s16 =	rddreg [dreg:$0xa];
	[sflag:s25] =	ssyncadd.s32 $0xFFFFD800  }
0x4a: {  	[spmem:s16] =	stream.linear.scatter [tilespmem:s0], [sflag:$0x7], $0x2800, $0x38;
	[tilespmem:$0x1E100] =	vst v63  }
0x4b: {  	_ =	swait.ge [sflag:s25], $0x2800  }
0x4c: {  	[sflag:s25] =	ssyncset.done $0x0  }
0x4d: {  	s17 =	rddreg [dreg:$0xb];
	[sflag:s25] =	ssyncadd.s32 $0xFFFFD800  }
0x4e: {  	[spmem:s17] =	stream.linear.scatter [tilespmem:s0], [sflag:$0x7], $0x2800, $0x38;
	[tilespmem:$0x1E100] =	vst v63  }
0x4f: {  	_ =	swait.ge [sflag:s25], $0x2800  }
0x50: {  	[sflag:s25] =	ssyncset.done $0x0  }
0x51: {  	s18 =	rddreg [dreg:$0xc];
	[sflag:s25] =	ssyncadd.s32 $0xFFFFD800  }
0x52: {  	[spmem:s18] =	stream.linear.scatter [tilespmem:s0], [sflag:$0x7], $0x2800, $0x38;
	[tilespmem:$0x1E100] =	vst v63  }
0x53: {  	_ =	swait.ge [sflag:s25], $0x2800  }
0x54: {  	[sflag:s25] =	ssyncset.done $0x0  }
0x55: {  	s16 =	rddreg [dreg:$0xd];
	[sflag:s25] =	ssyncadd.s32 $0xFFFFD800  }
0x56: {  	[spmem:s16] =	stream.linear.scatter [tilespmem:s0], [sflag:$0x7], $0x2800, $0x38;
	[tilespmem:$0x1E100] =	vst v63  }
0x57: {  	_ =	swait.ge [sflag:s25], $0x2800  }
0x58: {  	[sflag:s25] =	ssyncset.done $0x0  }
0x59: {  	[sflag:s25] =	ssyncadd.s32 $0xFFFFD800  }
0x5a: {  	[bflag:$0x0] =	sbarrier.arrive $0xFFFF  }
0x5b: {  	_ =	swait.ge [sflag:s31], $0x50  }
0x5c: {  	[sflag:s31] =	ssyncset.done $0x0  }
0x5d: {  	[sflag:s31] =	ssyncadd.s32 $0xFFFFFFB0  }
0x5e: {  	_ =	swait.ge [sflag:s31], $0x2800  }
0x5f: {  	[sflag:s31] =	ssyncset.done $0x0  }
0x60: {  	[sflag:s31] =	ssyncadd.s32 $0xFFFFD800  }
0x61: {  	[spmem:s2] =	stream.indirect.scatter.add.f32 [tilespmem:s29], [sflag:$0x4], $0x80, s26, s28, $0xb8;
	[tilespmem:$0x1E100] =	vst v63  }
0x62: {  	s17 =	rddreg [dreg:$0xe]  }
0x63: {  	[tilespmem:s6], [sflag:$0x3] =	stream.linear.gather [hbm4b:s17+s14], $0x50, $0x38;
	[tilespmem:$0x1E100] =	vst v63  }
0x64: {  	s18 =	simm.s32 $0x140A0  }
0x65: {  	[tilespmem:s0], [sflag:$0x3] =	stream.indirect.gather [hbm4b:s4+s28], $0x80, s18, s28, $0xb8;
	[tilespmem:$0x1E100] =	vst v63  }
0x66: {  	_ =	swait.ge [sflag:s7], $0x50  }
0x67: {  	[sflag:s7] =	ssyncset.done $0x0  }
0x68: {  	[sflag:s7] =	ssyncadd.s32 $0xFFFFFFB0  }
0x69: {  	_ =	swait.ge [sflag:s7], $0x2800  }
0x6a: {  	[sflag:s7] =	ssyncset.done $0x0  }
0x6b: {  	[sflag:s7] =	ssyncadd.s32 $0xFFFFD800  }
0x6c: {  	[spmem:s2] =	stream.indirect.scatter.add.f32 [tilespmem:s1], [sflag:$0x5], $0x80, s30, s28, $0xb8;
	[tilespmem:$0x1E100] =	vst v63  }
0x6d: {  	_ =	swait.ge [sflag:s8], $0x2800  }
0x6e: {  	[sflag:s8] =	ssyncset.done $0x0  }
0x6f: {  	[sflag:s8] =	ssyncadd.s32 $0xFFFFD800  }
0x70: {  	[tilespmem:s26], [sflag:$0x1] =	stream.linear.gather [hbm4b:s19+s14], $0x50, $0x38;
	[tilespmem:$0x1E100] =	vst v63  }
0x71: {  	s16 =	simm.s32 $0x140F0  }
0x72: {  	[tilespmem:s29], [sflag:$0x1] =	stream.indirect.gather [hbm4b:s4+s28], $0x80, s16, s28, $0xb8;
	[tilespmem:$0x1E100] =	vst v63  }
0x73: {  	_ =	swait.ge [sflag:s10], $0x50  }
0x74: {  	[sflag:s10] =	ssyncset.done $0x0  }
0x75: {  	[sflag:s10] =	ssyncadd.s32 $0xFFFFFFB0  }
0x76: {  	_ =	swait.ge [sflag:s10], $0x2800  }
0x77: {  	[sflag:s10] =	ssyncset.done $0x0  }
0x78: {  	[sflag:s10] =	ssyncadd.s32 $0xFFFFD800  }
0x79: {  	[spmem:s2] =	stream.indirect.scatter.add.f32 [tilespmem:s0], [sflag:$0x6], $0x80, s6, s28, $0xb8;
	[tilespmem:$0x1E100] =	vst v63  }
0x7a: {  	_ =	swait.ge [sflag:s11], $0x2800  }
0x7b: {  	[sflag:s11] =	ssyncset.done $0x0  }
0x7c: {  	[sflag:s11] =	ssyncadd.s32 $0xFFFFD800  }
0x7d: {  	[tilespmem:s30], [sflag:$0x2] =	stream.linear.gather [hbm4b:s20+s14], $0x50, $0x38;
	[tilespmem:$0x1E100] =	vst v63  }
0x7e: {  	s17 =	simm.s32 $0x14140  }
0x7f: {  	[tilespmem:s1], [sflag:$0x2] =	stream.indirect.gather [hbm4b:s4+s28], $0x80, s17, s28, $0xb8;
	[tilespmem:$0x1E100] =	vst v63  }
0x80: {  	_ =	swait.ge [sflag:s31], $0x50  }
0x81: {  	[sflag:s31] =	ssyncset.done $0x0  }
0x82: {  	[sflag:s31] =	ssyncadd.s32 $0xFFFFFFB0  }
0x83: {  	_ =	swait.ge [sflag:s31], $0x2800  }
0x84: {  	[sflag:s31] =	ssyncset.done $0x0  }
0x85: {  	[sflag:s31] =	ssyncadd.s32 $0xFFFFD800  }
0x86: {  	[spmem:s2] =	stream.indirect.scatter.add.f32 [tilespmem:s29], [sflag:$0x4], $0x80, s26, s28, $0xb8;
	[tilespmem:$0x1E100] =	vst v63  }
0x87: {  	_ =	swait.ge [sflag:s12], $0x2800  }
0x88: {  	[sflag:s12] =	ssyncset.done $0x0  }
0x89: {  	s18 =	sadd.s32 $0x0, s23;
	[sflag:s12] =	ssyncadd.s32 $0xFFFFD800  }
0x8a: {  	[tilespmem:s6], [sflag:$0x3] =	stream.linear.gather [hbm4b:s18+s3], $0x50, $0x38;
	[tilespmem:$0x1E100] =	vst v63  }
0x8b: {  	s15 =	simm.s32 $0x14190  }
0x8c: {  	[tilespmem:s0], [sflag:$0x3] =	stream.indirect.gather [hbm4b:s4+s28], $0x80, s15, s28, $0xb8;
	[tilespmem:$0x1E100] =	vst v63  }
0x8d: {  	_ =	swait.ge [sflag:s7], $0x50  }
0x8e: {  	[sflag:s7] =	ssyncset.done $0x0  }
0x8f: {  	[sflag:s7] =	ssyncadd.s32 $0xFFFFFFB0  }
0x90: {  	_ =	swait.ge [sflag:s7], $0x2800  }
0x91: {  	[sflag:s7] =	ssyncset.done $0x0  }
0x92: {  	[sflag:s7] =	ssyncadd.s32 $0xFFFFD800  }
0x93: {  	[spmem:s2] =	stream.indirect.scatter.add.f32 [tilespmem:s1], [sflag:$0x5], $0x80, s30, s28, $0xb8;
	[tilespmem:$0x1E100] =	vst v63  }
0x94: {  	_ =	swait.ge [sflag:s8], $0x2800  }
0x95: {  	[sflag:s8] =	ssyncset.done $0x0  }
0x96: {  	s16 =	sadd.s32 $0x0, s22;
	[sflag:s8] =	ssyncadd.s32 $0xFFFFD800  }
0x97: {  	[tilespmem:s26], [sflag:$0x1] =	stream.linear.gather [hbm4b:s16+s3], $0x50, $0x38;
	[tilespmem:$0x1E100] =	vst v63  }
0x98: {  	s17 =	simm.s32 $0x141E0  }
0x99: {  	[tilespmem:s29], [sflag:$0x1] =	stream.indirect.gather [hbm4b:s4+s28], $0x80, s17, s28, $0xb8;
	[tilespmem:$0x1E100] =	vst v63  }
0x9a: {  	_ =	swait.ge [sflag:s10], $0x50  }
0x9b: {  	[sflag:s10] =	ssyncset.done $0x0  }
0x9c: {  	[sflag:s10] =	ssyncadd.s32 $0xFFFFFFB0  }
0x9d: {  	_ =	swait.ge [sflag:s10], $0x2800  }
0x9e: {  	[sflag:s10] =	ssyncset.done $0x0  }
0x9f: {  	[sflag:s10] =	ssyncadd.s32 $0xFFFFD800  }
0xa0: {  	[spmem:s2] =	stream.indirect.scatter.add.f32 [tilespmem:s0], [sflag:$0x6], $0x80, s6, s28, $0xb8;
	[tilespmem:$0x1E100] =	vst v63  }
0xa1: {  	_ =	swait.ge [sflag:s11], $0x2800  }
0xa2: {  	s14 =	simm.s32 $0x14230;
	s18 =	sadd.s32 $0x0, s21;
	[sflag:s11] =	ssyncset.done $0x0  }
0xa3: {  	s15 =	simm.s32 $0x1E;
	s16 =	simm.s32 $0x14320;
	[sflag:s11] =	ssyncadd.s32 $0xFFFFD800  }
0xa4: {  	[tilespmem:s30], [sflag:$0x2] =	stream.linear.gather [hbm4b:s18+s3], $0x50, $0x38;
	[tilespmem:$0x1E100] =	vst v63  }
.LBB2_4:
0xa5: {  	[tilespmem:s1], [sflag:$0x2] =	stream.indirect.gather [hbm4b:s4+s28], $0x80, s14, s28, $0xb8;
	[tilespmem:$0x1E100] =	vst v63  }
0xa6: {  	s17 =	smov.u32 s15;
	s14 =	smov.u32 s16  }
0xa7: {  	p0 =	sne.s32 s15, $0x492;
	s15 =	sadd.s32 $0x1E, s15;
	_ =	swait.ge [sflag:s31], $0x50  }
0xa8: {  	[sflag:s31] =	ssyncset.done $0x0  }
0xa9: {  	[sflag:s31] =	ssyncadd.s32 $0xFFFFFFB0  }
0xaa: {  	_ =	swait.ge [sflag:s31], $0x2800  }
0xab: {  	[sflag:s31] =	ssyncset.done $0x0  }
0xac: {  	[sflag:s31] =	ssyncadd.s32 $0xFFFFD800  }
0xad: {  	[spmem:s2] =	stream.indirect.scatter.add.f32 [tilespmem:s29], [sflag:$0x4], $0x80, s26, s28, $0xb8;
	[tilespmem:$0x1E100] =	vst v63  }
0xae: {  	_ =	swait.ge [sflag:s12], $0x2800  }
0xaf: {  	[sflag:s12] =	ssyncset.done $0x0  }
0xb0: {  	s18 =	sadd.s32 s17, s23;
	[sflag:s12] =	ssyncadd.s32 $0xFFFFD800  }
0xb1: {  	[tilespmem:s6], [sflag:$0x3] =	stream.linear.gather [hbm4b:s18+s3], $0x50, $0x38;
	[tilespmem:$0x1E100] =	vst v63  }
0xb2: {  	s18 =	sadd.s32 $0xFFFFFF60, s16  }
0xb3: {  	[tilespmem:s0], [sflag:$0x3] =	stream.indirect.gather [hbm4b:s4+s28], $0x80, s18, s28, $0xb8;
	[tilespmem:$0x1E100] =	vst v63  }
0xb4: {  	_ =	swait.ge [sflag:s7], $0x50  }
0xb5: {  	[sflag:s7] =	ssyncset.done $0x0  }
0xb6: {  	[sflag:s7] =	ssyncadd.s32 $0xFFFFFFB0  }
0xb7: {  	_ =	swait.ge [sflag:s7], $0x2800  }
0xb8: {  	[sflag:s7] =	ssyncset.done $0x0  }
0xb9: {  	[sflag:s7] =	ssyncadd.s32 $0xFFFFD800  }
0xba: {  	[spmem:s2] =	stream.indirect.scatter.add.f32 [tilespmem:s1], [sflag:$0x5], $0x80, s30, s28, $0xb8;
	[tilespmem:$0x1E100] =	vst v63  }
0xbb: {  	_ =	swait.ge [sflag:s8], $0x2800  }
0xbc: {  	[sflag:s8] =	ssyncset.done $0x0  }
0xbd: {  	s18 =	sadd.s32 s17, s22;
	[sflag:s8] =	ssyncadd.s32 $0xFFFFD800  }
0xbe: {  	[tilespmem:s26], [sflag:$0x1] =	stream.linear.gather [hbm4b:s18+s3], $0x50, $0x38;
	[tilespmem:$0x1E100] =	vst v63  }
0xbf: {  	s18 =	sadd.s32 $0xFFFFFFB0, s16  }
0xc0: {  	[tilespmem:s29], [sflag:$0x1] =	stream.indirect.gather [hbm4b:s4+s28], $0x80, s18, s28, $0xb8;
	[tilespmem:$0x1E100] =	vst v63  }
0xc1: {  	_ =	swait.ge [sflag:s10], $0x50  }
0xc2: {  	[sflag:s10] =	ssyncset.done $0x0  }
0xc3: {  	[sflag:s10] =	ssyncadd.s32 $0xFFFFFFB0  }
0xc4: {  	_ =	swait.ge [sflag:s10], $0x2800  }
0xc5: {  	[sflag:s10] =	ssyncset.done $0x0  }
0xc6: {  	[sflag:s10] =	ssyncadd.s32 $0xFFFFD800  }
0xc7: {  	[spmem:s2] =	stream.indirect.scatter.add.f32 [tilespmem:s0], [sflag:$0x6], $0x80, s6, s28, $0xb8;
	[tilespmem:$0x1E100] =	vst v63  }
.Ltmp1:
0xc8: {  	_ =	swait.ge [sflag:s11], $0x2800;
	(pc) =	sbr.rel @p0 .LBB2_4-.Ltmp1, $4  }
0xc9: {  	[sflag:s11] =	ssyncset.done $0x0  }
0xca: {  	s17 =	sadd.s32 s17, s21;
	[sflag:s11] =	ssyncadd.s32 $0xFFFFD800  }
0xcb: {  	[tilespmem:s30], [sflag:$0x2] =	stream.linear.gather [hbm4b:s17+s3], $0x50, $0x38;
	[tilespmem:$0x1E100] =	vst v63  }
0xcc: {  	s16 =	sadd.s32 $0xF0, s16  }
0xcd: {  	[tilespmem:s1], [sflag:$0x2] =	stream.indirect.gather [hbm4b:s4+s28], $0x80, s14, s28, $0xb8;
	[tilespmem:$0x1E100] =	vst v63  }
0xce: {  	_ =	swait.ge [sflag:s31], $0x50  }
0xcf: {  	[sflag:s31] =	ssyncset.done $0x0  }
0xd0: {  	[sflag:s31] =	ssyncadd.s32 $0xFFFFFFB0  }
0xd1: {  	_ =	swait.ge [sflag:s31], $0x2800  }
0xd2: {  	[sflag:s31] =	ssyncset.done $0x0  }
0xd3: {  	[sflag:s31] =	ssyncadd.s32 $0xFFFFD800  }
0xd4: {  	[spmem:s2] =	stream.indirect.scatter.add.f32 [tilespmem:s29], [sflag:$0x4], $0x80, s26, s28, $0xb8;
	[tilespmem:$0x1E100] =	vst v63  }
0xd5: {  	_ =	swait.ge [sflag:s12], $0x2800  }
0xd6: {  	[sflag:s12] =	ssyncset.done $0x0  }
0xd7: {  	[sflag:s12] =	ssyncadd.s32 $0xFFFFD800  }
0xd8: {  	_ =	swait.ge [sflag:s7], $0x50  }
0xd9: {  	[sflag:s7] =	ssyncset.done $0x0  }
0xda: {  	[sflag:s7] =	ssyncadd.s32 $0xFFFFFFB0  }
0xdb: {  	_ =	swait.ge [sflag:s7], $0x2800  }
0xdc: {  	[sflag:s7] =	ssyncset.done $0x0  }
0xdd: {  	[sflag:s7] =	ssyncadd.s32 $0xFFFFD800  }
0xde: {  	[spmem:s2] =	stream.indirect.scatter.add.f32 [tilespmem:s1], [sflag:$0x5], $0x80, s30, s28, $0xb8;
	[tilespmem:$0x1E100] =	vst v63  }
0xdf: {  	_ =	swait.ge [sflag:s8], $0x2800  }
0xe0: {  	[sflag:s8] =	ssyncset.done $0x0  }
0xe1: {  	[sflag:s8] =	ssyncadd.s32 $0xFFFFD800  }
0xe2: {  	_ =	swait.ge [sflag:s11], $0x2800  }
0xe3: {  	[sflag:s11] =	ssyncset.done $0x0  }
0xe4: {  	s17 =	stileid.u32;
	[sflag:s11] =	ssyncadd.s32 $0xFFFFD800  }
0xe5: {  	s14 =	sshll.u32 s17, $0x6;
	[bflag:$0x0] =	sbarrier.arrive $0xFFFF  }
0xe6: {  	s15 =	sshrl.u32 s9, $0x3;
	s14 =	sor.u32 $0x1C07, s14;
	s16 =	rddreg [dreg:$0x5]  }
0xe7: {  	[hbm:s16], [sflag:s14] =	dma.local [spmem:s15], $0x2800  }
0xe8: {  	_ =	swait.ge [sflag:s25], $0x2800  }
0xe9: {  	s13 =	sadd.s32 $0x1, s13;
	s18 =	rddreg [dreg:$0x6]  }
0xea: {  	p0 =	sne.s32 s13, s18  }
.Ltmp2:
0xeb: {  	_ = 	snop;
	(pc) =	sbr.rel @p0 .LBB2_1-.Ltmp2, $3  }
0xec: {  	_ =	sdelay $0x1  }
0xed: {  	[sflag:s25] =	ssyncset.done $0x0  }
0xee: {  	[sflag:s25] =	ssyncadd.s32 $0xFFFFD800  }
0xef: {  	_ =	sfence.sel $0x180000  }
0xf0: {  	[bflag:$0x0] =	sbarrier.arrive $0xFFFF  }
0xf1: {  	_ =	strace $0x90000050  }
0xf2: {  	s0 =	stileid.u32;
	[bflag:$0x2] =	sbarrier.arrive $0xFFFF  }
0xf3: {  	p0 =	sne.s32 s0, $0x0;
	s0 =	rddreg [dreg:$0x2]  }
0xf4: {  	s0 =	sadd.s32 @!p0 $0x100000, s0  }
0xf5: {  	[sflag:s0] =	ssyncadd.tile.s32 @!p0 $0x1;
	_ =	shalt  }
.Lfunc_end2:
_tile_overlayer_lowered:
.L_overlay_start_2:
0xf6: {  	(tag) =	ssettag $0x2  }
0xf7: {  	s0 =	rddreg [dreg:$0x0];
	s2 =	stileid.u32  }
0xf8: {  	s1 =	rddreg [dreg:$0x1];
	p0 =	sne.s32 s2, $0x0  }
0xf9: {  	s3 =	rddreg [dreg:$0x2];
	[bflag:$0x3] =	sbarrier.arrive $0xFFFF;
	s2 =	simm.s32 @!p0 $0x1C07  }
0xfa: {  	[timem:s3], [sflag:s2] =	dma.local @!p0 [hbm:s0], s1  }
0xfb: {  	s0 =	simm.s32 @!p0 $0x7  }
0xfc: {  	_ =	swait.ge @!p0 [sflag:s0], s1  }
0xfd: {  	s1 =	ssub.s32 @!p0 $0x0, s1;
	[sflag:s0] =	ssyncset.done @!p0 $0x0  }
0xfe: {  	[sflag:s0] =	ssyncadd.s32 @!p0 s1  }
0xff: {  	[bflag:$0x3] =	sbarrier.arrive $0xFFFF  }
0x100: {  	_ =	shalt  }

</sc_bundles>
